<compile_context>
chip_gen: v7x
topology: tpu7x:2x2x1
jax: 0.10.2.dev20260603
libtpu: 0.0.44.dev20260713+nightly
codegen_flags: <defaults>
</compile_context>

<pallas_src>
import numpy as np
import jax
import jax.numpy as jnp
from jax import lax
from jax.experimental import pallas as pl
from jax.experimental.pallas import tpu as pltpu
from jax.experimental.pallas import tpu_sc as plsc

N = 10000
E = 320000
H = 128
NP = 10240
TRASH = N
NSUB = 16
K = 128
EP = 327680
NCHT = EP // K
NCHUNK = NCHT // NSUB
PER_TILE = EP // NSUB
RPT = NP // NSUB
BE = 2048
BN = 1000

_GAMMA = 10.0
_CENTERS = np.arange(0.0, 2.0, 0.1, dtype=np.float32)
_CL = np.zeros((1, 64), dtype=np.float32)
_CL[0, 19:39] = _CENTERS
_CL[0, 39:59] = _CENTERS


def _edge_feat_body(t_ref, w_ref, tab_ref, cl_ref, out_ref):
    t = t_ref[...]
    w = w_ref[...]
    lane = lax.broadcasted_iota(jnp.int32, (BE, 64), 1)
    cl = cl_ref[...]
    oh3 = (lane == t) & (lane < 3)
    wint = w.astype(jnp.int32)
    ohi = ((lane - 3) == wint) & (lane >= 3) & (lane < 19) & (t == 0)
    rbf = jnp.exp(-_GAMMA * (w - cl) ** 2)
    msk = ((lane >= 19) & (lane < 39) & (t == 1)) | (
        (lane >= 39) & (lane < 59) & (t == 2))
    feat = (oh3.astype(jnp.float32) + ohi.astype(jnp.float32)
            + rbf * msk.astype(jnp.float32))
    z = jnp.dot(feat, tab_ref[...], preferred_element_type=jnp.float32)
    s = jnp.sum(z * z, axis=1, keepdims=True)
    n = z * (1.0 / jnp.maximum(jnp.sqrt(s), 1e-12))
    out_ref[...] = jnp.where(n >= 0, n, 0.01 * n)


def _edge_feat(t2, w2, tab, interpret=False):
    return pl.pallas_call(
        _edge_feat_body,
        grid=(EP // BE,),
        in_specs=[
            pl.BlockSpec((BE, 1), lambda i: (i, 0)),
            pl.BlockSpec((BE, 1), lambda i: (i, 0)),
            pl.BlockSpec((64, H), lambda i: (0, 0)),
            pl.BlockSpec((1, 64), lambda i: (0, 0)),
        ],
        out_specs=pl.BlockSpec((BE, H), lambda i: (i, 0)),
        out_shape=jax.ShapeDtypeStruct((EP, H), jnp.float32),
        interpret=interpret,
    )(t2, w2, tab, jnp.asarray(_CL))


def _zero_rows(rows):
    def zr(r, carry):
        for j in range(H // 16):
            rows[r, pl.ds(j * 16, 16)] = jnp.zeros((16,), jnp.float32)
        return carry
    lax.fori_loop(0, K, zr, 0)


def _zero_table(sid, rows, tvec):
    def zloop(i, carry):
        pltpu.sync_copy(rows, tvec.at[pl.ds(sid * RPT + i * K, K)])
        return carry
    lax.fori_loop(0, RPT // K, zloop, 0)


def _pipe(nchunk, start_idx, wait_idx, start_rows, wait_rows, scatter):
    start_idx(0, 0)
    start_idx(1, 1)
    wait_idx(0, 0)
    start_rows(0, 0)
    wait_idx(1, 1)
    start_rows(1, 1)

    def body(i2, carry):
        a = 2 * i2
        b = a + 1
        na = lax.rem(a + 2, nchunk)
        nb = lax.rem(b + 2, nchunk)
        wait_rows(a, 0)
        scatter(a, 0)
        start_idx(na, 0)
        wait_idx(na, 0)
        start_rows(na, 0)
        wait_rows(b, 1)
        scatter(b, 1)
        start_idx(nb, 1)
        wait_idx(nb, 1)
        start_rows(nb, 1)
        return carry
    lax.fori_loop(0, nchunk // 2, body, 0)
    wait_rows(0, 0)
    wait_rows(1, 1)


def _conv_phase(sid, c, hcat, srcb, dstb, tvec, sidxs, didxs, rowss, semIs,
                semGs):
    base = c * EP + sid * PER_TILE

    def start_idx(i, sl):
        pltpu.async_copy(srcb.at[pl.ds(base + i * K, K)], sidxs[sl], semIs[sl])
        pltpu.async_copy(dstb.at[pl.ds(base + i * K, K)], didxs[sl], semIs[sl])

    def wait_idx(i, sl):
        pltpu.make_async_copy(srcb.at[pl.ds(base + i * K, K)], sidxs[sl],
                              semIs[sl]).wait()
        pltpu.make_async_copy(dstb.at[pl.ds(base + i * K, K)], didxs[sl],
                              semIs[sl]).wait()

    def start_rows(i, sl):
        pltpu.async_copy(hcat.at[sidxs[sl]], rowss[sl], semGs[sl])

    def wait_rows(i, sl):
        pltpu.make_async_copy(hcat.at[sidxs[sl]], rowss[sl], semGs[sl]).wait()

    def scatter(i, sl):
        pltpu.sync_copy(rowss[sl], tvec.at[didxs[sl]], add=True)

    _pipe(NCHUNK, start_idx, wait_idx, start_rows, wait_rows, scatter)


def _sc_main_body(hcat, srcb, dstb, xe, s0_out, bx_out, cnt_out,
                  sidxA, sidxB, didxA, didxB, rowsA, rowsB, cntp,
                  semIA, semIB, semGA, semGB, tvec):
    c = lax.axis_index("c")
    sid = lax.axis_index("s")
    wid = c * NSUB + sid
    base0 = sid * PER_TILE
    dbase = c * EP + sid * PER_TILE

    def zcnt(i, carry):
        cntp[pl.ds(i * 16, 16)] = jnp.zeros((16,), jnp.float32)
        return carry
    lax.fori_loop(0, NP // 16, zcnt, 0)

    _zero_rows(rowsA)
    _zero_table(sid, rowsA, tvec)
    plsc.subcore_barrier()
    _conv_phase(sid, c, hcat, srcb, dstb, tvec, (sidxA, sidxB),
                (didxA, didxB), (rowsA, rowsB), (semIA, semIB),
                (semGA, semGB))
    plsc.subcore_barrier()
    pltpu.sync_copy(tvec.at[pl.ds(sid * RPT, RPT)],
                    s0_out.at[c, pl.ds(sid * RPT, RPT)])
    plsc.subcore_barrier()

    _zero_rows(rowsA)
    _zero_table(sid, rowsA, tvec)
    plsc.subcore_barrier()
    ones16 = jnp.ones((16,), jnp.float32)
    didxs = (didxA, didxB)
    rowss = (rowsA, rowsB)
    semIs = (semIA, semIB)
    semGs = (semGA, semGB)

    def start_idx(i, sl):
        pltpu.async_copy(dstb.at[pl.ds(dbase + i * K, K)], didxs[sl],
                         semIs[sl])

    def wait_idx(i, sl):
        pltpu.make_async_copy(dstb.at[pl.ds(dbase + i * K, K)], didxs[sl],
                              semIs[sl]).wait()

    def start_rows(i, sl):
        pltpu.async_copy(xe.at[pl.ds(base0 + i * K, K)], rowss[sl], semGs[sl])

    def wait_rows(i, sl):
        pltpu.make_async_copy(xe.at[pl.ds(base0 + i * K, K)], rowss[sl],
                              semGs[sl]).wait()

    def scatter(i, sl):
        pltpu.sync_copy(rowss[sl], tvec.at[didxs[sl]], add=True)
        for j in range(K // 16):
            iv = didxs[sl][pl.ds(j * 16, 16)]
            plsc.addupdate_scatter(cntp, [iv], ones16)

    _pipe(NCHUNK, start_idx, wait_idx, start_rows, wait_rows, scatter)
    plsc.subcore_barrier()
    pltpu.sync_copy(tvec.at[pl.ds(sid * RPT, RPT)],
                    bx_out.at[c, pl.ds(sid * RPT, RPT)])
    pltpu.sync_copy(cntp, cnt_out.at[pl.ds(wid * NP, NP)])


def _sc_main(hcat, srcb, dstb, xe, interpret=False):
    return pl.kernel(
        _sc_main_body,
        out_type=[jax.ShapeDtypeStruct((2, NP, H), jnp.float32),
                  jax.ShapeDtypeStruct((2, NP, H), jnp.float32),
                  jax.ShapeDtypeStruct((32 * NP,), jnp.float32)],
        mesh=plsc.VectorSubcoreMesh(core_axis_name="c", subcore_axis_name="s",
                                    num_cores=2, num_subcores=NSUB),
        scratch_types=[pltpu.VMEM((K,), jnp.int32),
                       pltpu.VMEM((K,), jnp.int32),
                       pltpu.VMEM((K,), jnp.int32),
                       pltpu.VMEM((K,), jnp.int32),
                       pltpu.VMEM((K, H), jnp.float32),
                       pltpu.VMEM((K, H), jnp.float32),
                       pltpu.VMEM((NP,), jnp.float32),
                       pltpu.SemaphoreType.DMA,
                       pltpu.SemaphoreType.DMA,
                       pltpu.SemaphoreType.DMA,
                       pltpu.SemaphoreType.DMA,
                       pltpu.VMEM_SHARED((NP, H), jnp.float32)],
        compiler_params=pltpu.CompilerParams(needs_layout_passes=False),
        interpret=interpret,
    )(hcat, srcb, dstb, xe)


def _sc_conv_body(hcat, srcb, dstb, s_out,
                  sidxA, sidxB, didxA, didxB, rowsA, rowsB,
                  semIA, semIB, semGA, semGB, tvec):
    c = lax.axis_index("c")
    sid = lax.axis_index("s")
    _zero_rows(rowsA)
    _zero_table(sid, rowsA, tvec)
    plsc.subcore_barrier()
    _conv_phase(sid, c, hcat, srcb, dstb, tvec, (sidxA, sidxB),
                (didxA, didxB), (rowsA, rowsB), (semIA, semIB),
                (semGA, semGB))
    plsc.subcore_barrier()
    pltpu.sync_copy(tvec.at[pl.ds(sid * RPT, RPT)],
                    s_out.at[c, pl.ds(sid * RPT, RPT)])


def _sc_conv(hcat, srcb, dstb, interpret=False):
    return pl.kernel(
        _sc_conv_body,
        out_type=jax.ShapeDtypeStruct((2, NP, H), jnp.float32),
        mesh=plsc.VectorSubcoreMesh(core_axis_name="c", subcore_axis_name="s",
                                    num_cores=2, num_subcores=NSUB),
        scratch_types=[pltpu.VMEM((K,), jnp.int32),
                       pltpu.VMEM((K,), jnp.int32),
                       pltpu.VMEM((K,), jnp.int32),
                       pltpu.VMEM((K,), jnp.int32),
                       pltpu.VMEM((K, H), jnp.float32),
                       pltpu.VMEM((K, H), jnp.float32),
                       pltpu.SemaphoreType.DMA,
                       pltpu.SemaphoreType.DMA,
                       pltpu.SemaphoreType.DMA,
                       pltpu.SemaphoreType.DMA,
                       pltpu.VMEM_SHARED((NP, H), jnp.float32)],
        compiler_params=pltpu.CompilerParams(needs_layout_passes=False),
        interpret=interpret,
    )(hcat, srcb, dstb)


def _sc_main_mirror(hcat, srcb, dstb, xe):
    s2 = srcb.reshape(2, EP)
    d2 = dstb.reshape(2, EP)
    s0 = jnp.stack([jnp.zeros((NP, H), jnp.float32).at[d2[c]].add(
        jnp.take(hcat, s2[c], axis=0)) for c in range(2)])
    bx = jnp.stack([jnp.zeros((NP, H), jnp.float32).at[d2[c]].add(xe)
                    for c in range(2)])
    cnt = jnp.zeros((2, NSUB, NP), jnp.float32)
    for c in range(2):
        for t in range(NSUB):
            seg = d2[c, t * PER_TILE:(t + 1) * PER_TILE]
            cnt = cnt.at[c, t].add(jnp.zeros((NP,)).at[seg].add(1.0))
    return s0, bx, cnt.reshape(-1)


def _sc_conv_mirror(hcat, srcb, dstb):
    s2 = srcb.reshape(2, EP)
    d2 = dstb.reshape(2, EP)
    return jnp.stack([jnp.zeros((NP, H), jnp.float32).at[d2[c]].add(
        jnp.take(hcat, s2[c], axis=0)) for c in range(2)])


def _branch_msg(S_ref, Bx_ref, cnt_ref, h_ref, W_ref, b_ref):
    cnt = jnp.sum(cnt_ref[...], axis=1, keepdims=True)
    agg = (S_ref[...] + Bx_ref[...]) / jnp.maximum(cnt, 1.0)
    msg = agg + jnp.dot(h_ref[...], W_ref[...],
                        preferred_element_type=jnp.float32) + b_ref[...]
    s = jnp.sum(msg * msg, axis=1, keepdims=True)
    n = msg * (1.0 / jnp.maximum(jnp.sqrt(s), 1e-12))
    return jnp.where(n >= 0, n, 0.01 * n)


def _post_body(Ss, Bxs, cs, hs, Ws, bs, Sg, Bxg, cg, hg, Wg, bg, outs, outg):
    outs[...] = _branch_msg(Ss, Bxs, cs, hs, Ws, bs)
    outg[...] = _branch_msg(Sg, Bxg, cg, hg, Wg, bg)


def _final_body(Ss, Bxs, cs, hs, Ws, bs, Sg, Bxg, cg, hg, Wg, bg,
                cW1, cW2, cb, out):
    xs = _branch_msg(Ss, Bxs, cs, hs, Ws, bs)
    xg = _branch_msg(Sg, Bxg, cg, hg, Wg, bg)
    m = (jnp.dot(xs, cW1[...], preferred_element_type=jnp.float32)
         + jnp.dot(xg, cW2[...], preferred_element_type=jnp.float32)
         + cb[...])
    out[...] = jnp.where(m >= 0, m, 0.01 * m)


def _node_specs():
    blk = pl.BlockSpec((BN, H), lambda i: (i, 0))
    col = pl.BlockSpec((BN, NSUB), lambda i: (i, 0))
    mat = pl.BlockSpec((H, H), lambda i: (0, 0))
    vec = pl.BlockSpec((1, H), lambda i: (0, 0))
    return blk, col, mat, vec


def _post(Ss, Bxs, cs, hs, Ws, bs, Sg, Bxg, cg, hg, Wg, bg, interpret=False):
    blk, col, mat, vec = _node_specs()
    return pl.pallas_call(
        _post_body,
        grid=(N // BN,),
        in_specs=[blk, blk, col, blk, mat, vec] * 2,
        out_specs=[blk, blk],
        out_shape=[jax.ShapeDtypeStruct((N, H), jnp.float32)] * 2,
        interpret=interpret,
    )(Ss, Bxs, cs, hs, Ws, bs, Sg, Bxg, cg, hg, Wg, bg)


def _final(Ss, Bxs, cs, hs, Ws, bs, Sg, Bxg, cg, hg, Wg, bg,
           cW1, cW2, cb, interpret=False):
    blk, col, mat, vec = _node_specs()
    return pl.pallas_call(
        _final_body,
        grid=(N // BN,),
        in_specs=[blk, blk, col, blk, mat, vec] * 2 + [mat, mat, vec],
        out_specs=blk,
        out_shape=jax.ShapeDtypeStruct((N, H), jnp.float32),
        interpret=interpret,
    )(Ss, Bxs, cs, hs, Ws, bs, Sg, Bxg, cg, hg, Wg, bg, cW1, cW2, cb)


def _run(x, edge_index, edge_type, edge_type_list, edge_weight, rel_emb,
         int_emb, rbf1_W, rbf1_b, rbf2_W, rbf2_b, ee_W, ee_b,
         root0_W, root0_b, root1_W, root1_b, root2_W, root2_b,
         root3_W, root3_b, cat_W, cat_b, interpret=False):
    t = edge_type_list
    w = edge_weight
    src = edge_index[0]
    dst = edge_index[1]

    W1 = ee_W[:H]
    W2 = ee_W[H:]
    C = jnp.stack([
        rel_emb[0] @ W1 + ee_b,
        rel_emb[1] @ W1 + ee_b + rbf1_b @ W2,
        rel_emb[2] @ W1 + ee_b + rbf2_b @ W2,
    ])
    tab = jnp.concatenate(
        [C, int_emb @ W2, rbf1_W @ W2, rbf2_W @ W2,
         jnp.zeros((5, H), jnp.float32)], axis=0)

    prop = t == edge_type[0]
    sca = t == edge_type[1]
    grp = t == edge_type[2]
    pad = EP - E
    dst_s = jnp.where(prop | sca, dst, TRASH)
    dst_g = jnp.where(prop | grp, dst, TRASH)
    dpad = jnp.full((pad,), TRASH, jnp.int32)
    spad = jnp.zeros((pad,), jnp.int32)
    srcb = jnp.concatenate([src, spad, src + N, spad])
    dstb = jnp.concatenate([dst_s, dpad, dst_g, dpad])

    t2 = jnp.concatenate([t, jnp.ones((pad,), jnp.int32)]).reshape(EP, 1)
    w2 = jnp.concatenate([w, jnp.zeros((pad,), jnp.float32)]).reshape(EP, 1)

    x_edge = _edge_feat(t2, w2, tab, interpret)
    hcat0 = jnp.concatenate([x, x], axis=0)
    s0, bx, cnt = _sc_main(hcat0, srcb, dstb, x_edge, interpret)

    bx_s = bx[0, :N]
    bx_g = bx[1, :N]
    cntp = cnt.reshape(2, NSUB, NP)
    cnt_s = cntp[0, :, :N].T
    cnt_g = cntp[1, :, :N].T

    b0 = root0_b.reshape(1, H)
    b1 = root1_b.reshape(1, H)
    b2 = root2_b.reshape(1, H)
    b3 = root3_b.reshape(1, H)

    hs1, hg1 = _post(s0[0, :N], bx_s, cnt_s, x, root0_W, b0,
                     s0[1, :N], bx_g, cnt_g, x, root2_W, b2, interpret)

    hcat1 = jnp.concatenate([hs1, hg1], axis=0)
    s1 = _sc_conv(hcat1, srcb, dstb, interpret)
    out = _final(s1[0, :N], bx_s, cnt_s, hs1, root1_W, b1,
                 s1[1, :N], bx_g, cnt_g, hg1, root3_W, b3,
                 cat_W[:H], cat_W[H:], cat_b.reshape(1, H), interpret)
    return out


def kernel(x, edge_index, edge_type, edge_type_list, edge_weight, rel_emb,
           int_emb, rbf1_W, rbf1_b, rbf2_W, rbf2_b, ee_W, ee_b,
           root0_W, root0_b, root1_W, root1_b, root2_W, root2_b,
           root3_W, root3_b, cat_W, cat_b):
    return _run(x, edge_index, edge_type, edge_type_list, edge_weight,
                rel_emb, int_emb, rbf1_W, rbf1_b, rbf2_W, rbf2_b, ee_W, ee_b,
                root0_W, root0_b, root1_W, root1_b, root2_W, root2_b,
                root3_W, root3_b, cat_W, cat_b)

# --- scband reference (transcript-rebuilt; emitter-appended) ---
"""Pipeline reference for scband-hmrgnn-27084063768650 (READ-ONLY COPY).

The authoritative reference and input builder live on the scoring server;
editing this copy changes nothing except your own understanding.
"""

import jax, jax.numpy as jnp
import numpy as np

N = 10000
E = 320000
H = 128
NUM_EDGE_TYPE = 3
NUM_REL_ATTR = 16
NUM_LAYERS = 2
CENTERS = jnp.arange(0.0, 2.0, 0.1, dtype=jnp.float32)
GAMMA = 10.0


def setup_inputs(seed: int = 0):
    key = jax.random.key(seed)
    ks = jax.random.split(key, 32)
    s = 0.05
    inp = {}
    inp["x"] = jax.random.normal(ks[0], (N, H), dtype=jnp.float32)
    inp["edge_index"] = jax.random.randint(ks[1], (2, E), 0, N, dtype=jnp.int32)
    inp["edge_type"] = jnp.arange(NUM_EDGE_TYPE, dtype=jnp.int32)
    inp["edge_type_list"] = jax.random.randint(ks[2], (E,), 0, NUM_EDGE_TYPE, dtype=jnp.int32)
    inp["edge_weight"] = jax.random.uniform(ks[3], (E,), dtype=jnp.float32)
    inp["rel_emb"] = jax.random.normal(ks[4], (NUM_EDGE_TYPE + 1, H), dtype=jnp.float32) * s
    inp["int_emb"] = jax.random.normal(ks[5], (NUM_REL_ATTR, H), dtype=jnp.float32) * s
    inp["rbf1_W"] = jax.random.normal(ks[6], (20, H), dtype=jnp.float32) * s
    inp["rbf1_b"] = jnp.zeros((H,), dtype=jnp.float32)
    inp["rbf2_W"] = jax.random.normal(ks[7], (20, H), dtype=jnp.float32) * s
    inp["rbf2_b"] = jnp.zeros((H,), dtype=jnp.float32)
    inp["ee_W"] = jax.random.normal(ks[8], (2 * H, H), dtype=jnp.float32) * s
    inp["ee_b"] = jnp.zeros((H,), dtype=jnp.float32)
    for i in range(4):
        inp["root%d_W" % i] = jax.random.normal(ks[9 + i], (H, H), dtype=jnp.float32) * s
        inp["root%d_b" % i] = jnp.zeros((H,), dtype=jnp.float32)
    inp["cat_W"] = jax.random.normal(ks[13], (2 * H, H), dtype=jnp.float32) * s
    inp["cat_b"] = jnp.zeros((H,), dtype=jnp.float32)
    return inp


def _l2norm(v):
    return v / jnp.maximum(jnp.linalg.norm(v, axis=-1, keepdims=True), 1e-12)


def _forward(x, edge_weight, rel_emb, int_emb, rbf1_W, rbf1_b, rbf2_W, rbf2_b, ee_W, ee_b, root0_W, root0_b, root1_W, root1_b, root2_W, root2_b, root3_W, root3_b, cat_W, cat_b, edge_index, edge_type, edge_type_list):
    prop = edge_type_list == edge_type[0]
    sca = edge_type_list == edge_type[1]
    grp = edge_type_list == edge_type[2]
    x_edge_type = jnp.take(rel_emb, edge_type_list, axis=0)
    base = jax.lax.stop_gradient(x_edge_type)
    w_int = jax.lax.stop_gradient(edge_weight).astype(jnp.int32)
    int_attr = jnp.take(int_emb, w_int, axis=0)
    rbf = jnp.exp(-GAMMA * (edge_weight[:, None] - CENTERS[None, :]) ** 2)
    sca_attr = rbf @ rbf1_W + rbf1_b
    grp_attr = rbf @ rbf2_W + rbf2_b
    attr = jnp.where(prop[:, None], int_attr, base)
    attr = jnp.where(sca[:, None], sca_attr, attr)
    attr = jnp.where(grp[:, None], grp_attr, attr)
    x_edge = jnp.concatenate([x_edge_type, attr], axis=-1) @ ee_W + ee_b
    x_edge = jax.nn.leaky_relu(_l2norm(x_edge))
    src = edge_index[0]
    dst = edge_index[1]

    def conv(h, mask, Wr, br):
        m = (jnp.take(h, src, axis=0) + x_edge) * mask[:, None]
        ssum = jnp.zeros((N, H), h.dtype).at[dst].add(m)
        cnt = jnp.zeros((N,), h.dtype).at[dst].add(mask)
        agg = ssum / jnp.clip(cnt, 1.0)[:, None]
        msg = agg + h @ Wr + br
        return jax.nn.leaky_relu(_l2norm(msg))

    mask_s = jnp.logical_or(prop, sca).astype(x.dtype)
    mask_g = jnp.logical_or(prop, grp).astype(x.dtype)
    roots = [(root0_W, root0_b), (root1_W, root1_b), (root2_W, root2_b), (root3_W, root3_b)]
    x_s = x
    x_g = x
    for i in range(NUM_LAYERS):
        x_s = conv(x_s, mask_s, roots[i][0], roots[i][1])
        x_g = conv(x_g, mask_g, roots[i + NUM_EDGE_TYPE - 1][0], roots[i + NUM_EDGE_TYPE - 1][1])
    x_mol = jnp.concatenate([x_s, x_g], axis=1) @ cat_W + cat_b
    return jax.nn.leaky_relu(x_mol)


def reference(x, edge_index, edge_type, edge_type_list, edge_weight, rel_emb, int_emb, rbf1_W, rbf1_b, rbf2_W, rbf2_b, ee_W, ee_b, root0_W, root0_b, root1_W, root1_b, root2_W, root2_b, root3_W, root3_b, cat_W, cat_b):
    return _forward(x, edge_weight, rel_emb, int_emb, rbf1_W, rbf1_b, rbf2_W, rbf2_b, ee_W, ee_b, root0_W, root0_b, root1_W, root1_b, root2_W, root2_b, root3_W, root3_b, cat_W, cat_b, edge_index, edge_type, edge_type_list)

if __name__ == "__main__":
    import jax
    _d = setup_inputs()
    print(jax.jit(kernel)(*tuple(_d.values())))

</pallas_src>

<mosaic_0001>
#map = affine_map<(d0, d1) -> (0, 0)>
#map1 = affine_map<(d0, d1) -> (0)>
#map2 = affine_map<(d0, d1) -> (0, 0, 0)>
module attributes {stable_mosaic.version = 14 : i64} {
  func.func @_sc_main_body(%arg0: i32, %arg1: i32, %arg2: memref<20000x128xf32, #tpu.memory_space<hbm>>, %arg3: memref<655360xi32, #tpu.memory_space<hbm>>, %arg4: memref<655360xi32, #tpu.memory_space<hbm>>, %arg5: memref<327680x128xf32, #tpu.memory_space<hbm>>, %arg6: memref<2x10240x128xf32, #tpu.memory_space<hbm>>, %arg7: memref<2x10240x128xf32, #tpu.memory_space<hbm>>, %arg8: memref<327680xf32, #tpu.memory_space<hbm>>, %arg9: memref<128xi32, #tpu.memory_space<vmem>>, %arg10: memref<128xi32, #tpu.memory_space<vmem>>, %arg11: memref<128xi32, #tpu.memory_space<vmem>>, %arg12: memref<128xi32, #tpu.memory_space<vmem>>, %arg13: memref<128x128xf32, #tpu.memory_space<vmem>>, %arg14: memref<128x128xf32, #tpu.memory_space<vmem>>, %arg15: memref<10240xf32, #tpu.memory_space<vmem>>, %arg16: memref<!tpu.dma_semaphore, #tpu.memory_space<semaphore_mem>>, %arg17: memref<!tpu.dma_semaphore, #tpu.memory_space<semaphore_mem>>, %arg18: memref<!tpu.dma_semaphore, #tpu.memory_space<semaphore_mem>>, %arg19: memref<!tpu.dma_semaphore, #tpu.memory_space<semaphore_mem>>, %arg20: memref<10240x128xf32, #tpu.memory_space<vmem_shared>>) attributes {dimension_semantics = [#tpu.dimension_semantics<core_parallel>, #tpu.dimension_semantics<subcore_parallel>], iteration_bounds = array<i64: 2, 16>, scalar_prefetch = 0 : i64, scratch_operands = 12 : i64, tpu.core_type = #tpu.core_type<sc_vector_subcore>, window_params = [{transform_indices = #map}, {transform_indices = #map1}, {transform_indices = #map1}, {transform_indices = #map}, {transform_indices = #map2}, {transform_indices = #map2}, {transform_indices = #map1}]} {
    %mul3A = arith.constant 16 : i32
    %mul3A_0 = arith.muli %arg0, %mul3A : i32
    %add3A = arith.addi %mul3A_0, %arg1 : i32
    %mul3A_1 = arith.constant 20480 : i32
    %mul3A_2 = arith.muli %arg1, %mul3A_1 : i32
    %mul3A_3 = arith.constant 327680 : i32
    %mul3A_4 = arith.muli %arg0, %mul3A_3 : i32
    %mul3A_5 = arith.constant 20480 : i32
    %mul3A_6 = arith.muli %arg1, %mul3A_5 : i32
    %add3A_7 = arith.addi %mul3A_4, %mul3A_6 : i32
    %scan3A = arith.constant 0 : i32
    %scan3A_8 = arith.constant 0 : i32
    %scan3A_9 = arith.constant 640 : i32
    %scan3A_10 = arith.addi %scan3A_8, %scan3A_9 : i32
    %scan3A_11 = arith.constant 1 : i32
    scf.for %scan3A_151 = %scan3A_8 to %scan3A_10 step %scan3A_11  : i32 {
      %broadcast_in_dim3A_152 = arith.constant 0.000000e+00 : f32
      %broadcast_in_dim3A_153 = vector.broadcast %broadcast_in_dim3A_152 : f32 to vector<16xf32>
      %mul3A_154 = arith.constant 16 : i32
      %mul3A_155 = arith.muli %scan3A_151, %mul3A_154 : i32
      %swap3A = arith.index_cast %mul3A_155 : i32 to index
      %swap3A_156 = tpu.vector_load %arg15[%swap3A] {strides = array<i32>} : memref<10240xf32, #tpu.memory_space<vmem>>, vector<16xf32>,
      tpu.vector_store %arg15[%swap3A], %broadcast_in_dim3A_153 {strides = array<i32>} : memref<10240xf32, #tpu.memory_space<vmem>>, vector<16xf32>,
    }
    %scan3A_12 = arith.constant 640 : i32
    %scan3A_13 = arith.constant 0 : i32
    %scan3A_14 = arith.constant 0 : i32
    %scan3A_15 = arith.constant 128 : i32
    %scan3A_16 = arith.addi %scan3A_14, %scan3A_15 : i32
    %scan3A_17 = arith.constant 1 : i32
    scf.for %scan3A_151 = %scan3A_14 to %scan3A_16 step %scan3A_17  : i32 {
      %broadcast_in_dim3A_152 = arith.constant 0.000000e+00 : f32
      %broadcast_in_dim3A_153 = vector.broadcast %broadcast_in_dim3A_152 : f32 to vector<16xf32>
      %swap3A = arith.index_cast %scan3A_151 : i32 to index
      %swap3A_154 = arith.constant 0 : index
      %swap3A_155 = tpu.vector_load %arg13[%swap3A, %swap3A_154] {strides = array<i32>} : memref<128x128xf32, #tpu.memory_space<vmem>>, vector<16xf32>,
      tpu.vector_store %arg13[%swap3A, %swap3A_154], %broadcast_in_dim3A_153 {strides = array<i32>} : memref<128x128xf32, #tpu.memory_space<vmem>>, vector<16xf32>,
      %broadcast_in_dim3A_156 = arith.constant 0.000000e+00 : f32
      %broadcast_in_dim3A_157 = vector.broadcast %broadcast_in_dim3A_156 : f32 to vector<16xf32>
      %swap3A_158 = arith.index_cast %scan3A_151 : i32 to index
      %swap3A_159 = arith.constant 16 : index
      %swap3A_160 = tpu.vector_load %arg13[%swap3A_158, %swap3A_159] {strides = array<i32>} : memref<128x128xf32, #tpu.memory_space<vmem>>, vector<16xf32>,
      tpu.vector_store %arg13[%swap3A_158, %swap3A_159], %broadcast_in_dim3A_157 {strides = array<i32>} : memref<128x128xf32, #tpu.memory_space<vmem>>, vector<16xf32>,
      %broadcast_in_dim3A_161 = arith.constant 0.000000e+00 : f32
      %broadcast_in_dim3A_162 = vector.broadcast %broadcast_in_dim3A_161 : f32 to vector<16xf32>
      %swap3A_163 = arith.index_cast %scan3A_151 : i32 to index
      %swap3A_164 = arith.constant 32 : index
      %swap3A_165 = tpu.vector_load %arg13[%swap3A_163, %swap3A_164] {strides = array<i32>} : memref<128x128xf32, #tpu.memory_space<vmem>>, vector<16xf32>,
      tpu.vector_store %arg13[%swap3A_163, %swap3A_164], %broadcast_in_dim3A_162 {strides = array<i32>} : memref<128x128xf32, #tpu.memory_space<vmem>>, vector<16xf32>,
      %broadcast_in_dim3A_166 = arith.constant 0.000000e+00 : f32
      %broadcast_in_dim3A_167 = vector.broadcast %broadcast_in_dim3A_166 : f32 to vector<16xf32>
      %swap3A_168 = arith.index_cast %scan3A_151 : i32 to index
      %swap3A_169 = arith.constant 48 : index
      %swap3A_170 = tpu.vector_load %arg13[%swap3A_168, %swap3A_169] {strides = array<i32>} : memref<128x128xf32, #tpu.memory_space<vmem>>, vector<16xf32>,
      tpu.vector_store %arg13[%swap3A_168, %swap3A_169], %broadcast_in_dim3A_167 {strides = array<i32>} : memref<128x128xf32, #tpu.memory_space<vmem>>, vector<16xf32>,
      %broadcast_in_dim3A_171 = arith.constant 0.000000e+00 : f32
      %broadcast_in_dim3A_172 = vector.broadcast %broadcast_in_dim3A_171 : f32 to vector<16xf32>
      %swap3A_173 = arith.index_cast %scan3A_151 : i32 to index
      %swap3A_174 = arith.constant 64 : index
      %swap3A_175 = tpu.vector_load %arg13[%swap3A_173, %swap3A_174] {strides = array<i32>} : memref<128x128xf32, #tpu.memory_space<vmem>>, vector<16xf32>,
      tpu.vector_store %arg13[%swap3A_173, %swap3A_174], %broadcast_in_dim3A_172 {strides = array<i32>} : memref<128x128xf32, #tpu.memory_space<vmem>>, vector<16xf32>,
      %broadcast_in_dim3A_176 = arith.constant 0.000000e+00 : f32
      %broadcast_in_dim3A_177 = vector.broadcast %broadcast_in_dim3A_176 : f32 to vector<16xf32>
      %swap3A_178 = arith.index_cast %scan3A_151 : i32 to index
      %swap3A_179 = arith.constant 80 : index
      %swap3A_180 = tpu.vector_load %arg13[%swap3A_178, %swap3A_179] {strides = array<i32>} : memref<128x128xf32, #tpu.memory_space<vmem>>, vector<16xf32>,
      tpu.vector_store %arg13[%swap3A_178, %swap3A_179], %broadcast_in_dim3A_177 {strides = array<i32>} : memref<128x128xf32, #tpu.memory_space<vmem>>, vector<16xf32>,
      %broadcast_in_dim3A_181 = arith.constant 0.000000e+00 : f32
      %broadcast_in_dim3A_182 = vector.broadcast %broadcast_in_dim3A_181 : f32 to vector<16xf32>
      %swap3A_183 = arith.index_cast %scan3A_151 : i32 to index
      %swap3A_184 = arith.constant 96 : index
      %swap3A_185 = tpu.vector_load %arg13[%swap3A_183, %swap3A_184] {strides = array<i32>} : memref<128x128xf32, #tpu.memory_space<vmem>>, vector<16xf32>,
      tpu.vector_store %arg13[%swap3A_183, %swap3A_184], %broadcast_in_dim3A_182 {strides = array<i32>} : memref<128x128xf32, #tpu.memory_space<vmem>>, vector<16xf32>,
      %broadcast_in_dim3A_186 = arith.constant 0.000000e+00 : f32
      %broadcast_in_dim3A_187 = vector.broadcast %broadcast_in_dim3A_186 : f32 to vector<16xf32>
      %swap3A_188 = arith.index_cast %scan3A_151 : i32 to index
      %swap3A_189 = arith.constant 112 : index
      %swap3A_190 = tpu.vector_load %arg13[%swap3A_188, %swap3A_189] {strides = array<i32>} : memref<128x128xf32, #tpu.memory_space<vmem>>, vector<16xf32>,
      tpu.vector_store %arg13[%swap3A_188, %swap3A_189], %broadcast_in_dim3A_187 {strides = array<i32>} : memref<128x128xf32, #tpu.memory_space<vmem>>, vector<16xf32>,
    }
    %scan3A_18 = arith.constant 128 : i32
    %scan3A_19 = arith.constant 0 : i32
    %scan3A_20 = arith.constant 0 : i32
    %scan3A_21 = arith.constant 5 : i32
    %scan3A_22 = arith.addi %scan3A_20, %scan3A_21 : i32
    %scan3A_23 = arith.constant 1 : i32
    scf.for %scan3A_151 = %scan3A_20 to %scan3A_22 step %scan3A_23  : i32 {
      %mul3A_152 = arith.constant 640 : i32
      %mul3A_153 = arith.muli %arg1, %mul3A_152 : i32
      %mul3A_154 = arith.constant 128 : i32
      %mul3A_155 = arith.muli %scan3A_151, %mul3A_154 : i32
      %add3A_156 = arith.addi %mul3A_153, %mul3A_155 : i32
      "tpu.region"() ({
        %run_scoped3A = tpu.sem_alloc : memref<!tpu.dma_semaphore, #tpu.memory_space<semaphore_mem>>
        %dma_start3A_157 = arith.constant 0 : i32
        %dma_start3A_158 = tpu.memref_slice %arg20[%add3A_156, %dma_start3A_157] : memref<10240x128xf32, #tpu.memory_space<vmem_shared>> -> memref<128x128xf32, #tpu.memory_space<vmem_shared>>
        %dma_start3A_159 = arith.constant 0 : i32
        %dma_start3A_160 = tpu.memref_slice %arg20[%add3A_156, %dma_start3A_159] : memref<10240x128xf32, #tpu.memory_space<vmem_shared>> -> memref<128x128xf32, #tpu.memory_space<vmem_shared>>
        tpu.enqueue_dma source(%arg13 : memref<128x128xf32, #tpu.memory_space<vmem>>) target(%dma_start3A_160 : memref<128x128xf32, #tpu.memory_space<vmem_shared>>) target_semaphore(%run_scoped3A : memref<!tpu.dma_semaphore, #tpu.memory_space<semaphore_mem>>)
        %dma_wait3A_161 = arith.constant 0 : i32
        %dma_wait3A_162 = tpu.memref_slice %arg20[%add3A_156, %dma_wait3A_161] : memref<10240x128xf32, #tpu.memory_space<vmem_shared>> -> memref<128x128xf32, #tpu.memory_space<vmem_shared>>
        %dma_wait3A_163 = arith.constant 0 : i32
        %dma_wait3A_164 = tpu.memref_slice %arg20[%add3A_156, %dma_wait3A_163] : memref<10240x128xf32, #tpu.memory_space<vmem_shared>> -> memref<128x128xf32, #tpu.memory_space<vmem_shared>>
        tpu.wait_dma2 semaphore(%run_scoped3A : memref<!tpu.dma_semaphore, #tpu.memory_space<semaphore_mem>>) src(%arg13 : memref<128x128xf32, #tpu.memory_space<vmem>>) dst(%dma_wait3A_164 : memref<128x128xf32, #tpu.memory_space<vmem_shared>>)
        tpu.yield
      }) : () -> ()
    }
    %scan3A_24 = arith.constant 5 : i32
    %barrier3A = arith.constant 0 : index
    tpu.barrier barrier_id(%barrier3A)
    %mul3A_25 = arith.constant 327680 : i32
    %mul3A_26 = arith.muli %arg0, %mul3A_25 : i32
    %mul3A_27 = arith.constant 20480 : i32
    %mul3A_28 = arith.muli %arg1, %mul3A_27 : i32
    %add3A_29 = arith.addi %mul3A_26, %mul3A_28 : i32
    %add3A_30 = arith.constant 0 : i32
    %add3A_31 = arith.addi %add3A_29, %add3A_30 : i32
    %dma_start3A = tpu.memref_slice %arg3[%add3A_31] : memref<655360xi32, #tpu.memory_space<hbm>> -> memref<128xi32, #tpu.memory_space<hbm>>
    %dma_start3A_32 = tpu.memref_slice %arg3[%add3A_31] : memref<655360xi32, #tpu.memory_space<hbm>> -> memref<128xi32, #tpu.memory_space<hbm>>
    tpu.enqueue_dma source(%dma_start3A_32 : memref<128xi32, #tpu.memory_space<hbm>>) target(%arg9 : memref<128xi32, #tpu.memory_space<vmem>>) target_semaphore(%arg16 : memref<!tpu.dma_semaphore, #tpu.memory_space<semaphore_mem>>)
    %add3A_33 = arith.constant 0 : i32
    %add3A_34 = arith.addi %add3A_29, %add3A_33 : i32
    %dma_start3A_35 = tpu.memref_slice %arg4[%add3A_34] : memref<655360xi32, #tpu.memory_space<hbm>> -> memref<128xi32, #tpu.memory_space<hbm>>
    %dma_start3A_36 = tpu.memref_slice %arg4[%add3A_34] : memref<655360xi32, #tpu.memory_space<hbm>> -> memref<128xi32, #tpu.memory_space<hbm>>
    tpu.enqueue_dma source(%dma_start3A_36 : memref<128xi32, #tpu.memory_space<hbm>>) target(%arg11 : memref<128xi32, #tpu.memory_space<vmem>>) target_semaphore(%arg16 : memref<!tpu.dma_semaphore, #tpu.memory_space<semaphore_mem>>)
    %add3A_37 = arith.constant 128 : i32
    %add3A_38 = arith.addi %add3A_29, %add3A_37 : i32
    %dma_start3A_39 = tpu.memref_slice %arg3[%add3A_38] : memref<655360xi32, #tpu.memory_space<hbm>> -> memref<128xi32, #tpu.memory_space<hbm>>
    %dma_start3A_40 = tpu.memref_slice %arg3[%add3A_38] : memref<655360xi32, #tpu.memory_space<hbm>> -> memref<128xi32, #tpu.memory_space<hbm>>
    tpu.enqueue_dma source(%dma_start3A_40 : memref<128xi32, #tpu.memory_space<hbm>>) target(%arg10 : memref<128xi32, #tpu.memory_space<vmem>>) target_semaphore(%arg17 : memref<!tpu.dma_semaphore, #tpu.memory_space<semaphore_mem>>)
    %add3A_41 = arith.constant 128 : i32
    %add3A_42 = arith.addi %add3A_29, %add3A_41 : i32
    %dma_start3A_43 = tpu.memref_slice %arg4[%add3A_42] : memref<655360xi32, #tpu.memory_space<hbm>> -> memref<128xi32, #tpu.memory_space<hbm>>
    %dma_start3A_44 = tpu.memref_slice %arg4[%add3A_42] : memref<655360xi32, #tpu.memory_space<hbm>> -> memref<128xi32, #tpu.memory_space<hbm>>
    tpu.enqueue_dma source(%dma_start3A_44 : memref<128xi32, #tpu.memory_space<hbm>>) target(%arg12 : memref<128xi32, #tpu.memory_space<vmem>>) target_semaphore(%arg17 : memref<!tpu.dma_semaphore, #tpu.memory_space<semaphore_mem>>)
    %add3A_45 = arith.constant 0 : i32
    %add3A_46 = arith.addi %add3A_29, %add3A_45 : i32
    %dma_wait3A = tpu.memref_slice %arg3[%add3A_46] : memref<655360xi32, #tpu.memory_space<hbm>> -> memref<128xi32, #tpu.memory_space<hbm>>
    %dma_wait3A_47 = tpu.memref_slice %arg3[%add3A_46] : memref<655360xi32, #tpu.memory_space<hbm>> -> memref<128xi32, #tpu.memory_space<hbm>>
    tpu.wait_dma2 semaphore(%arg16 : memref<!tpu.dma_semaphore, #tpu.memory_space<semaphore_mem>>) src(%dma_wait3A_47 : memref<128xi32, #tpu.memory_space<hbm>>) dst(%arg9 : memref<128xi32, #tpu.memory_space<vmem>>)
    %add3A_48 = arith.constant 0 : i32
    %add3A_49 = arith.addi %add3A_29, %add3A_48 : i32
    %dma_wait3A_50 = tpu.memref_slice %arg4[%add3A_49] : memref<655360xi32, #tpu.memory_space<hbm>> -> memref<128xi32, #tpu.memory_space<hbm>>
    %dma_wait3A_51 = tpu.memref_slice %arg4[%add3A_49] : memref<655360xi32, #tpu.memory_space<hbm>> -> memref<128xi32, #tpu.memory_space<hbm>>
    tpu.wait_dma2 semaphore(%arg16 : memref<!tpu.dma_semaphore, #tpu.memory_space<semaphore_mem>>) src(%dma_wait3A_51 : memref<128xi32, #tpu.memory_space<hbm>>) dst(%arg11 : memref<128xi32, #tpu.memory_space<vmem>>)
    %dma_start3A_52 = arith.constant 0 : i32
    %dma_start3A_53 = arith.constant 0 : i32
    %dma_start3A_54 = tpu.memref_slice %arg2[%dma_start3A_52, %dma_start3A_53] : memref<20000x128xf32, #tpu.memory_space<hbm>> -> memref<20000x128xf32, #tpu.memory_space<hbm>>
    tpu.enqueue_indirect_dma source(%dma_start3A_54 : memref<20000x128xf32, #tpu.memory_space<hbm>>) target(%arg13 : memref<128x128xf32, #tpu.memory_space<vmem>>) offsets(%arg9 : memref<128xi32, #tpu.memory_space<vmem>>) semaphore(%arg18 : memref<!tpu.dma_semaphore, #tpu.memory_space<semaphore_mem>>)
    %add3A_55 = arith.constant 128 : i32
    %add3A_56 = arith.addi %add3A_29, %add3A_55 : i32
    %dma_wait3A_57 = tpu.memref_slice %arg3[%add3A_56] : memref<655360xi32, #tpu.memory_space<hbm>> -> memref<128xi32, #tpu.memory_space<hbm>>
    %dma_wait3A_58 = tpu.memref_slice %arg3[%add3A_56] : memref<655360xi32, #tpu.memory_space<hbm>> -> memref<128xi32, #tpu.memory_space<hbm>>
    tpu.wait_dma2 semaphore(%arg17 : memref<!tpu.dma_semaphore, #tpu.memory_space<semaphore_mem>>) src(%dma_wait3A_58 : memref<128xi32, #tpu.memory_space<hbm>>) dst(%arg10 : memref<128xi32, #tpu.memory_space<vmem>>)
    %add3A_59 = arith.constant 128 : i32
    %add3A_60 = arith.addi %add3A_29, %add3A_59 : i32
    %dma_wait3A_61 = tpu.memref_slice %arg4[%add3A_60] : memref<655360xi32, #tpu.memory_space<hbm>> -> memref<128xi32, #tpu.memory_space<hbm>>
    %dma_wait3A_62 = tpu.memref_slice %arg4[%add3A_60] : memref<655360xi32, #tpu.memory_space<hbm>> -> memref<128xi32, #tpu.memory_space<hbm>>
    tpu.wait_dma2 semaphore(%arg17 : memref<!tpu.dma_semaphore, #tpu.memory_space<semaphore_mem>>) src(%dma_wait3A_62 : memref<128xi32, #tpu.memory_space<hbm>>) dst(%arg12 : memref<128xi32, #tpu.memory_space<vmem>>)
    %dma_start3A_63 = arith.constant 0 : i32
    %dma_start3A_64 = arith.constant 0 : i32
    %dma_start3A_65 = tpu.memref_slice %arg2[%dma_start3A_63, %dma_start3A_64] : memref<20000x128xf32, #tpu.memory_space<hbm>> -> memref<20000x128xf32, #tpu.memory_space<hbm>>
    tpu.enqueue_indirect_dma source(%dma_start3A_65 : memref<20000x128xf32, #tpu.memory_space<hbm>>) target(%arg14 : memref<128x128xf32, #tpu.memory_space<vmem>>) offsets(%arg10 : memref<128xi32, #tpu.memory_space<vmem>>) semaphore(%arg19 : memref<!tpu.dma_semaphore, #tpu.memory_space<semaphore_mem>>)
    %scan3A_66 = arith.constant 0 : i32
    %scan3A_67 = arith.constant 0 : i32
    %scan3A_68 = arith.constant 80 : i32
    %scan3A_69 = arith.addi %scan3A_67, %scan3A_68 : i32
    %scan3A_70 = arith.constant 1 : i32
    scf.for %scan3A_151 = %scan3A_67 to %scan3A_69 step %scan3A_70  : i32 {
      %mul3A_152 = arith.constant 2 : i32
      %mul3A_153 = arith.muli %mul3A_152, %scan3A_151 : i32
      %add3A_154 = arith.constant 1 : i32
      %add3A_155 = arith.addi %mul3A_153, %add3A_154 : i32
      %add3A_156 = arith.constant 2 : i32
      %add3A_157 = arith.addi %mul3A_153, %add3A_156 : i32
      %rem3A = arith.constant 160 : i32
      %rem3A_158 = arith.remsi %add3A_157, %rem3A : i32
      %add3A_159 = arith.constant 2 : i32
      %add3A_160 = arith.addi %add3A_155, %add3A_159 : i32
      %rem3A_161 = arith.constant 160 : i32
      %rem3A_162 = arith.remsi %add3A_160, %rem3A_161 : i32
      %dma_wait3A_163 = arith.constant 0 : i32
      %dma_wait3A_164 = arith.constant 0 : i32
      %dma_wait3A_165 = tpu.memref_slice %arg2[%dma_wait3A_163, %dma_wait3A_164] : memref<20000x128xf32, #tpu.memory_space<hbm>> -> memref<20000x128xf32, #tpu.memory_space<hbm>>
      tpu.wait_indirect_dma semaphore(%arg18 : memref<!tpu.dma_semaphore, #tpu.memory_space<semaphore_mem>>) src(%dma_wait3A_165 : memref<20000x128xf32, #tpu.memory_space<hbm>>) dst(%arg13 : memref<128x128xf32, #tpu.memory_space<vmem>>)
      "tpu.region"() ({
        %run_scoped3A = tpu.sem_alloc : memref<!tpu.dma_semaphore, #tpu.memory_space<semaphore_mem>>
        %dma_start3A_215 = arith.constant 0 : i32
        %dma_start3A_216 = arith.constant 0 : i32
        %dma_start3A_217 = tpu.memref_slice %arg20[%dma_start3A_215, %dma_start3A_216] : memref<10240x128xf32, #tpu.memory_space<vmem_shared>> -> memref<10240x128xf32, #tpu.memory_space<vmem_shared>>
        tpu.enqueue_indirect_dma source(%arg13 : memref<128x128xf32, #tpu.memory_space<vmem>>) target(%dma_start3A_217 : memref<10240x128xf32, #tpu.memory_space<vmem_shared>>) offsets(%arg11 : memref<128xi32, #tpu.memory_space<vmem>>) semaphore(%run_scoped3A : memref<!tpu.dma_semaphore, #tpu.memory_space<semaphore_mem>>) {add = true}
        %dma_wait3A_218 = arith.constant 0 : i32
        %dma_wait3A_219 = arith.constant 0 : i32
        %dma_wait3A_220 = tpu.memref_slice %arg20[%dma_wait3A_218, %dma_wait3A_219] : memref<10240x128xf32, #tpu.memory_space<vmem_shared>> -> memref<10240x128xf32, #tpu.memory_space<vmem_shared>>
        tpu.wait_indirect_dma semaphore(%run_scoped3A : memref<!tpu.dma_semaphore, #tpu.memory_space<semaphore_mem>>) src(%arg13 : memref<128x128xf32, #tpu.memory_space<vmem>>) dst(%dma_wait3A_220 : memref<10240x128xf32, #tpu.memory_space<vmem_shared>>)
        tpu.yield
      }) : () -> ()
      %mul3A_166 = arith.constant 128 : i32
      %mul3A_167 = arith.muli %rem3A_158, %mul3A_166 : i32
      %add3A_168 = arith.addi %add3A_29, %mul3A_167 : i32
      %dma_start3A_169 = tpu.memref_slice %arg3[%add3A_168] : memref<655360xi32, #tpu.memory_space<hbm>> -> memref<128xi32, #tpu.memory_space<hbm>>
      %dma_start3A_170 = tpu.memref_slice %arg3[%add3A_168] : memref<655360xi32, #tpu.memory_space<hbm>> -> memref<128xi32, #tpu.memory_space<hbm>>
      tpu.enqueue_dma source(%dma_start3A_170 : memref<128xi32, #tpu.memory_space<hbm>>) target(%arg9 : memref<128xi32, #tpu.memory_space<vmem>>) target_semaphore(%arg16 : memref<!tpu.dma_semaphore, #tpu.memory_space<semaphore_mem>>)
      %mul3A_171 = arith.constant 128 : i32
      %mul3A_172 = arith.muli %rem3A_158, %mul3A_171 : i32
      %add3A_173 = arith.addi %add3A_29, %mul3A_172 : i32
      %dma_start3A_174 = tpu.memref_slice %arg4[%add3A_173] : memref<655360xi32, #tpu.memory_space<hbm>> -> memref<128xi32, #tpu.memory_space<hbm>>
      %dma_start3A_175 = tpu.memref_slice %arg4[%add3A_173] : memref<655360xi32, #tpu.memory_space<hbm>> -> memref<128xi32, #tpu.memory_space<hbm>>
      tpu.enqueue_dma source(%dma_start3A_175 : memref<128xi32, #tpu.memory_space<hbm>>) target(%arg11 : memref<128xi32, #tpu.memory_space<vmem>>) target_semaphore(%arg16 : memref<!tpu.dma_semaphore, #tpu.memory_space<semaphore_mem>>)
      %mul3A_176 = arith.constant 128 : i32
      %mul3A_177 = arith.muli %rem3A_158, %mul3A_176 : i32
      %add3A_178 = arith.addi %add3A_29, %mul3A_177 : i32
      %dma_wait3A_179 = tpu.memref_slice %arg3[%add3A_178] : memref<655360xi32, #tpu.memory_space<hbm>> -> memref<128xi32, #tpu.memory_space<hbm>>
      %dma_wait3A_180 = tpu.memref_slice %arg3[%add3A_178] : memref<655360xi32, #tpu.memory_space<hbm>> -> memref<128xi32, #tpu.memory_space<hbm>>
      tpu.wait_dma2 semaphore(%arg16 : memref<!tpu.dma_semaphore, #tpu.memory_space<semaphore_mem>>) src(%dma_wait3A_180 : memref<128xi32, #tpu.memory_space<hbm>>) dst(%arg9 : memref<128xi32, #tpu.memory_space<vmem>>)
      %mul3A_181 = arith.constant 128 : i32
      %mul3A_182 = arith.muli %rem3A_158, %mul3A_181 : i32
      %add3A_183 = arith.addi %add3A_29, %mul3A_182 : i32
      %dma_wait3A_184 = tpu.memref_slice %arg4[%add3A_183] : memref<655360xi32, #tpu.memory_space<hbm>> -> memref<128xi32, #tpu.memory_space<hbm>>
      %dma_wait3A_185 = tpu.memref_slice %arg4[%add3A_183] : memref<655360xi32, #tpu.memory_space<hbm>> -> memref<128xi32, #tpu.memory_space<hbm>>
      tpu.wait_dma2 semaphore(%arg16 : memref<!tpu.dma_semaphore, #tpu.memory_space<semaphore_mem>>) src(%dma_wait3A_185 : memref<128xi32, #tpu.memory_space<hbm>>) dst(%arg11 : memref<128xi32, #tpu.memory_space<vmem>>)
      %dma_start3A_186 = arith.constant 0 : i32
      %dma_start3A_187 = arith.constant 0 : i32
      %dma_start3A_188 = tpu.memref_slice %arg2[%dma_start3A_186, %dma_start3A_187] : memref<20000x128xf32, #tpu.memory_space<hbm>> -> memref<20000x128xf32, #tpu.memory_space<hbm>>
      tpu.enqueue_indirect_dma source(%dma_start3A_188 : memref<20000x128xf32, #tpu.memory_space<hbm>>) target(%arg13 : memref<128x128xf32, #tpu.memory_space<vmem>>) offsets(%arg9 : memref<128xi32, #tpu.memory_space<vmem>>) semaphore(%arg18 : memref<!tpu.dma_semaphore, #tpu.memory_space<semaphore_mem>>)
      %dma_wait3A_189 = arith.constant 0 : i32
      %dma_wait3A_190 = arith.constant 0 : i32
      %dma_wait3A_191 = tpu.memref_slice %arg2[%dma_wait3A_189, %dma_wait3A_190] : memref<20000x128xf32, #tpu.memory_space<hbm>> -> memref<20000x128xf32, #tpu.memory_space<hbm>>
      tpu.wait_indirect_dma semaphore(%arg19 : memref<!tpu.dma_semaphore, #tpu.memory_space<semaphore_mem>>) src(%dma_wait3A_191 : memref<20000x128xf32, #tpu.memory_space<hbm>>) dst(%arg14 : memref<128x128xf32, #tpu.memory_space<vmem>>)
      "tpu.region"() ({
        %run_scoped3A = tpu.sem_alloc : memref<!tpu.dma_semaphore, #tpu.memory_space<semaphore_mem>>
        %dma_start3A_215 = arith.constant 0 : i32
        %dma_start3A_216 = arith.constant 0 : i32
        %dma_start3A_217 = tpu.memref_slice %arg20[%dma_start3A_215, %dma_start3A_216] : memref<10240x128xf32, #tpu.memory_space<vmem_shared>> -> memref<10240x128xf32, #tpu.memory_space<vmem_shared>>
        tpu.enqueue_indirect_dma source(%arg14 : memref<128x128xf32, #tpu.memory_space<vmem>>) target(%dma_start3A_217 : memref<10240x128xf32, #tpu.memory_space<vmem_shared>>) offsets(%arg12 : memref<128xi32, #tpu.memory_space<vmem>>) semaphore(%run_scoped3A : memref<!tpu.dma_semaphore, #tpu.memory_space<semaphore_mem>>) {add = true}
        %dma_wait3A_218 = arith.constant 0 : i32
        %dma_wait3A_219 = arith.constant 0 : i32
        %dma_wait3A_220 = tpu.memref_slice %arg20[%dma_wait3A_218, %dma_wait3A_219] : memref<10240x128xf32, #tpu.memory_space<vmem_shared>> -> memref<10240x128xf32, #tpu.memory_space<vmem_shared>>
        tpu.wait_indirect_dma semaphore(%run_scoped3A : memref<!tpu.dma_semaphore, #tpu.memory_space<semaphore_mem>>) src(%arg14 : memref<128x128xf32, #tpu.memory_space<vmem>>) dst(%dma_wait3A_220 : memref<10240x128xf32, #tpu.memory_space<vmem_shared>>)
        tpu.yield
      }) : () -> ()
      %mul3A_192 = arith.constant 128 : i32
      %mul3A_193 = arith.muli %rem3A_162, %mul3A_192 : i32
      %add3A_194 = arith.addi %add3A_29, %mul3A_193 : i32
      %dma_start3A_195 = tpu.memref_slice %arg3[%add3A_194] : memref<655360xi32, #tpu.memory_space<hbm>> -> memref<128xi32, #tpu.memory_space<hbm>>
      %dma_start3A_196 = tpu.memref_slice %arg3[%add3A_194] : memref<655360xi32, #tpu.memory_space<hbm>> -> memref<128xi32, #tpu.memory_space<hbm>>
      tpu.enqueue_dma source(%dma_start3A_196 : memref<128xi32, #tpu.memory_space<hbm>>) target(%arg10 : memref<128xi32, #tpu.memory_space<vmem>>) target_semaphore(%arg17 : memref<!tpu.dma_semaphore, #tpu.memory_space<semaphore_mem>>)
      %mul3A_197 = arith.constant 128 : i32
      %mul3A_198 = arith.muli %rem3A_162, %mul3A_197 : i32
      %add3A_199 = arith.addi %add3A_29, %mul3A_198 : i32
      %dma_start3A_200 = tpu.memref_slice %arg4[%add3A_199] : memref<655360xi32, #tpu.memory_space<hbm>> -> memref<128xi32, #tpu.memory_space<hbm>>
      %dma_start3A_201 = tpu.memref_slice %arg4[%add3A_199] : memref<655360xi32, #tpu.memory_space<hbm>> -> memref<128xi32, #tpu.memory_space<hbm>>
      tpu.enqueue_dma source(%dma_start3A_201 : memref<128xi32, #tpu.memory_space<hbm>>) target(%arg12 : memref<128xi32, #tpu.memory_space<vmem>>) target_semaphore(%arg17 : memref<!tpu.dma_semaphore, #tpu.memory_space<semaphore_mem>>)
      %mul3A_202 = arith.constant 128 : i32
      %mul3A_203 = arith.muli %rem3A_162, %mul3A_202 : i32
      %add3A_204 = arith.addi %add3A_29, %mul3A_203 : i32
      %dma_wait3A_205 = tpu.memref_slice %arg3[%add3A_204] : memref<655360xi32, #tpu.memory_space<hbm>> -> memref<128xi32, #tpu.memory_space<hbm>>
      %dma_wait3A_206 = tpu.memref_slice %arg3[%add3A_204] : memref<655360xi32, #tpu.memory_space<hbm>> -> memref<128xi32, #tpu.memory_space<hbm>>
      tpu.wait_dma2 semaphore(%arg17 : memref<!tpu.dma_semaphore, #tpu.memory_space<semaphore_mem>>) src(%dma_wait3A_206 : memref<128xi32, #tpu.memory_space<hbm>>) dst(%arg10 : memref<128xi32, #tpu.memory_space<vmem>>)
      %mul3A_207 = arith.constant 128 : i32
      %mul3A_208 = arith.muli %rem3A_162, %mul3A_207 : i32
      %add3A_209 = arith.addi %add3A_29, %mul3A_208 : i32
      %dma_wait3A_210 = tpu.memref_slice %arg4[%add3A_209] : memref<655360xi32, #tpu.memory_space<hbm>> -> memref<128xi32, #tpu.memory_space<hbm>>
      %dma_wait3A_211 = tpu.memref_slice %arg4[%add3A_209] : memref<655360xi32, #tpu.memory_space<hbm>> -> memref<128xi32, #tpu.memory_space<hbm>>
      tpu.wait_dma2 semaphore(%arg17 : memref<!tpu.dma_semaphore, #tpu.memory_space<semaphore_mem>>) src(%dma_wait3A_211 : memref<128xi32, #tpu.memory_space<hbm>>) dst(%arg12 : memref<128xi32, #tpu.memory_space<vmem>>)
      %dma_start3A_212 = arith.constant 0 : i32
      %dma_start3A_213 = arith.constant 0 : i32
      %dma_start3A_214 = tpu.memref_slice %arg2[%dma_start3A_212, %dma_start3A_213] : memref<20000x128xf32, #tpu.memory_space<hbm>> -> memref<20000x128xf32, #tpu.memory_space<hbm>>
      tpu.enqueue_indirect_dma source(%dma_start3A_214 : memref<20000x128xf32, #tpu.memory_space<hbm>>) target(%arg14 : memref<128x128xf32, #tpu.memory_space<vmem>>) offsets(%arg10 : memref<128xi32, #tpu.memory_space<vmem>>) semaphore(%arg19 : memref<!tpu.dma_semaphore, #tpu.memory_space<semaphore_mem>>)
    }
    %scan3A_71 = arith.constant 80 : i32
    %dma_wait3A_72 = arith.constant 0 : i32
    %dma_wait3A_73 = arith.constant 0 : i32
    %dma_wait3A_74 = tpu.memref_slice %arg2[%dma_wait3A_72, %dma_wait3A_73] : memref<20000x128xf32, #tpu.memory_space<hbm>> -> memref<20000x128xf32, #tpu.memory_space<hbm>>
    tpu.wait_indirect_dma semaphore(%arg18 : memref<!tpu.dma_semaphore, #tpu.memory_space<semaphore_mem>>) src(%dma_wait3A_74 : memref<20000x128xf32, #tpu.memory_space<hbm>>) dst(%arg13 : memref<128x128xf32, #tpu.memory_space<vmem>>)
    %dma_wait3A_75 = arith.constant 0 : i32
    %dma_wait3A_76 = arith.constant 0 : i32
    %dma_wait3A_77 = tpu.memref_slice %arg2[%dma_wait3A_75, %dma_wait3A_76] : memref<20000x128xf32, #tpu.memory_space<hbm>> -> memref<20000x128xf32, #tpu.memory_space<hbm>>
    tpu.wait_indirect_dma semaphore(%arg19 : memref<!tpu.dma_semaphore, #tpu.memory_space<semaphore_mem>>) src(%dma_wait3A_77 : memref<20000x128xf32, #tpu.memory_space<hbm>>) dst(%arg14 : memref<128x128xf32, #tpu.memory_space<vmem>>)
    %barrier3A_78 = arith.constant 0 : index
    tpu.barrier barrier_id(%barrier3A_78)
    %mul3A_79 = arith.constant 640 : i32
    %mul3A_80 = arith.muli %arg1, %mul3A_79 : i32
    %mul3A_81 = arith.constant 640 : i32
    %mul3A_82 = arith.muli %arg1, %mul3A_81 : i32
    "tpu.region"() ({
      %run_scoped3A = tpu.sem_alloc : memref<!tpu.dma_semaphore, #tpu.memory_space<semaphore_mem>>
      %dma_start3A_151 = arith.constant 0 : i32
      %dma_start3A_152 = tpu.memref_slice %arg6[%arg0, %mul3A_82, %dma_start3A_151] : memref<2x10240x128xf32, #tpu.memory_space<hbm>> -> memref<1x640x128xf32, #tpu.memory_space<hbm>>
      %dma_start3A_153 = tpu.memref_squeeze %dma_start3A_152 : memref<1x640x128xf32, #tpu.memory_space<hbm>> -> memref<640x128xf32, #tpu.memory_space<hbm>>
      %dma_start3A_154 = arith.constant 0 : i32
      %dma_start3A_155 = tpu.memref_slice %arg20[%mul3A_80, %dma_start3A_154] : memref<10240x128xf32, #tpu.memory_space<vmem_shared>> -> memref<640x128xf32, #tpu.memory_space<vmem_shared>>
      tpu.enqueue_dma source(%dma_start3A_155 : memref<640x128xf32, #tpu.memory_space<vmem_shared>>) target(%dma_start3A_153 : memref<640x128xf32, #tpu.memory_space<hbm>>) target_semaphore(%run_scoped3A : memref<!tpu.dma_semaphore, #tpu.memory_space<semaphore_mem>>)
      %dma_wait3A_156 = arith.constant 0 : i32
      %dma_wait3A_157 = tpu.memref_slice %arg6[%arg0, %mul3A_82, %dma_wait3A_156] : memref<2x10240x128xf32, #tpu.memory_space<hbm>> -> memref<1x640x128xf32, #tpu.memory_space<hbm>>
      %dma_wait3A_158 = tpu.memref_squeeze %dma_wait3A_157 : memref<1x640x128xf32, #tpu.memory_space<hbm>> -> memref<640x128xf32, #tpu.memory_space<hbm>>
      %dma_wait3A_159 = arith.constant 0 : i32
      %dma_wait3A_160 = tpu.memref_slice %arg20[%mul3A_80, %dma_wait3A_159] : memref<10240x128xf32, #tpu.memory_space<vmem_shared>> -> memref<640x128xf32, #tpu.memory_space<vmem_shared>>
      tpu.wait_dma2 semaphore(%run_scoped3A : memref<!tpu.dma_semaphore, #tpu.memory_space<semaphore_mem>>) src(%dma_wait3A_160 : memref<640x128xf32, #tpu.memory_space<vmem_shared>>) dst(%dma_wait3A_158 : memref<640x128xf32, #tpu.memory_space<hbm>>)
      tpu.yield
    }) : () -> ()
    %barrier3A_83 = arith.constant 0 : index
    tpu.barrier barrier_id(%barrier3A_83)
    %scan3A_84 = arith.constant 0 : i32
    %scan3A_85 = arith.constant 0 : i32
    %scan3A_86 = arith.constant 128 : i32
    %scan3A_87 = arith.addi %scan3A_85, %scan3A_86 : i32
    %scan3A_88 = arith.constant 1 : i32
    scf.for %scan3A_151 = %scan3A_85 to %scan3A_87 step %scan3A_88  : i32 {
      %broadcast_in_dim3A_152 = arith.constant 0.000000e+00 : f32
      %broadcast_in_dim3A_153 = vector.broadcast %broadcast_in_dim3A_152 : f32 to vector<16xf32>
      %swap3A = arith.index_cast %scan3A_151 : i32 to index
      %swap3A_154 = arith.constant 0 : index
      %swap3A_155 = tpu.vector_load %arg13[%swap3A, %swap3A_154] {strides = array<i32>} : memref<128x128xf32, #tpu.memory_space<vmem>>, vector<16xf32>,
      tpu.vector_store %arg13[%swap3A, %swap3A_154], %broadcast_in_dim3A_153 {strides = array<i32>} : memref<128x128xf32, #tpu.memory_space<vmem>>, vector<16xf32>,
      %broadcast_in_dim3A_156 = arith.constant 0.000000e+00 : f32
      %broadcast_in_dim3A_157 = vector.broadcast %broadcast_in_dim3A_156 : f32 to vector<16xf32>
      %swap3A_158 = arith.index_cast %scan3A_151 : i32 to index
      %swap3A_159 = arith.constant 16 : index
      %swap3A_160 = tpu.vector_load %arg13[%swap3A_158, %swap3A_159] {strides = array<i32>} : memref<128x128xf32, #tpu.memory_space<vmem>>, vector<16xf32>,
      tpu.vector_store %arg13[%swap3A_158, %swap3A_159], %broadcast_in_dim3A_157 {strides = array<i32>} : memref<128x128xf32, #tpu.memory_space<vmem>>, vector<16xf32>,
      %broadcast_in_dim3A_161 = arith.constant 0.000000e+00 : f32
      %broadcast_in_dim3A_162 = vector.broadcast %broadcast_in_dim3A_161 : f32 to vector<16xf32>
      %swap3A_163 = arith.index_cast %scan3A_151 : i32 to index
      %swap3A_164 = arith.constant 32 : index
      %swap3A_165 = tpu.vector_load %arg13[%swap3A_163, %swap3A_164] {strides = array<i32>} : memref<128x128xf32, #tpu.memory_space<vmem>>, vector<16xf32>,
      tpu.vector_store %arg13[%swap3A_163, %swap3A_164], %broadcast_in_dim3A_162 {strides = array<i32>} : memref<128x128xf32, #tpu.memory_space<vmem>>, vector<16xf32>,
      %broadcast_in_dim3A_166 = arith.constant 0.000000e+00 : f32
      %broadcast_in_dim3A_167 = vector.broadcast %broadcast_in_dim3A_166 : f32 to vector<16xf32>
      %swap3A_168 = arith.index_cast %scan3A_151 : i32 to index
      %swap3A_169 = arith.constant 48 : index
      %swap3A_170 = tpu.vector_load %arg13[%swap3A_168, %swap3A_169] {strides = array<i32>} : memref<128x128xf32, #tpu.memory_space<vmem>>, vector<16xf32>,
      tpu.vector_store %arg13[%swap3A_168, %swap3A_169], %broadcast_in_dim3A_167 {strides = array<i32>} : memref<128x128xf32, #tpu.memory_space<vmem>>, vector<16xf32>,
      %broadcast_in_dim3A_171 = arith.constant 0.000000e+00 : f32
      %broadcast_in_dim3A_172 = vector.broadcast %broadcast_in_dim3A_171 : f32 to vector<16xf32>
      %swap3A_173 = arith.index_cast %scan3A_151 : i32 to index
      %swap3A_174 = arith.constant 64 : index
      %swap3A_175 = tpu.vector_load %arg13[%swap3A_173, %swap3A_174] {strides = array<i32>} : memref<128x128xf32, #tpu.memory_space<vmem>>, vector<16xf32>,
      tpu.vector_store %arg13[%swap3A_173, %swap3A_174], %broadcast_in_dim3A_172 {strides = array<i32>} : memref<128x128xf32, #tpu.memory_space<vmem>>, vector<16xf32>,
      %broadcast_in_dim3A_176 = arith.constant 0.000000e+00 : f32
      %broadcast_in_dim3A_177 = vector.broadcast %broadcast_in_dim3A_176 : f32 to vector<16xf32>
      %swap3A_178 = arith.index_cast %scan3A_151 : i32 to index
      %swap3A_179 = arith.constant 80 : index
      %swap3A_180 = tpu.vector_load %arg13[%swap3A_178, %swap3A_179] {strides = array<i32>} : memref<128x128xf32, #tpu.memory_space<vmem>>, vector<16xf32>,
      tpu.vector_store %arg13[%swap3A_178, %swap3A_179], %broadcast_in_dim3A_177 {strides = array<i32>} : memref<128x128xf32, #tpu.memory_space<vmem>>, vector<16xf32>,
      %broadcast_in_dim3A_181 = arith.constant 0.000000e+00 : f32
      %broadcast_in_dim3A_182 = vector.broadcast %broadcast_in_dim3A_181 : f32 to vector<16xf32>
      %swap3A_183 = arith.index_cast %scan3A_151 : i32 to index
      %swap3A_184 = arith.constant 96 : index
      %swap3A_185 = tpu.vector_load %arg13[%swap3A_183, %swap3A_184] {strides = array<i32>} : memref<128x128xf32, #tpu.memory_space<vmem>>, vector<16xf32>,
      tpu.vector_store %arg13[%swap3A_183, %swap3A_184], %broadcast_in_dim3A_182 {strides = array<i32>} : memref<128x128xf32, #tpu.memory_space<vmem>>, vector<16xf32>,
      %broadcast_in_dim3A_186 = arith.constant 0.000000e+00 : f32
      %broadcast_in_dim3A_187 = vector.broadcast %broadcast_in_dim3A_186 : f32 to vector<16xf32>
      %swap3A_188 = arith.index_cast %scan3A_151 : i32 to index
      %swap3A_189 = arith.constant 112 : index
      %swap3A_190 = tpu.vector_load %arg13[%swap3A_188, %swap3A_189] {strides = array<i32>} : memref<128x128xf32, #tpu.memory_space<vmem>>, vector<16xf32>,
      tpu.vector_store %arg13[%swap3A_188, %swap3A_189], %broadcast_in_dim3A_187 {strides = array<i32>} : memref<128x128xf32, #tpu.memory_space<vmem>>, vector<16xf32>,
    }
    %scan3A_89 = arith.constant 128 : i32
    %scan3A_90 = arith.constant 0 : i32
    %scan3A_91 = arith.constant 0 : i32
    %scan3A_92 = arith.constant 5 : i32
    %scan3A_93 = arith.addi %scan3A_91, %scan3A_92 : i32
    %scan3A_94 = arith.constant 1 : i32
    scf.for %scan3A_151 = %scan3A_91 to %scan3A_93 step %scan3A_94  : i32 {
      %mul3A_152 = arith.constant 640 : i32
      %mul3A_153 = arith.muli %arg1, %mul3A_152 : i32
      %mul3A_154 = arith.constant 128 : i32
      %mul3A_155 = arith.muli %scan3A_151, %mul3A_154 : i32
      %add3A_156 = arith.addi %mul3A_153, %mul3A_155 : i32
      "tpu.region"() ({
        %run_scoped3A = tpu.sem_alloc : memref<!tpu.dma_semaphore, #tpu.memory_space<semaphore_mem>>
        %dma_start3A_157 = arith.constant 0 : i32
        %dma_start3A_158 = tpu.memref_slice %arg20[%add3A_156, %dma_start3A_157] : memref<10240x128xf32, #tpu.memory_space<vmem_shared>> -> memref<128x128xf32, #tpu.memory_space<vmem_shared>>
        %dma_start3A_159 = arith.constant 0 : i32
        %dma_start3A_160 = tpu.memref_slice %arg20[%add3A_156, %dma_start3A_159] : memref<10240x128xf32, #tpu.memory_space<vmem_shared>> -> memref<128x128xf32, #tpu.memory_space<vmem_shared>>
        tpu.enqueue_dma source(%arg13 : memref<128x128xf32, #tpu.memory_space<vmem>>) target(%dma_start3A_160 : memref<128x128xf32, #tpu.memory_space<vmem_shared>>) target_semaphore(%run_scoped3A : memref<!tpu.dma_semaphore, #tpu.memory_space<semaphore_mem>>)
        %dma_wait3A_161 = arith.constant 0 : i32
        %dma_wait3A_162 = tpu.memref_slice %arg20[%add3A_156, %dma_wait3A_161] : memref<10240x128xf32, #tpu.memory_space<vmem_shared>> -> memref<128x128xf32, #tpu.memory_space<vmem_shared>>
        %dma_wait3A_163 = arith.constant 0 : i32
        %dma_wait3A_164 = tpu.memref_slice %arg20[%add3A_156, %dma_wait3A_163] : memref<10240x128xf32, #tpu.memory_space<vmem_shared>> -> memref<128x128xf32, #tpu.memory_space<vmem_shared>>
        tpu.wait_dma2 semaphore(%run_scoped3A : memref<!tpu.dma_semaphore, #tpu.memory_space<semaphore_mem>>) src(%arg13 : memref<128x128xf32, #tpu.memory_space<vmem>>) dst(%dma_wait3A_164 : memref<128x128xf32, #tpu.memory_space<vmem_shared>>)
        tpu.yield
      }) : () -> ()
    }
    %scan3A_95 = arith.constant 5 : i32
    %barrier3A_96 = arith.constant 0 : index
    tpu.barrier barrier_id(%barrier3A_96)
    %broadcast_in_dim3A = arith.constant 1.000000e+00 : f32
    %broadcast_in_dim3A_97 = vector.broadcast %broadcast_in_dim3A : f32 to vector<16xf32>
    %add3A_98 = arith.constant 0 : i32
    %add3A_99 = arith.addi %add3A_7, %add3A_98 : i32
    %dma_start3A_100 = tpu.memref_slice %arg4[%add3A_99] : memref<655360xi32, #tpu.memory_space<hbm>> -> memref<128xi32, #tpu.memory_space<hbm>>
    %dma_start3A_101 = tpu.memref_slice %arg4[%add3A_99] : memref<655360xi32, #tpu.memory_space<hbm>> -> memref<128xi32, #tpu.memory_space<hbm>>
    tpu.enqueue_dma source(%dma_start3A_101 : memref<128xi32, #tpu.memory_space<hbm>>) target(%arg11 : memref<128xi32, #tpu.memory_space<vmem>>) target_semaphore(%arg16 : memref<!tpu.dma_semaphore, #tpu.memory_space<semaphore_mem>>)
    %add3A_102 = arith.constant 128 : i32
    %add3A_103 = arith.addi %add3A_7, %add3A_102 : i32
    %dma_start3A_104 = tpu.memref_slice %arg4[%add3A_103] : memref<655360xi32, #tpu.memory_space<hbm>> -> memref<128xi32, #tpu.memory_space<hbm>>
    %dma_start3A_105 = tpu.memref_slice %arg4[%add3A_103] : memref<655360xi32, #tpu.memory_space<hbm>> -> memref<128xi32, #tpu.memory_space<hbm>>
    tpu.enqueue_dma source(%dma_start3A_105 : memref<128xi32, #tpu.memory_space<hbm>>) target(%arg12 : memref<128xi32, #tpu.memory_space<vmem>>) target_semaphore(%arg17 : memref<!tpu.dma_semaphore, #tpu.memory_space<semaphore_mem>>)
    %add3A_106 = arith.constant 0 : i32
    %add3A_107 = arith.addi %add3A_7, %add3A_106 : i32
    %dma_wait3A_108 = tpu.memref_slice %arg4[%add3A_107] : memref<655360xi32, #tpu.memory_space<hbm>> -> memref<128xi32, #tpu.memory_space<hbm>>
    %dma_wait3A_109 = tpu.memref_slice %arg4[%add3A_107] : memref<655360xi32, #tpu.memory_space<hbm>> -> memref<128xi32, #tpu.memory_space<hbm>>
    tpu.wait_dma2 semaphore(%arg16 : memref<!tpu.dma_semaphore, #tpu.memory_space<semaphore_mem>>) src(%dma_wait3A_109 : memref<128xi32, #tpu.memory_space<hbm>>) dst(%arg11 : memref<128xi32, #tpu.memory_space<vmem>>)
    %add3A_110 = arith.constant 0 : i32
    %add3A_111 = arith.addi %mul3A_2, %add3A_110 : i32
    %dma_start3A_112 = arith.constant 0 : i32
    %dma_start3A_113 = tpu.memref_slice %arg5[%add3A_111, %dma_start3A_112] : memref<327680x128xf32, #tpu.memory_space<hbm>> -> memref<128x128xf32, #tpu.memory_space<hbm>>
    %dma_start3A_114 = arith.constant 0 : i32
    %dma_start3A_115 = tpu.memref_slice %arg5[%add3A_111, %dma_start3A_114] : memref<327680x128xf32, #tpu.memory_space<hbm>> -> memref<128x128xf32, #tpu.memory_space<hbm>>
    tpu.enqueue_dma source(%dma_start3A_115 : memref<128x128xf32, #tpu.memory_space<hbm>>) target(%arg13 : memref<128x128xf32, #tpu.memory_space<vmem>>) target_semaphore(%arg18 : memref<!tpu.dma_semaphore, #tpu.memory_space<semaphore_mem>>)
    %add3A_116 = arith.constant 128 : i32
    %add3A_117 = arith.addi %add3A_7, %add3A_116 : i32
    %dma_wait3A_118 = tpu.memref_slice %arg4[%add3A_117] : memref<655360xi32, #tpu.memory_space<hbm>> -> memref<128xi32, #tpu.memory_space<hbm>>
    %dma_wait3A_119 = tpu.memref_slice %arg4[%add3A_117] : memref<655360xi32, #tpu.memory_space<hbm>> -> memref<128xi32, #tpu.memory_space<hbm>>
    tpu.wait_dma2 semaphore(%arg17 : memref<!tpu.dma_semaphore, #tpu.memory_space<semaphore_mem>>) src(%dma_wait3A_119 : memref<128xi32, #tpu.memory_space<hbm>>) dst(%arg12 : memref<128xi32, #tpu.memory_space<vmem>>)
    %add3A_120 = arith.constant 128 : i32
    %add3A_121 = arith.addi %mul3A_2, %add3A_120 : i32
    %dma_start3A_122 = arith.constant 0 : i32
    %dma_start3A_123 = tpu.memref_slice %arg5[%add3A_121, %dma_start3A_122] : memref<327680x128xf32, #tpu.memory_space<hbm>> -> memref<128x128xf32, #tpu.memory_space<hbm>>
    %dma_start3A_124 = arith.constant 0 : i32
    %dma_start3A_125 = tpu.memref_slice %arg5[%add3A_121, %dma_start3A_124] : memref<327680x128xf32, #tpu.memory_space<hbm>> -> memref<128x128xf32, #tpu.memory_space<hbm>>
    tpu.enqueue_dma source(%dma_start3A_125 : memref<128x128xf32, #tpu.memory_space<hbm>>) target(%arg14 : memref<128x128xf32, #tpu.memory_space<vmem>>) target_semaphore(%arg19 : memref<!tpu.dma_semaphore, #tpu.memory_space<semaphore_mem>>)
    %scan3A_126 = arith.constant 0 : i32
    %scan3A_127 = arith.constant 0 : i32
    %scan3A_128 = arith.constant 80 : i32
    %scan3A_129 = arith.addi %scan3A_127, %scan3A_128 : i32
    %scan3A_130 = arith.constant 1 : i32
    scf.for %scan3A_151 = %scan3A_127 to %scan3A_129 step %scan3A_130  : i32 {
      %mul3A_152 = arith.constant 2 : i32
      %mul3A_153 = arith.muli %mul3A_152, %scan3A_151 : i32
      %add3A_154 = arith.constant 1 : i32
      %add3A_155 = arith.addi %mul3A_153, %add3A_154 : i32
      %add3A_156 = arith.constant 2 : i32
      %add3A_157 = arith.addi %mul3A_153, %add3A_156 : i32
      %rem3A = arith.constant 160 : i32
      %rem3A_158 = arith.remsi %add3A_157, %rem3A : i32
      %add3A_159 = arith.constant 2 : i32
      %add3A_160 = arith.addi %add3A_155, %add3A_159 : i32
      %rem3A_161 = arith.constant 160 : i32
      %rem3A_162 = arith.remsi %add3A_160, %rem3A_161 : i32
      %mul3A_163 = arith.constant 128 : i32
      %mul3A_164 = arith.muli %mul3A_153, %mul3A_163 : i32
      %add3A_165 = arith.addi %mul3A_2, %mul3A_164 : i32
      %dma_wait3A_166 = arith.constant 0 : i32
      %dma_wait3A_167 = tpu.memref_slice %arg5[%add3A_165, %dma_wait3A_166] : memref<327680x128xf32, #tpu.memory_space<hbm>> -> memref<128x128xf32, #tpu.memory_space<hbm>>
      %dma_wait3A_168 = arith.constant 0 : i32
      %dma_wait3A_169 = tpu.memref_slice %arg5[%add3A_165, %dma_wait3A_168] : memref<327680x128xf32, #tpu.memory_space<hbm>> -> memref<128x128xf32, #tpu.memory_space<hbm>>
      tpu.wait_dma2 semaphore(%arg18 : memref<!tpu.dma_semaphore, #tpu.memory_space<semaphore_mem>>) src(%dma_wait3A_169 : memref<128x128xf32, #tpu.memory_space<hbm>>) dst(%arg13 : memref<128x128xf32, #tpu.memory_space<vmem>>)
      "tpu.region"() ({
        %run_scoped3A = tpu.sem_alloc : memref<!tpu.dma_semaphore, #tpu.memory_space<semaphore_mem>>
        %dma_start3A_242 = arith.constant 0 : i32
        %dma_start3A_243 = arith.constant 0 : i32
        %dma_start3A_244 = tpu.memref_slice %arg20[%dma_start3A_242, %dma_start3A_243] : memref<10240x128xf32, #tpu.memory_space<vmem_shared>> -> memref<10240x128xf32, #tpu.memory_space<vmem_shared>>
        tpu.enqueue_indirect_dma source(%arg13 : memref<128x128xf32, #tpu.memory_space<vmem>>) target(%dma_start3A_244 : memref<10240x128xf32, #tpu.memory_space<vmem_shared>>) offsets(%arg11 : memref<128xi32, #tpu.memory_space<vmem>>) semaphore(%run_scoped3A : memref<!tpu.dma_semaphore, #tpu.memory_space<semaphore_mem>>) {add = true}
        %dma_wait3A_245 = arith.constant 0 : i32
        %dma_wait3A_246 = arith.constant 0 : i32
        %dma_wait3A_247 = tpu.memref_slice %arg20[%dma_wait3A_245, %dma_wait3A_246] : memref<10240x128xf32, #tpu.memory_space<vmem_shared>> -> memref<10240x128xf32, #tpu.memory_space<vmem_shared>>
        tpu.wait_indirect_dma semaphore(%run_scoped3A : memref<!tpu.dma_semaphore, #tpu.memory_space<semaphore_mem>>) src(%arg13 : memref<128x128xf32, #tpu.memory_space<vmem>>) dst(%dma_wait3A_247 : memref<10240x128xf32, #tpu.memory_space<vmem_shared>>)
        tpu.yield
      }) : () -> ()
      %get3A = arith.constant 0 : index
      %get3A_170 = tpu.vector_load %arg11[%get3A] {strides = array<i32>} : memref<128xi32, #tpu.memory_space<vmem>>, vector<16xi32>,
      tpu.vector_store_idx %arg15[%get3A_170], %broadcast_in_dim3A_97 {add = true} : memref<10240xf32, #tpu.memory_space<vmem>>[vector<16xi32>], vector<16xf32>,
      %get3A_171 = arith.constant 16 : index
      %get3A_172 = tpu.vector_load %arg11[%get3A_171] {strides = array<i32>} : memref<128xi32, #tpu.memory_space<vmem>>, vector<16xi32>,
      tpu.vector_store_idx %arg15[%get3A_172], %broadcast_in_dim3A_97 {add = true} : memref<10240xf32, #tpu.memory_space<vmem>>[vector<16xi32>], vector<16xf32>,
      %get3A_173 = arith.constant 32 : index
      %get3A_174 = tpu.vector_load %arg11[%get3A_173] {strides = array<i32>} : memref<128xi32, #tpu.memory_space<vmem>>, vector<16xi32>,
      tpu.vector_store_idx %arg15[%get3A_174], %broadcast_in_dim3A_97 {add = true} : memref<10240xf32, #tpu.memory_space<vmem>>[vector<16xi32>], vector<16xf32>,
      %get3A_175 = arith.constant 48 : index
      %get3A_176 = tpu.vector_load %arg11[%get3A_175] {strides = array<i32>} : memref<128xi32, #tpu.memory_space<vmem>>, vector<16xi32>,
      tpu.vector_store_idx %arg15[%get3A_176], %broadcast_in_dim3A_97 {add = true} : memref<10240xf32, #tpu.memory_space<vmem>>[vector<16xi32>], vector<16xf32>,
      %get3A_177 = arith.constant 64 : index
      %get3A_178 = tpu.vector_load %arg11[%get3A_177] {strides = array<i32>} : memref<128xi32, #tpu.memory_space<vmem>>, vector<16xi32>,
      tpu.vector_store_idx %arg15[%get3A_178], %broadcast_in_dim3A_97 {add = true} : memref<10240xf32, #tpu.memory_space<vmem>>[vector<16xi32>], vector<16xf32>,
      %get3A_179 = arith.constant 80 : index
      %get3A_180 = tpu.vector_load %arg11[%get3A_179] {strides = array<i32>} : memref<128xi32, #tpu.memory_space<vmem>>, vector<16xi32>,
      tpu.vector_store_idx %arg15[%get3A_180], %broadcast_in_dim3A_97 {add = true} : memref<10240xf32, #tpu.memory_space<vmem>>[vector<16xi32>], vector<16xf32>,
      %get3A_181 = arith.constant 96 : index
      %get3A_182 = tpu.vector_load %arg11[%get3A_181] {strides = array<i32>} : memref<128xi32, #tpu.memory_space<vmem>>, vector<16xi32>,
      tpu.vector_store_idx %arg15[%get3A_182], %broadcast_in_dim3A_97 {add = true} : memref<10240xf32, #tpu.memory_space<vmem>>[vector<16xi32>], vector<16xf32>,
      %get3A_183 = arith.constant 112 : index
      %get3A_184 = tpu.vector_load %arg11[%get3A_183] {strides = array<i32>} : memref<128xi32, #tpu.memory_space<vmem>>, vector<16xi32>,
      tpu.vector_store_idx %arg15[%get3A_184], %broadcast_in_dim3A_97 {add = true} : memref<10240xf32, #tpu.memory_space<vmem>>[vector<16xi32>], vector<16xf32>,
      %mul3A_185 = arith.constant 128 : i32
      %mul3A_186 = arith.muli %rem3A_158, %mul3A_185 : i32
      %add3A_187 = arith.addi %add3A_7, %mul3A_186 : i32
      %dma_start3A_188 = tpu.memref_slice %arg4[%add3A_187] : memref<655360xi32, #tpu.memory_space<hbm>> -> memref<128xi32, #tpu.memory_space<hbm>>
      %dma_start3A_189 = tpu.memref_slice %arg4[%add3A_187] : memref<655360xi32, #tpu.memory_space<hbm>> -> memref<128xi32, #tpu.memory_space<hbm>>
      tpu.enqueue_dma source(%dma_start3A_189 : memref<128xi32, #tpu.memory_space<hbm>>) target(%arg11 : memref<128xi32, #tpu.memory_space<vmem>>) target_semaphore(%arg16 : memref<!tpu.dma_semaphore, #tpu.memory_space<semaphore_mem>>)
      %mul3A_190 = arith.constant 128 : i32
      %mul3A_191 = arith.muli %rem3A_158, %mul3A_190 : i32
      %add3A_192 = arith.addi %add3A_7, %mul3A_191 : i32
      %dma_wait3A_193 = tpu.memref_slice %arg4[%add3A_192] : memref<655360xi32, #tpu.memory_space<hbm>> -> memref<128xi32, #tpu.memory_space<hbm>>
      %dma_wait3A_194 = tpu.memref_slice %arg4[%add3A_192] : memref<655360xi32, #tpu.memory_space<hbm>> -> memref<128xi32, #tpu.memory_space<hbm>>
      tpu.wait_dma2 semaphore(%arg16 : memref<!tpu.dma_semaphore, #tpu.memory_space<semaphore_mem>>) src(%dma_wait3A_194 : memref<128xi32, #tpu.memory_space<hbm>>) dst(%arg11 : memref<128xi32, #tpu.memory_space<vmem>>)
      %mul3A_195 = arith.constant 128 : i32
      %mul3A_196 = arith.muli %rem3A_158, %mul3A_195 : i32
      %add3A_197 = arith.addi %mul3A_2, %mul3A_196 : i32
      %dma_start3A_198 = arith.constant 0 : i32
      %dma_start3A_199 = tpu.memref_slice %arg5[%add3A_197, %dma_start3A_198] : memref<327680x128xf32, #tpu.memory_space<hbm>> -> memref<128x128xf32, #tpu.memory_space<hbm>>
      %dma_start3A_200 = arith.constant 0 : i32
      %dma_start3A_201 = tpu.memref_slice %arg5[%add3A_197, %dma_start3A_200] : memref<327680x128xf32, #tpu.memory_space<hbm>> -> memref<128x128xf32, #tpu.memory_space<hbm>>
      tpu.enqueue_dma source(%dma_start3A_201 : memref<128x128xf32, #tpu.memory_space<hbm>>) target(%arg13 : memref<128x128xf32, #tpu.memory_space<vmem>>) target_semaphore(%arg18 : memref<!tpu.dma_semaphore, #tpu.memory_space<semaphore_mem>>)
      %mul3A_202 = arith.constant 128 : i32
      %mul3A_203 = arith.muli %add3A_155, %mul3A_202 : i32
      %add3A_204 = arith.addi %mul3A_2, %mul3A_203 : i32
      %dma_wait3A_205 = arith.constant 0 : i32
      %dma_wait3A_206 = tpu.memref_slice %arg5[%add3A_204, %dma_wait3A_205] : memref<327680x128xf32, #tpu.memory_space<hbm>> -> memref<128x128xf32, #tpu.memory_space<hbm>>
      %dma_wait3A_207 = arith.constant 0 : i32
      %dma_wait3A_208 = tpu.memref_slice %arg5[%add3A_204, %dma_wait3A_207] : memref<327680x128xf32, #tpu.memory_space<hbm>> -> memref<128x128xf32, #tpu.memory_space<hbm>>
      tpu.wait_dma2 semaphore(%arg19 : memref<!tpu.dma_semaphore, #tpu.memory_space<semaphore_mem>>) src(%dma_wait3A_208 : memref<128x128xf32, #tpu.memory_space<hbm>>) dst(%arg14 : memref<128x128xf32, #tpu.memory_space<vmem>>)
      "tpu.region"() ({
        %run_scoped3A = tpu.sem_alloc : memref<!tpu.dma_semaphore, #tpu.memory_space<semaphore_mem>>
        %dma_start3A_242 = arith.constant 0 : i32
        %dma_start3A_243 = arith.constant 0 : i32
        %dma_start3A_244 = tpu.memref_slice %arg20[%dma_start3A_242, %dma_start3A_243] : memref<10240x128xf32, #tpu.memory_space<vmem_shared>> -> memref<10240x128xf32, #tpu.memory_space<vmem_shared>>
        tpu.enqueue_indirect_dma source(%arg14 : memref<128x128xf32, #tpu.memory_space<vmem>>) target(%dma_start3A_244 : memref<10240x128xf32, #tpu.memory_space<vmem_shared>>) offsets(%arg12 : memref<128xi32, #tpu.memory_space<vmem>>) semaphore(%run_scoped3A : memref<!tpu.dma_semaphore, #tpu.memory_space<semaphore_mem>>) {add = true}
        %dma_wait3A_245 = arith.constant 0 : i32
        %dma_wait3A_246 = arith.constant 0 : i32
        %dma_wait3A_247 = tpu.memref_slice %arg20[%dma_wait3A_245, %dma_wait3A_246] : memref<10240x128xf32, #tpu.memory_space<vmem_shared>> -> memref<10240x128xf32, #tpu.memory_space<vmem_shared>>
        tpu.wait_indirect_dma semaphore(%run_scoped3A : memref<!tpu.dma_semaphore, #tpu.memory_space<semaphore_mem>>) src(%arg14 : memref<128x128xf32, #tpu.memory_space<vmem>>) dst(%dma_wait3A_247 : memref<10240x128xf32, #tpu.memory_space<vmem_shared>>)
        tpu.yield
      }) : () -> ()
      %get3A_209 = arith.constant 0 : index
      %get3A_210 = tpu.vector_load %arg12[%get3A_209] {strides = array<i32>} : memref<128xi32, #tpu.memory_space<vmem>>, vector<16xi32>,
      tpu.vector_store_idx %arg15[%get3A_210], %broadcast_in_dim3A_97 {add = true} : memref<10240xf32, #tpu.memory_space<vmem>>[vector<16xi32>], vector<16xf32>,
      %get3A_211 = arith.constant 16 : index
      %get3A_212 = tpu.vector_load %arg12[%get3A_211] {strides = array<i32>} : memref<128xi32, #tpu.memory_space<vmem>>, vector<16xi32>,
      tpu.vector_store_idx %arg15[%get3A_212], %broadcast_in_dim3A_97 {add = true} : memref<10240xf32, #tpu.memory_space<vmem>>[vector<16xi32>], vector<16xf32>,
      %get3A_213 = arith.constant 32 : index
      %get3A_214 = tpu.vector_load %arg12[%get3A_213] {strides = array<i32>} : memref<128xi32, #tpu.memory_space<vmem>>, vector<16xi32>,
      tpu.vector_store_idx %arg15[%get3A_214], %broadcast_in_dim3A_97 {add = true} : memref<10240xf32, #tpu.memory_space<vmem>>[vector<16xi32>], vector<16xf32>,
      %get3A_215 = arith.constant 48 : index
      %get3A_216 = tpu.vector_load %arg12[%get3A_215] {strides = array<i32>} : memref<128xi32, #tpu.memory_space<vmem>>, vector<16xi32>,
      tpu.vector_store_idx %arg15[%get3A_216], %broadcast_in_dim3A_97 {add = true} : memref<10240xf32, #tpu.memory_space<vmem>>[vector<16xi32>], vector<16xf32>,
      %get3A_217 = arith.constant 64 : index
      %get3A_218 = tpu.vector_load %arg12[%get3A_217] {strides = array<i32>} : memref<128xi32, #tpu.memory_space<vmem>>, vector<16xi32>,
      tpu.vector_store_idx %arg15[%get3A_218], %broadcast_in_dim3A_97 {add = true} : memref<10240xf32, #tpu.memory_space<vmem>>[vector<16xi32>], vector<16xf32>,
      %get3A_219 = arith.constant 80 : index
      %get3A_220 = tpu.vector_load %arg12[%get3A_219] {strides = array<i32>} : memref<128xi32, #tpu.memory_space<vmem>>, vector<16xi32>,
      tpu.vector_store_idx %arg15[%get3A_220], %broadcast_in_dim3A_97 {add = true} : memref<10240xf32, #tpu.memory_space<vmem>>[vector<16xi32>], vector<16xf32>,
      %get3A_221 = arith.constant 96 : index
      %get3A_222 = tpu.vector_load %arg12[%get3A_221] {strides = array<i32>} : memref<128xi32, #tpu.memory_space<vmem>>, vector<16xi32>,
      tpu.vector_store_idx %arg15[%get3A_222], %broadcast_in_dim3A_97 {add = true} : memref<10240xf32, #tpu.memory_space<vmem>>[vector<16xi32>], vector<16xf32>,
      %get3A_223 = arith.constant 112 : index
      %get3A_224 = tpu.vector_load %arg12[%get3A_223] {strides = array<i32>} : memref<128xi32, #tpu.memory_space<vmem>>, vector<16xi32>,
      tpu.vector_store_idx %arg15[%get3A_224], %broadcast_in_dim3A_97 {add = true} : memref<10240xf32, #tpu.memory_space<vmem>>[vector<16xi32>], vector<16xf32>,
      %mul3A_225 = arith.constant 128 : i32
      %mul3A_226 = arith.muli %rem3A_162, %mul3A_225 : i32
      %add3A_227 = arith.addi %add3A_7, %mul3A_226 : i32
      %dma_start3A_228 = tpu.memref_slice %arg4[%add3A_227] : memref<655360xi32, #tpu.memory_space<hbm>> -> memref<128xi32, #tpu.memory_space<hbm>>
      %dma_start3A_229 = tpu.memref_slice %arg4[%add3A_227] : memref<655360xi32, #tpu.memory_space<hbm>> -> memref<128xi32, #tpu.memory_space<hbm>>
      tpu.enqueue_dma source(%dma_start3A_229 : memref<128xi32, #tpu.memory_space<hbm>>) target(%arg12 : memref<128xi32, #tpu.memory_space<vmem>>) target_semaphore(%arg17 : memref<!tpu.dma_semaphore, #tpu.memory_space<semaphore_mem>>)
      %mul3A_230 = arith.constant 128 : i32
      %mul3A_231 = arith.muli %rem3A_162, %mul3A_230 : i32
      %add3A_232 = arith.addi %add3A_7, %mul3A_231 : i32
      %dma_wait3A_233 = tpu.memref_slice %arg4[%add3A_232] : memref<655360xi32, #tpu.memory_space<hbm>> -> memref<128xi32, #tpu.memory_space<hbm>>
      %dma_wait3A_234 = tpu.memref_slice %arg4[%add3A_232] : memref<655360xi32, #tpu.memory_space<hbm>> -> memref<128xi32, #tpu.memory_space<hbm>>
      tpu.wait_dma2 semaphore(%arg17 : memref<!tpu.dma_semaphore, #tpu.memory_space<semaphore_mem>>) src(%dma_wait3A_234 : memref<128xi32, #tpu.memory_space<hbm>>) dst(%arg12 : memref<128xi32, #tpu.memory_space<vmem>>)
      %mul3A_235 = arith.constant 128 : i32
      %mul3A_236 = arith.muli %rem3A_162, %mul3A_235 : i32
      %add3A_237 = arith.addi %mul3A_2, %mul3A_236 : i32
      %dma_start3A_238 = arith.constant 0 : i32
      %dma_start3A_239 = tpu.memref_slice %arg5[%add3A_237, %dma_start3A_238] : memref<327680x128xf32, #tpu.memory_space<hbm>> -> memref<128x128xf32, #tpu.memory_space<hbm>>
      %dma_start3A_240 = arith.constant 0 : i32
      %dma_start3A_241 = tpu.memref_slice %arg5[%add3A_237, %dma_start3A_240] : memref<327680x128xf32, #tpu.memory_space<hbm>> -> memref<128x128xf32, #tpu.memory_space<hbm>>
      tpu.enqueue_dma source(%dma_start3A_241 : memref<128x128xf32, #tpu.memory_space<hbm>>) target(%arg14 : memref<128x128xf32, #tpu.memory_space<vmem>>) target_semaphore(%arg19 : memref<!tpu.dma_semaphore, #tpu.memory_space<semaphore_mem>>)
    }
    %scan3A_131 = arith.constant 80 : i32
    %add3A_132 = arith.constant 0 : i32
    %add3A_133 = arith.addi %mul3A_2, %add3A_132 : i32
    %dma_wait3A_134 = arith.constant 0 : i32
    %dma_wait3A_135 = tpu.memref_slice %arg5[%add3A_133, %dma_wait3A_134] : memref<327680x128xf32, #tpu.memory_space<hbm>> -> memref<128x128xf32, #tpu.memory_space<hbm>>
    %dma_wait3A_136 = arith.constant 0 : i32
    %dma_wait3A_137 = tpu.memref_slice %arg5[%add3A_133, %dma_wait3A_136] : memref<327680x128xf32, #tpu.memory_space<hbm>> -> memref<128x128xf32, #tpu.memory_space<hbm>>
    tpu.wait_dma2 semaphore(%arg18 : memref<!tpu.dma_semaphore, #tpu.memory_space<semaphore_mem>>) src(%dma_wait3A_137 : memref<128x128xf32, #tpu.memory_space<hbm>>) dst(%arg13 : memref<128x128xf32, #tpu.memory_space<vmem>>)
    %add3A_138 = arith.constant 128 : i32
    %add3A_139 = arith.addi %mul3A_2, %add3A_138 : i32
    %dma_wait3A_140 = arith.constant 0 : i32
    %dma_wait3A_141 = tpu.memref_slice %arg5[%add3A_139, %dma_wait3A_140] : memref<327680x128xf32, #tpu.memory_space<hbm>> -> memref<128x128xf32, #tpu.memory_space<hbm>>
    %dma_wait3A_142 = arith.constant 0 : i32
    %dma_wait3A_143 = tpu.memref_slice %arg5[%add3A_139, %dma_wait3A_142] : memref<327680x128xf32, #tpu.memory_space<hbm>> -> memref<128x128xf32, #tpu.memory_space<hbm>>
    tpu.wait_dma2 semaphore(%arg19 : memref<!tpu.dma_semaphore, #tpu.memory_space<semaphore_mem>>) src(%dma_wait3A_143 : memref<128x128xf32, #tpu.memory_space<hbm>>) dst(%arg14 : memref<128x128xf32, #tpu.memory_space<vmem>>)
    %barrier3A_144 = arith.constant 0 : index
    tpu.barrier barrier_id(%barrier3A_144)
    %mul3A_145 = arith.constant 640 : i32
    %mul3A_146 = arith.muli %arg1, %mul3A_145 : i32
    %mul3A_147 = arith.constant 640 : i32
    %mul3A_148 = arith.muli %arg1, %mul3A_147 : i32
    "tpu.region"() ({
      %run_scoped3A = tpu.sem_alloc : memref<!tpu.dma_semaphore, #tpu.memory_space<semaphore_mem>>
      %dma_start3A_151 = arith.constant 0 : i32
      %dma_start3A_152 = tpu.memref_slice %arg7[%arg0, %mul3A_148, %dma_start3A_151] : memref<2x10240x128xf32, #tpu.memory_space<hbm>> -> memref<1x640x128xf32, #tpu.memory_space<hbm>>
      %dma_start3A_153 = tpu.memref_squeeze %dma_start3A_152 : memref<1x640x128xf32, #tpu.memory_space<hbm>> -> memref<640x128xf32, #tpu.memory_space<hbm>>
      %dma_start3A_154 = arith.constant 0 : i32
      %dma_start3A_155 = tpu.memref_slice %arg20[%mul3A_146, %dma_start3A_154] : memref<10240x128xf32, #tpu.memory_space<vmem_shared>> -> memref<640x128xf32, #tpu.memory_space<vmem_shared>>
      tpu.enqueue_dma source(%dma_start3A_155 : memref<640x128xf32, #tpu.memory_space<vmem_shared>>) target(%dma_start3A_153 : memref<640x128xf32, #tpu.memory_space<hbm>>) target_semaphore(%run_scoped3A : memref<!tpu.dma_semaphore, #tpu.memory_space<semaphore_mem>>)
      %dma_wait3A_156 = arith.constant 0 : i32
      %dma_wait3A_157 = tpu.memref_slice %arg7[%arg0, %mul3A_148, %dma_wait3A_156] : memref<2x10240x128xf32, #tpu.memory_space<hbm>> -> memref<1x640x128xf32, #tpu.memory_space<hbm>>
      %dma_wait3A_158 = tpu.memref_squeeze %dma_wait3A_157 : memref<1x640x128xf32, #tpu.memory_space<hbm>> -> memref<640x128xf32, #tpu.memory_space<hbm>>
      %dma_wait3A_159 = arith.constant 0 : i32
      %dma_wait3A_160 = tpu.memref_slice %arg20[%mul3A_146, %dma_wait3A_159] : memref<10240x128xf32, #tpu.memory_space<vmem_shared>> -> memref<640x128xf32, #tpu.memory_space<vmem_shared>>
      tpu.wait_dma2 semaphore(%run_scoped3A : memref<!tpu.dma_semaphore, #tpu.memory_space<semaphore_mem>>) src(%dma_wait3A_160 : memref<640x128xf32, #tpu.memory_space<vmem_shared>>) dst(%dma_wait3A_158 : memref<640x128xf32, #tpu.memory_space<hbm>>)
      tpu.yield
    }) : () -> ()
    %mul3A_149 = arith.constant 10240 : i32
    %mul3A_150 = arith.muli %add3A, %mul3A_149 : i32
    "tpu.region"() ({
      %run_scoped3A = tpu.sem_alloc : memref<!tpu.dma_semaphore, #tpu.memory_space<semaphore_mem>>
      %dma_start3A_151 = tpu.memref_slice %arg8[%mul3A_150] : memref<327680xf32, #tpu.memory_space<hbm>> -> memref<10240xf32, #tpu.memory_space<hbm>>
      %dma_start3A_152 = tpu.memref_slice %arg8[%mul3A_150] : memref<327680xf32, #tpu.memory_space<hbm>> -> memref<10240xf32, #tpu.memory_space<hbm>>
      tpu.enqueue_dma source(%arg15 : memref<10240xf32, #tpu.memory_space<vmem>>) target(%dma_start3A_152 : memref<10240xf32, #tpu.memory_space<hbm>>) target_semaphore(%run_scoped3A : memref<!tpu.dma_semaphore, #tpu.memory_space<semaphore_mem>>)
      %dma_wait3A_153 = tpu.memref_slice %arg8[%mul3A_150] : memref<327680xf32, #tpu.memory_space<hbm>> -> memref<10240xf32, #tpu.memory_space<hbm>>
      %dma_wait3A_154 = tpu.memref_slice %arg8[%mul3A_150] : memref<327680xf32, #tpu.memory_space<hbm>> -> memref<10240xf32, #tpu.memory_space<hbm>>
      tpu.wait_dma2 semaphore(%run_scoped3A : memref<!tpu.dma_semaphore, #tpu.memory_space<semaphore_mem>>) src(%arg15 : memref<10240xf32, #tpu.memory_space<vmem>>) dst(%dma_wait3A_154 : memref<10240xf32, #tpu.memory_space<hbm>>)
      tpu.yield
    }) : () -> ()
    return
  }
}

#map = affine_map<(d0, d1) -> (0, 0)>
#map1 = affine_map<(d0, d1) -> (0)>
#map2 = affine_map<(d0, d1) -> (0, 0, 0)>
module attributes {stable_mosaic.version = 14 : i64} {
  func.func @_sc_conv_body(%arg0: i32, %arg1: i32, %arg2: memref<20000x128xf32, #tpu.memory_space<hbm>>, %arg3: memref<655360xi32, #tpu.memory_space<hbm>>, %arg4: memref<655360xi32, #tpu.memory_space<hbm>>, %arg5: memref<2x10240x128xf32, #tpu.memory_space<hbm>>, %arg6: memref<128xi32, #tpu.memory_space<vmem>>, %arg7: memref<128xi32, #tpu.memory_space<vmem>>, %arg8: memref<128xi32, #tpu.memory_space<vmem>>, %arg9: memref<128xi32, #tpu.memory_space<vmem>>, %arg10: memref<128x128xf32, #tpu.memory_space<vmem>>, %arg11: memref<128x128xf32, #tpu.memory_space<vmem>>, %arg12: memref<!tpu.dma_semaphore, #tpu.memory_space<semaphore_mem>>, %arg13: memref<!tpu.dma_semaphore, #tpu.memory_space<semaphore_mem>>, %arg14: memref<!tpu.dma_semaphore, #tpu.memory_space<semaphore_mem>>, %arg15: memref<!tpu.dma_semaphore, #tpu.memory_space<semaphore_mem>>, %arg16: memref<10240x128xf32, #tpu.memory_space<vmem_shared>>) attributes {dimension_semantics = [#tpu.dimension_semantics<core_parallel>, #tpu.dimension_semantics<subcore_parallel>], iteration_bounds = array<i64: 2, 16>, scalar_prefetch = 0 : i64, scratch_operands = 11 : i64, tpu.core_type = #tpu.core_type<sc_vector_subcore>, window_params = [{transform_indices = #map}, {transform_indices = #map1}, {transform_indices = #map1}, {transform_indices = #map2}]} {
    %scan3A = arith.constant 0 : i32
    %scan3A_0 = arith.constant 0 : i32
    %scan3A_1 = arith.constant 128 : i32
    %scan3A_2 = arith.addi %scan3A_0, %scan3A_1 : i32
    %scan3A_3 = arith.constant 1 : i32
    scf.for %scan3A_67 = %scan3A_0 to %scan3A_2 step %scan3A_3  : i32 {
      %broadcast_in_dim3A = arith.constant 0.000000e+00 : f32
      %broadcast_in_dim3A_68 = vector.broadcast %broadcast_in_dim3A : f32 to vector<16xf32>
      %swap3A = arith.index_cast %scan3A_67 : i32 to index
      %swap3A_69 = arith.constant 0 : index
      %swap3A_70 = tpu.vector_load %arg10[%swap3A, %swap3A_69] {strides = array<i32>} : memref<128x128xf32, #tpu.memory_space<vmem>>, vector<16xf32>,
      tpu.vector_store %arg10[%swap3A, %swap3A_69], %broadcast_in_dim3A_68 {strides = array<i32>} : memref<128x128xf32, #tpu.memory_space<vmem>>, vector<16xf32>,
      %broadcast_in_dim3A_71 = arith.constant 0.000000e+00 : f32
      %broadcast_in_dim3A_72 = vector.broadcast %broadcast_in_dim3A_71 : f32 to vector<16xf32>
      %swap3A_73 = arith.index_cast %scan3A_67 : i32 to index
      %swap3A_74 = arith.constant 16 : index
      %swap3A_75 = tpu.vector_load %arg10[%swap3A_73, %swap3A_74] {strides = array<i32>} : memref<128x128xf32, #tpu.memory_space<vmem>>, vector<16xf32>,
      tpu.vector_store %arg10[%swap3A_73, %swap3A_74], %broadcast_in_dim3A_72 {strides = array<i32>} : memref<128x128xf32, #tpu.memory_space<vmem>>, vector<16xf32>,
      %broadcast_in_dim3A_76 = arith.constant 0.000000e+00 : f32
      %broadcast_in_dim3A_77 = vector.broadcast %broadcast_in_dim3A_76 : f32 to vector<16xf32>
      %swap3A_78 = arith.index_cast %scan3A_67 : i32 to index
      %swap3A_79 = arith.constant 32 : index
      %swap3A_80 = tpu.vector_load %arg10[%swap3A_78, %swap3A_79] {strides = array<i32>} : memref<128x128xf32, #tpu.memory_space<vmem>>, vector<16xf32>,
      tpu.vector_store %arg10[%swap3A_78, %swap3A_79], %broadcast_in_dim3A_77 {strides = array<i32>} : memref<128x128xf32, #tpu.memory_space<vmem>>, vector<16xf32>,
      %broadcast_in_dim3A_81 = arith.constant 0.000000e+00 : f32
      %broadcast_in_dim3A_82 = vector.broadcast %broadcast_in_dim3A_81 : f32 to vector<16xf32>
      %swap3A_83 = arith.index_cast %scan3A_67 : i32 to index
      %swap3A_84 = arith.constant 48 : index
      %swap3A_85 = tpu.vector_load %arg10[%swap3A_83, %swap3A_84] {strides = array<i32>} : memref<128x128xf32, #tpu.memory_space<vmem>>, vector<16xf32>,
      tpu.vector_store %arg10[%swap3A_83, %swap3A_84], %broadcast_in_dim3A_82 {strides = array<i32>} : memref<128x128xf32, #tpu.memory_space<vmem>>, vector<16xf32>,
      %broadcast_in_dim3A_86 = arith.constant 0.000000e+00 : f32
      %broadcast_in_dim3A_87 = vector.broadcast %broadcast_in_dim3A_86 : f32 to vector<16xf32>
      %swap3A_88 = arith.index_cast %scan3A_67 : i32 to index
      %swap3A_89 = arith.constant 64 : index
      %swap3A_90 = tpu.vector_load %arg10[%swap3A_88, %swap3A_89] {strides = array<i32>} : memref<128x128xf32, #tpu.memory_space<vmem>>, vector<16xf32>,
      tpu.vector_store %arg10[%swap3A_88, %swap3A_89], %broadcast_in_dim3A_87 {strides = array<i32>} : memref<128x128xf32, #tpu.memory_space<vmem>>, vector<16xf32>,
      %broadcast_in_dim3A_91 = arith.constant 0.000000e+00 : f32
      %broadcast_in_dim3A_92 = vector.broadcast %broadcast_in_dim3A_91 : f32 to vector<16xf32>
      %swap3A_93 = arith.index_cast %scan3A_67 : i32 to index
      %swap3A_94 = arith.constant 80 : index
      %swap3A_95 = tpu.vector_load %arg10[%swap3A_93, %swap3A_94] {strides = array<i32>} : memref<128x128xf32, #tpu.memory_space<vmem>>, vector<16xf32>,
      tpu.vector_store %arg10[%swap3A_93, %swap3A_94], %broadcast_in_dim3A_92 {strides = array<i32>} : memref<128x128xf32, #tpu.memory_space<vmem>>, vector<16xf32>,
      %broadcast_in_dim3A_96 = arith.constant 0.000000e+00 : f32
      %broadcast_in_dim3A_97 = vector.broadcast %broadcast_in_dim3A_96 : f32 to vector<16xf32>
      %swap3A_98 = arith.index_cast %scan3A_67 : i32 to index
      %swap3A_99 = arith.constant 96 : index
      %swap3A_100 = tpu.vector_load %arg10[%swap3A_98, %swap3A_99] {strides = array<i32>} : memref<128x128xf32, #tpu.memory_space<vmem>>, vector<16xf32>,
      tpu.vector_store %arg10[%swap3A_98, %swap3A_99], %broadcast_in_dim3A_97 {strides = array<i32>} : memref<128x128xf32, #tpu.memory_space<vmem>>, vector<16xf32>,
      %broadcast_in_dim3A_101 = arith.constant 0.000000e+00 : f32
      %broadcast_in_dim3A_102 = vector.broadcast %broadcast_in_dim3A_101 : f32 to vector<16xf32>
      %swap3A_103 = arith.index_cast %scan3A_67 : i32 to index
      %swap3A_104 = arith.constant 112 : index
      %swap3A_105 = tpu.vector_load %arg10[%swap3A_103, %swap3A_104] {strides = array<i32>} : memref<128x128xf32, #tpu.memory_space<vmem>>, vector<16xf32>,
      tpu.vector_store %arg10[%swap3A_103, %swap3A_104], %broadcast_in_dim3A_102 {strides = array<i32>} : memref<128x128xf32, #tpu.memory_space<vmem>>, vector<16xf32>,
    }
    %scan3A_4 = arith.constant 128 : i32
    %scan3A_5 = arith.constant 0 : i32
    %scan3A_6 = arith.constant 0 : i32
    %scan3A_7 = arith.constant 5 : i32
    %scan3A_8 = arith.addi %scan3A_6, %scan3A_7 : i32
    %scan3A_9 = arith.constant 1 : i32
    scf.for %scan3A_67 = %scan3A_6 to %scan3A_8 step %scan3A_9  : i32 {
      %mul3A_68 = arith.constant 640 : i32
      %mul3A_69 = arith.muli %arg1, %mul3A_68 : i32
      %mul3A_70 = arith.constant 128 : i32
      %mul3A_71 = arith.muli %scan3A_67, %mul3A_70 : i32
      %add3A_72 = arith.addi %mul3A_69, %mul3A_71 : i32
      "tpu.region"() ({
        %run_scoped3A = tpu.sem_alloc : memref<!tpu.dma_semaphore, #tpu.memory_space<semaphore_mem>>
        %dma_start3A_73 = arith.constant 0 : i32
        %dma_start3A_74 = tpu.memref_slice %arg16[%add3A_72, %dma_start3A_73] : memref<10240x128xf32, #tpu.memory_space<vmem_shared>> -> memref<128x128xf32, #tpu.memory_space<vmem_shared>>
        %dma_start3A_75 = arith.constant 0 : i32
        %dma_start3A_76 = tpu.memref_slice %arg16[%add3A_72, %dma_start3A_75] : memref<10240x128xf32, #tpu.memory_space<vmem_shared>> -> memref<128x128xf32, #tpu.memory_space<vmem_shared>>
        tpu.enqueue_dma source(%arg10 : memref<128x128xf32, #tpu.memory_space<vmem>>) target(%dma_start3A_76 : memref<128x128xf32, #tpu.memory_space<vmem_shared>>) target_semaphore(%run_scoped3A : memref<!tpu.dma_semaphore, #tpu.memory_space<semaphore_mem>>)
        %dma_wait3A_77 = arith.constant 0 : i32
        %dma_wait3A_78 = tpu.memref_slice %arg16[%add3A_72, %dma_wait3A_77] : memref<10240x128xf32, #tpu.memory_space<vmem_shared>> -> memref<128x128xf32, #tpu.memory_space<vmem_shared>>
        %dma_wait3A_79 = arith.constant 0 : i32
        %dma_wait3A_80 = tpu.memref_slice %arg16[%add3A_72, %dma_wait3A_79] : memref<10240x128xf32, #tpu.memory_space<vmem_shared>> -> memref<128x128xf32, #tpu.memory_space<vmem_shared>>
        tpu.wait_dma2 semaphore(%run_scoped3A : memref<!tpu.dma_semaphore, #tpu.memory_space<semaphore_mem>>) src(%arg10 : memref<128x128xf32, #tpu.memory_space<vmem>>) dst(%dma_wait3A_80 : memref<128x128xf32, #tpu.memory_space<vmem_shared>>)
        tpu.yield
      }) : () -> ()
    }
    %scan3A_10 = arith.constant 5 : i32
    %barrier3A = arith.constant 0 : index
    tpu.barrier barrier_id(%barrier3A)
    %mul3A = arith.constant 327680 : i32
    %mul3A_11 = arith.muli %arg0, %mul3A : i32
    %mul3A_12 = arith.constant 20480 : i32
    %mul3A_13 = arith.muli %arg1, %mul3A_12 : i32
    %add3A = arith.addi %mul3A_11, %mul3A_13 : i32
    %add3A_14 = arith.constant 0 : i32
    %add3A_15 = arith.addi %add3A, %add3A_14 : i32
    %dma_start3A = tpu.memref_slice %arg3[%add3A_15] : memref<655360xi32, #tpu.memory_space<hbm>> -> memref<128xi32, #tpu.memory_space<hbm>>
    %dma_start3A_16 = tpu.memref_slice %arg3[%add3A_15] : memref<655360xi32, #tpu.memory_space<hbm>> -> memref<128xi32, #tpu.memory_space<hbm>>
    tpu.enqueue_dma source(%dma_start3A_16 : memref<128xi32, #tpu.memory_space<hbm>>) target(%arg6 : memref<128xi32, #tpu.memory_space<vmem>>) target_semaphore(%arg12 : memref<!tpu.dma_semaphore, #tpu.memory_space<semaphore_mem>>)
    %add3A_17 = arith.constant 0 : i32
    %add3A_18 = arith.addi %add3A, %add3A_17 : i32
    %dma_start3A_19 = tpu.memref_slice %arg4[%add3A_18] : memref<655360xi32, #tpu.memory_space<hbm>> -> memref<128xi32, #tpu.memory_space<hbm>>
    %dma_start3A_20 = tpu.memref_slice %arg4[%add3A_18] : memref<655360xi32, #tpu.memory_space<hbm>> -> memref<128xi32, #tpu.memory_space<hbm>>
    tpu.enqueue_dma source(%dma_start3A_20 : memref<128xi32, #tpu.memory_space<hbm>>) target(%arg8 : memref<128xi32, #tpu.memory_space<vmem>>) target_semaphore(%arg12 : memref<!tpu.dma_semaphore, #tpu.memory_space<semaphore_mem>>)
    %add3A_21 = arith.constant 128 : i32
    %add3A_22 = arith.addi %add3A, %add3A_21 : i32
    %dma_start3A_23 = tpu.memref_slice %arg3[%add3A_22] : memref<655360xi32, #tpu.memory_space<hbm>> -> memref<128xi32, #tpu.memory_space<hbm>>
    %dma_start3A_24 = tpu.memref_slice %arg3[%add3A_22] : memref<655360xi32, #tpu.memory_space<hbm>> -> memref<128xi32, #tpu.memory_space<hbm>>
    tpu.enqueue_dma source(%dma_start3A_24 : memref<128xi32, #tpu.memory_space<hbm>>) target(%arg7 : memref<128xi32, #tpu.memory_space<vmem>>) target_semaphore(%arg13 : memref<!tpu.dma_semaphore, #tpu.memory_space<semaphore_mem>>)
    %add3A_25 = arith.constant 128 : i32
    %add3A_26 = arith.addi %add3A, %add3A_25 : i32
    %dma_start3A_27 = tpu.memref_slice %arg4[%add3A_26] : memref<655360xi32, #tpu.memory_space<hbm>> -> memref<128xi32, #tpu.memory_space<hbm>>
    %dma_start3A_28 = tpu.memref_slice %arg4[%add3A_26] : memref<655360xi32, #tpu.memory_space<hbm>> -> memref<128xi32, #tpu.memory_space<hbm>>
    tpu.enqueue_dma source(%dma_start3A_28 : memref<128xi32, #tpu.memory_space<hbm>>) target(%arg9 : memref<128xi32, #tpu.memory_space<vmem>>) target_semaphore(%arg13 : memref<!tpu.dma_semaphore, #tpu.memory_space<semaphore_mem>>)
    %add3A_29 = arith.constant 0 : i32
    %add3A_30 = arith.addi %add3A, %add3A_29 : i32
    %dma_wait3A = tpu.memref_slice %arg3[%add3A_30] : memref<655360xi32, #tpu.memory_space<hbm>> -> memref<128xi32, #tpu.memory_space<hbm>>
    %dma_wait3A_31 = tpu.memref_slice %arg3[%add3A_30] : memref<655360xi32, #tpu.memory_space<hbm>> -> memref<128xi32, #tpu.memory_space<hbm>>
    tpu.wait_dma2 semaphore(%arg12 : memref<!tpu.dma_semaphore, #tpu.memory_space<semaphore_mem>>) src(%dma_wait3A_31 : memref<128xi32, #tpu.memory_space<hbm>>) dst(%arg6 : memref<128xi32, #tpu.memory_space<vmem>>)
    %add3A_32 = arith.constant 0 : i32
    %add3A_33 = arith.addi %add3A, %add3A_32 : i32
    %dma_wait3A_34 = tpu.memref_slice %arg4[%add3A_33] : memref<655360xi32, #tpu.memory_space<hbm>> -> memref<128xi32, #tpu.memory_space<hbm>>
    %dma_wait3A_35 = tpu.memref_slice %arg4[%add3A_33] : memref<655360xi32, #tpu.memory_space<hbm>> -> memref<128xi32, #tpu.memory_space<hbm>>
    tpu.wait_dma2 semaphore(%arg12 : memref<!tpu.dma_semaphore, #tpu.memory_space<semaphore_mem>>) src(%dma_wait3A_35 : memref<128xi32, #tpu.memory_space<hbm>>) dst(%arg8 : memref<128xi32, #tpu.memory_space<vmem>>)
    %dma_start3A_36 = arith.constant 0 : i32
    %dma_start3A_37 = arith.constant 0 : i32
    %dma_start3A_38 = tpu.memref_slice %arg2[%dma_start3A_36, %dma_start3A_37] : memref<20000x128xf32, #tpu.memory_space<hbm>> -> memref<20000x128xf32, #tpu.memory_space<hbm>>
    tpu.enqueue_indirect_dma source(%dma_start3A_38 : memref<20000x128xf32, #tpu.memory_space<hbm>>) target(%arg10 : memref<128x128xf32, #tpu.memory_space<vmem>>) offsets(%arg6 : memref<128xi32, #tpu.memory_space<vmem>>) semaphore(%arg14 : memref<!tpu.dma_semaphore, #tpu.memory_space<semaphore_mem>>)
    %add3A_39 = arith.constant 128 : i32
    %add3A_40 = arith.addi %add3A, %add3A_39 : i32
    %dma_wait3A_41 = tpu.memref_slice %arg3[%add3A_40] : memref<655360xi32, #tpu.memory_space<hbm>> -> memref<128xi32, #tpu.memory_space<hbm>>
    %dma_wait3A_42 = tpu.memref_slice %arg3[%add3A_40] : memref<655360xi32, #tpu.memory_space<hbm>> -> memref<128xi32, #tpu.memory_space<hbm>>
    tpu.wait_dma2 semaphore(%arg13 : memref<!tpu.dma_semaphore, #tpu.memory_space<semaphore_mem>>) src(%dma_wait3A_42 : memref<128xi32, #tpu.memory_space<hbm>>) dst(%arg7 : memref<128xi32, #tpu.memory_space<vmem>>)
    %add3A_43 = arith.constant 128 : i32
    %add3A_44 = arith.addi %add3A, %add3A_43 : i32
    %dma_wait3A_45 = tpu.memref_slice %arg4[%add3A_44] : memref<655360xi32, #tpu.memory_space<hbm>> -> memref<128xi32, #tpu.memory_space<hbm>>
    %dma_wait3A_46 = tpu.memref_slice %arg4[%add3A_44] : memref<655360xi32, #tpu.memory_space<hbm>> -> memref<128xi32, #tpu.memory_space<hbm>>
    tpu.wait_dma2 semaphore(%arg13 : memref<!tpu.dma_semaphore, #tpu.memory_space<semaphore_mem>>) src(%dma_wait3A_46 : memref<128xi32, #tpu.memory_space<hbm>>) dst(%arg9 : memref<128xi32, #tpu.memory_space<vmem>>)
    %dma_start3A_47 = arith.constant 0 : i32
    %dma_start3A_48 = arith.constant 0 : i32
    %dma_start3A_49 = tpu.memref_slice %arg2[%dma_start3A_47, %dma_start3A_48] : memref<20000x128xf32, #tpu.memory_space<hbm>> -> memref<20000x128xf32, #tpu.memory_space<hbm>>
    tpu.enqueue_indirect_dma source(%dma_start3A_49 : memref<20000x128xf32, #tpu.memory_space<hbm>>) target(%arg11 : memref<128x128xf32, #tpu.memory_space<vmem>>) offsets(%arg7 : memref<128xi32, #tpu.memory_space<vmem>>) semaphore(%arg15 : memref<!tpu.dma_semaphore, #tpu.memory_space<semaphore_mem>>)
    %scan3A_50 = arith.constant 0 : i32
    %scan3A_51 = arith.constant 0 : i32
    %scan3A_52 = arith.constant 80 : i32
    %scan3A_53 = arith.addi %scan3A_51, %scan3A_52 : i32
    %scan3A_54 = arith.constant 1 : i32
    scf.for %scan3A_67 = %scan3A_51 to %scan3A_53 step %scan3A_54  : i32 {
      %mul3A_68 = arith.constant 2 : i32
      %mul3A_69 = arith.muli %mul3A_68, %scan3A_67 : i32
      %add3A_70 = arith.constant 1 : i32
      %add3A_71 = arith.addi %mul3A_69, %add3A_70 : i32
      %add3A_72 = arith.constant 2 : i32
      %add3A_73 = arith.addi %mul3A_69, %add3A_72 : i32
      %rem3A = arith.constant 160 : i32
      %rem3A_74 = arith.remsi %add3A_73, %rem3A : i32
      %add3A_75 = arith.constant 2 : i32
      %add3A_76 = arith.addi %add3A_71, %add3A_75 : i32
      %rem3A_77 = arith.constant 160 : i32
      %rem3A_78 = arith.remsi %add3A_76, %rem3A_77 : i32
      %dma_wait3A_79 = arith.constant 0 : i32
      %dma_wait3A_80 = arith.constant 0 : i32
      %dma_wait3A_81 = tpu.memref_slice %arg2[%dma_wait3A_79, %dma_wait3A_80] : memref<20000x128xf32, #tpu.memory_space<hbm>> -> memref<20000x128xf32, #tpu.memory_space<hbm>>
      tpu.wait_indirect_dma semaphore(%arg14 : memref<!tpu.dma_semaphore, #tpu.memory_space<semaphore_mem>>) src(%dma_wait3A_81 : memref<20000x128xf32, #tpu.memory_space<hbm>>) dst(%arg10 : memref<128x128xf32, #tpu.memory_space<vmem>>)
      "tpu.region"() ({
        %run_scoped3A = tpu.sem_alloc : memref<!tpu.dma_semaphore, #tpu.memory_space<semaphore_mem>>
        %dma_start3A_131 = arith.constant 0 : i32
        %dma_start3A_132 = arith.constant 0 : i32
        %dma_start3A_133 = tpu.memref_slice %arg16[%dma_start3A_131, %dma_start3A_132] : memref<10240x128xf32, #tpu.memory_space<vmem_shared>> -> memref<10240x128xf32, #tpu.memory_space<vmem_shared>>
        tpu.enqueue_indirect_dma source(%arg10 : memref<128x128xf32, #tpu.memory_space<vmem>>) target(%dma_start3A_133 : memref<10240x128xf32, #tpu.memory_space<vmem_shared>>) offsets(%arg8 : memref<128xi32, #tpu.memory_space<vmem>>) semaphore(%run_scoped3A : memref<!tpu.dma_semaphore, #tpu.memory_space<semaphore_mem>>) {add = true}
        %dma_wait3A_134 = arith.constant 0 : i32
        %dma_wait3A_135 = arith.constant 0 : i32
        %dma_wait3A_136 = tpu.memref_slice %arg16[%dma_wait3A_134, %dma_wait3A_135] : memref<10240x128xf32, #tpu.memory_space<vmem_shared>> -> memref<10240x128xf32, #tpu.memory_space<vmem_shared>>
        tpu.wait_indirect_dma semaphore(%run_scoped3A : memref<!tpu.dma_semaphore, #tpu.memory_space<semaphore_mem>>) src(%arg10 : memref<128x128xf32, #tpu.memory_space<vmem>>) dst(%dma_wait3A_136 : memref<10240x128xf32, #tpu.memory_space<vmem_shared>>)
        tpu.yield
      }) : () -> ()
      %mul3A_82 = arith.constant 128 : i32
      %mul3A_83 = arith.muli %rem3A_74, %mul3A_82 : i32
      %add3A_84 = arith.addi %add3A, %mul3A_83 : i32
      %dma_start3A_85 = tpu.memref_slice %arg3[%add3A_84] : memref<655360xi32, #tpu.memory_space<hbm>> -> memref<128xi32, #tpu.memory_space<hbm>>
      %dma_start3A_86 = tpu.memref_slice %arg3[%add3A_84] : memref<655360xi32, #tpu.memory_space<hbm>> -> memref<128xi32, #tpu.memory_space<hbm>>
      tpu.enqueue_dma source(%dma_start3A_86 : memref<128xi32, #tpu.memory_space<hbm>>) target(%arg6 : memref<128xi32, #tpu.memory_space<vmem>>) target_semaphore(%arg12 : memref<!tpu.dma_semaphore, #tpu.memory_space<semaphore_mem>>)
      %mul3A_87 = arith.constant 128 : i32
      %mul3A_88 = arith.muli %rem3A_74, %mul3A_87 : i32
      %add3A_89 = arith.addi %add3A, %mul3A_88 : i32
      %dma_start3A_90 = tpu.memref_slice %arg4[%add3A_89] : memref<655360xi32, #tpu.memory_space<hbm>> -> memref<128xi32, #tpu.memory_space<hbm>>
      %dma_start3A_91 = tpu.memref_slice %arg4[%add3A_89] : memref<655360xi32, #tpu.memory_space<hbm>> -> memref<128xi32, #tpu.memory_space<hbm>>
      tpu.enqueue_dma source(%dma_start3A_91 : memref<128xi32, #tpu.memory_space<hbm>>) target(%arg8 : memref<128xi32, #tpu.memory_space<vmem>>) target_semaphore(%arg12 : memref<!tpu.dma_semaphore, #tpu.memory_space<semaphore_mem>>)
      %mul3A_92 = arith.constant 128 : i32
      %mul3A_93 = arith.muli %rem3A_74, %mul3A_92 : i32
      %add3A_94 = arith.addi %add3A, %mul3A_93 : i32
      %dma_wait3A_95 = tpu.memref_slice %arg3[%add3A_94] : memref<655360xi32, #tpu.memory_space<hbm>> -> memref<128xi32, #tpu.memory_space<hbm>>
      %dma_wait3A_96 = tpu.memref_slice %arg3[%add3A_94] : memref<655360xi32, #tpu.memory_space<hbm>> -> memref<128xi32, #tpu.memory_space<hbm>>
      tpu.wait_dma2 semaphore(%arg12 : memref<!tpu.dma_semaphore, #tpu.memory_space<semaphore_mem>>) src(%dma_wait3A_96 : memref<128xi32, #tpu.memory_space<hbm>>) dst(%arg6 : memref<128xi32, #tpu.memory_space<vmem>>)
      %mul3A_97 = arith.constant 128 : i32
      %mul3A_98 = arith.muli %rem3A_74, %mul3A_97 : i32
      %add3A_99 = arith.addi %add3A, %mul3A_98 : i32
      %dma_wait3A_100 = tpu.memref_slice %arg4[%add3A_99] : memref<655360xi32, #tpu.memory_space<hbm>> -> memref<128xi32, #tpu.memory_space<hbm>>
      %dma_wait3A_101 = tpu.memref_slice %arg4[%add3A_99] : memref<655360xi32, #tpu.memory_space<hbm>> -> memref<128xi32, #tpu.memory_space<hbm>>
      tpu.wait_dma2 semaphore(%arg12 : memref<!tpu.dma_semaphore, #tpu.memory_space<semaphore_mem>>) src(%dma_wait3A_101 : memref<128xi32, #tpu.memory_space<hbm>>) dst(%arg8 : memref<128xi32, #tpu.memory_space<vmem>>)
      %dma_start3A_102 = arith.constant 0 : i32
      %dma_start3A_103 = arith.constant 0 : i32
      %dma_start3A_104 = tpu.memref_slice %arg2[%dma_start3A_102, %dma_start3A_103] : memref<20000x128xf32, #tpu.memory_space<hbm>> -> memref<20000x128xf32, #tpu.memory_space<hbm>>
      tpu.enqueue_indirect_dma source(%dma_start3A_104 : memref<20000x128xf32, #tpu.memory_space<hbm>>) target(%arg10 : memref<128x128xf32, #tpu.memory_space<vmem>>) offsets(%arg6 : memref<128xi32, #tpu.memory_space<vmem>>) semaphore(%arg14 : memref<!tpu.dma_semaphore, #tpu.memory_space<semaphore_mem>>)
      %dma_wait3A_105 = arith.constant 0 : i32
      %dma_wait3A_106 = arith.constant 0 : i32
      %dma_wait3A_107 = tpu.memref_slice %arg2[%dma_wait3A_105, %dma_wait3A_106] : memref<20000x128xf32, #tpu.memory_space<hbm>> -> memref<20000x128xf32, #tpu.memory_space<hbm>>
      tpu.wait_indirect_dma semaphore(%arg15 : memref<!tpu.dma_semaphore, #tpu.memory_space<semaphore_mem>>) src(%dma_wait3A_107 : memref<20000x128xf32, #tpu.memory_space<hbm>>) dst(%arg11 : memref<128x128xf32, #tpu.memory_space<vmem>>)
      "tpu.region"() ({
        %run_scoped3A = tpu.sem_alloc : memref<!tpu.dma_semaphore, #tpu.memory_space<semaphore_mem>>
        %dma_start3A_131 = arith.constant 0 : i32
        %dma_start3A_132 = arith.constant 0 : i32
        %dma_start3A_133 = tpu.memref_slice %arg16[%dma_start3A_131, %dma_start3A_132] : memref<10240x128xf32, #tpu.memory_space<vmem_shared>> -> memref<10240x128xf32, #tpu.memory_space<vmem_shared>>
        tpu.enqueue_indirect_dma source(%arg11 : memref<128x128xf32, #tpu.memory_space<vmem>>) target(%dma_start3A_133 : memref<10240x128xf32, #tpu.memory_space<vmem_shared>>) offsets(%arg9 : memref<128xi32, #tpu.memory_space<vmem>>) semaphore(%run_scoped3A : memref<!tpu.dma_semaphore, #tpu.memory_space<semaphore_mem>>) {add = true}
        %dma_wait3A_134 = arith.constant 0 : i32
        %dma_wait3A_135 = arith.constant 0 : i32
        %dma_wait3A_136 = tpu.memref_slice %arg16[%dma_wait3A_134, %dma_wait3A_135] : memref<10240x128xf32, #tpu.memory_space<vmem_shared>> -> memref<10240x128xf32, #tpu.memory_space<vmem_shared>>
        tpu.wait_indirect_dma semaphore(%run_scoped3A : memref<!tpu.dma_semaphore, #tpu.memory_space<semaphore_mem>>) src(%arg11 : memref<128x128xf32, #tpu.memory_space<vmem>>) dst(%dma_wait3A_136 : memref<10240x128xf32, #tpu.memory_space<vmem_shared>>)
        tpu.yield
      }) : () -> ()
      %mul3A_108 = arith.constant 128 : i32
      %mul3A_109 = arith.muli %rem3A_78, %mul3A_108 : i32
      %add3A_110 = arith.addi %add3A, %mul3A_109 : i32
      %dma_start3A_111 = tpu.memref_slice %arg3[%add3A_110] : memref<655360xi32, #tpu.memory_space<hbm>> -> memref<128xi32, #tpu.memory_space<hbm>>
      %dma_start3A_112 = tpu.memref_slice %arg3[%add3A_110] : memref<655360xi32, #tpu.memory_space<hbm>> -> memref<128xi32, #tpu.memory_space<hbm>>
      tpu.enqueue_dma source(%dma_start3A_112 : memref<128xi32, #tpu.memory_space<hbm>>) target(%arg7 : memref<128xi32, #tpu.memory_space<vmem>>) target_semaphore(%arg13 : memref<!tpu.dma_semaphore, #tpu.memory_space<semaphore_mem>>)
      %mul3A_113 = arith.constant 128 : i32
      %mul3A_114 = arith.muli %rem3A_78, %mul3A_113 : i32
      %add3A_115 = arith.addi %add3A, %mul3A_114 : i32
      %dma_start3A_116 = tpu.memref_slice %arg4[%add3A_115] : memref<655360xi32, #tpu.memory_space<hbm>> -> memref<128xi32, #tpu.memory_space<hbm>>
      %dma_start3A_117 = tpu.memref_slice %arg4[%add3A_115] : memref<655360xi32, #tpu.memory_space<hbm>> -> memref<128xi32, #tpu.memory_space<hbm>>
      tpu.enqueue_dma source(%dma_start3A_117 : memref<128xi32, #tpu.memory_space<hbm>>) target(%arg9 : memref<128xi32, #tpu.memory_space<vmem>>) target_semaphore(%arg13 : memref<!tpu.dma_semaphore, #tpu.memory_space<semaphore_mem>>)
      %mul3A_118 = arith.constant 128 : i32
      %mul3A_119 = arith.muli %rem3A_78, %mul3A_118 : i32
      %add3A_120 = arith.addi %add3A, %mul3A_119 : i32
      %dma_wait3A_121 = tpu.memref_slice %arg3[%add3A_120] : memref<655360xi32, #tpu.memory_space<hbm>> -> memref<128xi32, #tpu.memory_space<hbm>>
      %dma_wait3A_122 = tpu.memref_slice %arg3[%add3A_120] : memref<655360xi32, #tpu.memory_space<hbm>> -> memref<128xi32, #tpu.memory_space<hbm>>
      tpu.wait_dma2 semaphore(%arg13 : memref<!tpu.dma_semaphore, #tpu.memory_space<semaphore_mem>>) src(%dma_wait3A_122 : memref<128xi32, #tpu.memory_space<hbm>>) dst(%arg7 : memref<128xi32, #tpu.memory_space<vmem>>)
      %mul3A_123 = arith.constant 128 : i32
      %mul3A_124 = arith.muli %rem3A_78, %mul3A_123 : i32
      %add3A_125 = arith.addi %add3A, %mul3A_124 : i32
      %dma_wait3A_126 = tpu.memref_slice %arg4[%add3A_125] : memref<655360xi32, #tpu.memory_space<hbm>> -> memref<128xi32, #tpu.memory_space<hbm>>
      %dma_wait3A_127 = tpu.memref_slice %arg4[%add3A_125] : memref<655360xi32, #tpu.memory_space<hbm>> -> memref<128xi32, #tpu.memory_space<hbm>>
      tpu.wait_dma2 semaphore(%arg13 : memref<!tpu.dma_semaphore, #tpu.memory_space<semaphore_mem>>) src(%dma_wait3A_127 : memref<128xi32, #tpu.memory_space<hbm>>) dst(%arg9 : memref<128xi32, #tpu.memory_space<vmem>>)
      %dma_start3A_128 = arith.constant 0 : i32
      %dma_start3A_129 = arith.constant 0 : i32
      %dma_start3A_130 = tpu.memref_slice %arg2[%dma_start3A_128, %dma_start3A_129] : memref<20000x128xf32, #tpu.memory_space<hbm>> -> memref<20000x128xf32, #tpu.memory_space<hbm>>
      tpu.enqueue_indirect_dma source(%dma_start3A_130 : memref<20000x128xf32, #tpu.memory_space<hbm>>) target(%arg11 : memref<128x128xf32, #tpu.memory_space<vmem>>) offsets(%arg7 : memref<128xi32, #tpu.memory_space<vmem>>) semaphore(%arg15 : memref<!tpu.dma_semaphore, #tpu.memory_space<semaphore_mem>>)
    }
    %scan3A_55 = arith.constant 80 : i32
    %dma_wait3A_56 = arith.constant 0 : i32
    %dma_wait3A_57 = arith.constant 0 : i32
    %dma_wait3A_58 = tpu.memref_slice %arg2[%dma_wait3A_56, %dma_wait3A_57] : memref<20000x128xf32, #tpu.memory_space<hbm>> -> memref<20000x128xf32, #tpu.memory_space<hbm>>
    tpu.wait_indirect_dma semaphore(%arg14 : memref<!tpu.dma_semaphore, #tpu.memory_space<semaphore_mem>>) src(%dma_wait3A_58 : memref<20000x128xf32, #tpu.memory_space<hbm>>) dst(%arg10 : memref<128x128xf32, #tpu.memory_space<vmem>>)
    %dma_wait3A_59 = arith.constant 0 : i32
    %dma_wait3A_60 = arith.constant 0 : i32
    %dma_wait3A_61 = tpu.memref_slice %arg2[%dma_wait3A_59, %dma_wait3A_60] : memref<20000x128xf32, #tpu.memory_space<hbm>> -> memref<20000x128xf32, #tpu.memory_space<hbm>>
    tpu.wait_indirect_dma semaphore(%arg15 : memref<!tpu.dma_semaphore, #tpu.memory_space<semaphore_mem>>) src(%dma_wait3A_61 : memref<20000x128xf32, #tpu.memory_space<hbm>>) dst(%arg11 : memref<128x128xf32, #tpu.memory_space<vmem>>)
    %barrier3A_62 = arith.constant 0 : index
    tpu.barrier barrier_id(%barrier3A_62)
    %mul3A_63 = arith.constant 640 : i32
    %mul3A_64 = arith.muli %arg1, %mul3A_63 : i32
    %mul3A_65 = arith.constant 640 : i32
    %mul3A_66 = arith.muli %arg1, %mul3A_65 : i32
    "tpu.region"() ({
      %run_scoped3A = tpu.sem_alloc : memref<!tpu.dma_semaphore, #tpu.memory_space<semaphore_mem>>
      %dma_start3A_67 = arith.constant 0 : i32
      %dma_start3A_68 = tpu.memref_slice %arg5[%arg0, %mul3A_66, %dma_start3A_67] : memref<2x10240x128xf32, #tpu.memory_space<hbm>> -> memref<1x640x128xf32, #tpu.memory_space<hbm>>
      %dma_start3A_69 = tpu.memref_squeeze %dma_start3A_68 : memref<1x640x128xf32, #tpu.memory_space<hbm>> -> memref<640x128xf32, #tpu.memory_space<hbm>>
      %dma_start3A_70 = arith.constant 0 : i32
      %dma_start3A_71 = tpu.memref_slice %arg16[%mul3A_64, %dma_start3A_70] : memref<10240x128xf32, #tpu.memory_space<vmem_shared>> -> memref<640x128xf32, #tpu.memory_space<vmem_shared>>
      tpu.enqueue_dma source(%dma_start3A_71 : memref<640x128xf32, #tpu.memory_space<vmem_shared>>) target(%dma_start3A_69 : memref<640x128xf32, #tpu.memory_space<hbm>>) target_semaphore(%run_scoped3A : memref<!tpu.dma_semaphore, #tpu.memory_space<semaphore_mem>>)
      %dma_wait3A_72 = arith.constant 0 : i32
      %dma_wait3A_73 = tpu.memref_slice %arg5[%arg0, %mul3A_66, %dma_wait3A_72] : memref<2x10240x128xf32, #tpu.memory_space<hbm>> -> memref<1x640x128xf32, #tpu.memory_space<hbm>>
      %dma_wait3A_74 = tpu.memref_squeeze %dma_wait3A_73 : memref<1x640x128xf32, #tpu.memory_space<hbm>> -> memref<640x128xf32, #tpu.memory_space<hbm>>
      %dma_wait3A_75 = arith.constant 0 : i32
      %dma_wait3A_76 = tpu.memref_slice %arg16[%mul3A_64, %dma_wait3A_75] : memref<10240x128xf32, #tpu.memory_space<vmem_shared>> -> memref<640x128xf32, #tpu.memory_space<vmem_shared>>
      tpu.wait_dma2 semaphore(%run_scoped3A : memref<!tpu.dma_semaphore, #tpu.memory_space<semaphore_mem>>) src(%dma_wait3A_76 : memref<640x128xf32, #tpu.memory_space<vmem_shared>>) dst(%dma_wait3A_74 : memref<640x128xf32, #tpu.memory_space<hbm>>)
      tpu.yield
    }) : () -> ()
    return
  }
}

module attributes {stable_mosaic.version = 14 : i64} {
  func.func @_edge_feat_body(%arg0: i32, %arg1: memref<2048x1xi32, #tpu.memory_space<vmem>>, %arg2: memref<2048x1xf32, #tpu.memory_space<vmem>>, %arg3: memref<64x128xf32, #tpu.memory_space<vmem>>, %arg4: memref<1x64xf32, #tpu.memory_space<vmem>>, %arg5: memref<2048x128xf32, #tpu.memory_space<vmem>>) attributes {dimension_semantics = [#tpu.dimension_semantics<arbitrary>], iteration_bounds = array<i64: 160>, scalar_prefetch = 0 : i64, scratch_operands = 0 : i64, tpu.core_type = #tpu.core_type<tc>, window_params = [{transform_indices = @transform_0, window_bounds = array<i64: 2048, 1>}, {transform_indices = @transform_1, window_bounds = array<i64: 2048, 1>}, {pipeline_mode = #tpu.pipeline_mode<synchronous>, transform_indices = @transform_2, window_bounds = array<i64: 64, 128>}, {pipeline_mode = #tpu.pipeline_mode<synchronous>, transform_indices = @transform_3, window_bounds = array<i64: 1, 64>}, {transform_indices = @transform_4, window_bounds = array<i64: 2048, 128>}]} {
    %get3A = arith.constant 0 : index
    %get3A_0 = arith.constant 0 : index
    %get3A_1 = vector.load %arg1[%get3A, %get3A_0] : memref<2048x1xi32, #tpu.memory_space<vmem>>, vector<2048x1xi32>
    %get3A_2 = arith.constant 0 : index
    %get3A_3 = arith.constant 0 : index
    %get3A_4 = vector.load %arg2[%get3A_2, %get3A_3] : memref<2048x1xf32, #tpu.memory_space<vmem>>, vector<2048x1xf32>
    %iota3A = tpu.iota {dimensions = array<i32: 1>} : vector<2048x64xi32>
    %get3A_5 = arith.constant 0 : index
    %get3A_6 = arith.constant 0 : index
    %get3A_7 = vector.load %arg4[%get3A_5, %get3A_6] : memref<1x64xf32, #tpu.memory_space<vmem>>, vector<1x64xf32>
    %eq3A = vector.broadcast %get3A_1 : vector<2048x1xi32> to vector<2048x64xi32>
    %eq3A_8 = arith.cmpi eq, %iota3A, %eq3A : vector<2048x64xi32>
    %lt3A = arith.constant 3 : i32
    %lt3A_9 = vector.broadcast %lt3A : i32 to vector<2048x64xi32>
    %lt3A_10 = arith.cmpi slt, %iota3A, %lt3A_9 : vector<2048x64xi32>
    %and3A = arith.andi %eq3A_8, %lt3A_10 : vector<2048x64xi1>
    %convert_element_type3A = arith.fptosi %get3A_4 : vector<2048x1xf32> to vector<2048x1xi32>
    %sub3A = arith.constant 3 : i32
    %sub3A_11 = vector.broadcast %sub3A : i32 to vector<2048x64xi32>
    %sub3A_12 = arith.subi %iota3A, %sub3A_11 : vector<2048x64xi32>
    %eq3A_13 = vector.broadcast %convert_element_type3A : vector<2048x1xi32> to vector<2048x64xi32>
    %eq3A_14 = arith.cmpi eq, %sub3A_12, %eq3A_13 : vector<2048x64xi32>
    %ge3A = arith.constant 3 : i32
    %ge3A_15 = vector.broadcast %ge3A : i32 to vector<2048x64xi32>
    %ge3A_16 = arith.cmpi sge, %iota3A, %ge3A_15 : vector<2048x64xi32>
    %and3A_17 = arith.andi %eq3A_14, %ge3A_16 : vector<2048x64xi1>
    %lt3A_18 = arith.constant 19 : i32
    %lt3A_19 = vector.broadcast %lt3A_18 : i32 to vector<2048x64xi32>
    %lt3A_20 = arith.cmpi slt, %iota3A, %lt3A_19 : vector<2048x64xi32>
    %and3A_21 = arith.andi %and3A_17, %lt3A_20 : vector<2048x64xi1>
    %eq3A_22 = arith.constant 0 : i32
    %eq3A_23 = vector.broadcast %eq3A_22 : i32 to vector<2048x1xi32>
    %eq3A_24 = arith.cmpi eq, %get3A_1, %eq3A_23 : vector<2048x1xi32>
    %and3A_25 = vector.broadcast %eq3A_24 : vector<2048x1xi1> to vector<2048x64xi1>
    %and3A_26 = arith.andi %and3A_21, %and3A_25 : vector<2048x64xi1>
    %sub3A_27 = vector.broadcast %get3A_4 : vector<2048x1xf32> to vector<2048x64xf32>
    %sub3A_28 = vector.broadcast %get3A_7 : vector<1x64xf32> to vector<2048x64xf32>
    %sub3A_29 = arith.subf %sub3A_27, %sub3A_28 : vector<2048x64xf32>
    %integer_pow3A = arith.mulf %sub3A_29, %sub3A_29 : vector<2048x64xf32>
    %mul3A = arith.constant -1.000000e+01 : f32
    %mul3A_30 = vector.broadcast %mul3A : f32 to vector<2048x64xf32>
    %mul3A_31 = arith.mulf %mul3A_30, %integer_pow3A : vector<2048x64xf32>
    %exp3A = math.exp %mul3A_31 : vector<2048x64xf32>
    %ge3A_32 = arith.constant 19 : i32
    %ge3A_33 = vector.broadcast %ge3A_32 : i32 to vector<2048x64xi32>
    %ge3A_34 = arith.cmpi sge, %iota3A, %ge3A_33 : vector<2048x64xi32>
    %lt3A_35 = arith.constant 39 : i32
    %lt3A_36 = vector.broadcast %lt3A_35 : i32 to vector<2048x64xi32>
    %lt3A_37 = arith.cmpi slt, %iota3A, %lt3A_36 : vector<2048x64xi32>
    %and3A_38 = arith.andi %ge3A_34, %lt3A_37 : vector<2048x64xi1>
    %eq3A_39 = arith.constant 1 : i32
    %eq3A_40 = vector.broadcast %eq3A_39 : i32 to vector<2048x1xi32>
    %eq3A_41 = arith.cmpi eq, %get3A_1, %eq3A_40 : vector<2048x1xi32>
    %and3A_42 = vector.broadcast %eq3A_41 : vector<2048x1xi1> to vector<2048x64xi1>
    %and3A_43 = arith.andi %and3A_38, %and3A_42 : vector<2048x64xi1>
    %ge3A_44 = arith.constant 39 : i32
    %ge3A_45 = vector.broadcast %ge3A_44 : i32 to vector<2048x64xi32>
    %ge3A_46 = arith.cmpi sge, %iota3A, %ge3A_45 : vector<2048x64xi32>
    %lt3A_47 = arith.constant 59 : i32
    %lt3A_48 = vector.broadcast %lt3A_47 : i32 to vector<2048x64xi32>
    %lt3A_49 = arith.cmpi slt, %iota3A, %lt3A_48 : vector<2048x64xi32>
    %and3A_50 = arith.andi %ge3A_46, %lt3A_49 : vector<2048x64xi1>
    %eq3A_51 = arith.constant 2 : i32
    %eq3A_52 = vector.broadcast %eq3A_51 : i32 to vector<2048x1xi32>
    %eq3A_53 = arith.cmpi eq, %get3A_1, %eq3A_52 : vector<2048x1xi32>
    %and3A_54 = vector.broadcast %eq3A_53 : vector<2048x1xi1> to vector<2048x64xi1>
    %and3A_55 = arith.andi %and3A_50, %and3A_54 : vector<2048x64xi1>
    %or3A = arith.ori %and3A_43, %and3A_55 : vector<2048x64xi1>
    %convert_element_type3A_56 = arith.extui %and3A : vector<2048x64xi1> to vector<2048x64xi32>
    %convert_element_type3A_57 = arith.sitofp %convert_element_type3A_56 : vector<2048x64xi32> to vector<2048x64xf32>
    %convert_element_type3A_58 = arith.extui %and3A_26 : vector<2048x64xi1> to vector<2048x64xi32>
    %convert_element_type3A_59 = arith.sitofp %convert_element_type3A_58 : vector<2048x64xi32> to vector<2048x64xf32>
    %add3A = arith.addf %convert_element_type3A_57, %convert_element_type3A_59 : vector<2048x64xf32>
    %convert_element_type3A_60 = arith.extui %or3A : vector<2048x64xi1> to vector<2048x64xi32>
    %convert_element_type3A_61 = arith.sitofp %convert_element_type3A_60 : vector<2048x64xi32> to vector<2048x64xf32>
    %mul3A_62 = arith.mulf %exp3A, %convert_element_type3A_61 : vector<2048x64xf32>
    %add3A_63 = arith.addf %add3A, %mul3A_62 : vector<2048x64xf32>
    %get3A_64 = arith.constant 0 : index
    %get3A_65 = arith.constant 0 : index
    %get3A_66 = vector.load %arg3[%get3A_64, %get3A_65] : memref<64x128xf32, #tpu.memory_space<vmem>>, vector<64x128xf32>
    %dot_general3A = arith.constant dense<0.000000e+00> : vector<2048x128xf32>
    %dot_general3A_67 = tpu.matmul %add3A_63, %get3A_66, %dot_general3A {dimension_numbers = #tpu.dot_dimension_numbers<[1], [0], [0], [1], [0, 0, 1, 1], [], []>, transpose_lhs_hint = false} : vector<2048x64xf32>, vector<64x128xf32>, vector<2048x128xf32> -> vector<2048x128xf32>
    %mul3A_68 = arith.mulf %dot_general3A_67, %dot_general3A_67 : vector<2048x128xf32>
    %reduce_sum3A = arith.constant dense<0.000000e+00> : vector<2048xf32>
    %reduce_sum3A_69 = vector.multi_reduction <add>, %mul3A_68, %reduce_sum3A [1] : vector<2048x128xf32> to vector<2048xf32>
    %broadcast_in_dim3A = vector.shape_cast %reduce_sum3A_69 : vector<2048xf32> to vector<2048x1xf32>
    %sqrt3A = math.sqrt %broadcast_in_dim3A : vector<2048x1xf32>
    %max3A = arith.constant 9.99999996E-13 : f32
    %max3A_70 = vector.broadcast %max3A : f32 to vector<2048x1xf32>
    %max3A_71 = arith.maximumf %sqrt3A, %max3A_70 : vector<2048x1xf32>
    %div3A = arith.constant 1.000000e+00 : f32
    %div3A_72 = vector.broadcast %div3A : f32 to vector<2048x1xf32>
    %div3A_73 = arith.divf %div3A_72, %max3A_71 : vector<2048x1xf32>
    %mul3A_74 = vector.broadcast %div3A_73 : vector<2048x1xf32> to vector<2048x128xf32>
    %mul3A_75 = arith.mulf %dot_general3A_67, %mul3A_74 : vector<2048x128xf32>
    %ge3A_76 = arith.constant 0.000000e+00 : f32
    %ge3A_77 = vector.broadcast %ge3A_76 : f32 to vector<2048x128xf32>
    %ge3A_78 = arith.cmpf oge, %mul3A_75, %ge3A_77 : vector<2048x128xf32>
    %mul3A_79 = arith.constant 0.00999999977 : f32
    %mul3A_80 = vector.broadcast %mul3A_79 : f32 to vector<2048x128xf32>
    %mul3A_81 = arith.mulf %mul3A_80, %mul3A_75 : vector<2048x128xf32>
    %select_n3A = arith.select %ge3A_78, %mul3A_75, %mul3A_81 : vector<2048x128xi1>, vector<2048x128xf32>
    %swap3A = arith.constant 0 : index
    %swap3A_82 = arith.constant 0 : index
    %swap3A_83 = vector.load %arg5[%swap3A, %swap3A_82] : memref<2048x128xf32, #tpu.memory_space<vmem>>, vector<2048x128xf32>
    tpu.vector_store %arg5[%swap3A, %swap3A_82], %select_n3A {strides = array<i32>} : memref<2048x128xf32, #tpu.memory_space<vmem>>, vector<2048x128xf32>,
    return
  }
  func.func @transform_0(%arg0: i32) -> (i32, i32) {
    %c0_i32 = arith.constant 0 : i32
    %c0_i32_0 = arith.constant 0 : i32
    return %arg0, %c0_i32 : i32, i32
  }
  func.func @transform_1(%arg0: i32) -> (i32, i32) {
    %c0_i32 = arith.constant 0 : i32
    %c0_i32_0 = arith.constant 0 : i32
    return %arg0, %c0_i32 : i32, i32
  }
  func.func @transform_2(%arg0: i32) -> (i32, i32) {
    %c0_i32 = arith.constant 0 : i32
    %c0_i32_0 = arith.constant 0 : i32
    %c0_i32_1 = arith.constant 0 : i32
    return %c0_i32, %c0_i32_0 : i32, i32
  }
  func.func @transform_3(%arg0: i32) -> (i32, i32) {
    %c0_i32 = arith.constant 0 : i32
    %c0_i32_0 = arith.constant 0 : i32
    %c0_i32_1 = arith.constant 0 : i32
    return %c0_i32, %c0_i32_0 : i32, i32
  }
  func.func @transform_4(%arg0: i32) -> (i32, i32) {
    %c0_i32 = arith.constant 0 : i32
    %c0_i32_0 = arith.constant 0 : i32
    return %arg0, %c0_i32 : i32, i32
  }
}

module attributes {stable_mosaic.version = 14 : i64} {
  func.func @_post_body(%arg0: i32, %arg1: memref<1000x128xf32, #tpu.memory_space<vmem>>, %arg2: memref<1000x128xf32, #tpu.memory_space<vmem>>, %arg3: memref<1000x16xf32, #tpu.memory_space<vmem>>, %arg4: memref<1000x128xf32, #tpu.memory_space<vmem>>, %arg5: memref<128x128xf32, #tpu.memory_space<vmem>>, %arg6: memref<1x128xf32, #tpu.memory_space<vmem>>, %arg7: memref<1000x128xf32, #tpu.memory_space<vmem>>, %arg8: memref<1000x128xf32, #tpu.memory_space<vmem>>, %arg9: memref<1000x16xf32, #tpu.memory_space<vmem>>, %arg10: memref<1000x128xf32, #tpu.memory_space<vmem>>, %arg11: memref<128x128xf32, #tpu.memory_space<vmem>>, %arg12: memref<1x128xf32, #tpu.memory_space<vmem>>, %arg13: memref<1000x128xf32, #tpu.memory_space<vmem>>, %arg14: memref<1000x128xf32, #tpu.memory_space<vmem>>) attributes {dimension_semantics = [#tpu.dimension_semantics<arbitrary>], iteration_bounds = array<i64: 10>, scalar_prefetch = 0 : i64, scratch_operands = 0 : i64, tpu.core_type = #tpu.core_type<tc>, window_params = [{transform_indices = @transform_0, window_bounds = array<i64: 1000, 128>}, {transform_indices = @transform_1, window_bounds = array<i64: 1000, 128>}, {transform_indices = @transform_2, window_bounds = array<i64: 1000, 16>}, {transform_indices = @transform_3, window_bounds = array<i64: 1000, 128>}, {pipeline_mode = #tpu.pipeline_mode<synchronous>, transform_indices = @transform_4, window_bounds = array<i64: 128, 128>}, {pipeline_mode = #tpu.pipeline_mode<synchronous>, transform_indices = @transform_5, window_bounds = array<i64: 1, 128>}, {transform_indices = @transform_6, window_bounds = array<i64: 1000, 128>}, {transform_indices = @transform_7, window_bounds = array<i64: 1000, 128>}, {transform_indices = @transform_8, window_bounds = array<i64: 1000, 16>}, {transform_indices = @transform_9, window_bounds = array<i64: 1000, 128>}, {pipeline_mode = #tpu.pipeline_mode<synchronous>, transform_indices = @transform_10, window_bounds = array<i64: 128, 128>}, {pipeline_mode = #tpu.pipeline_mode<synchronous>, transform_indices = @transform_11, window_bounds = array<i64: 1, 128>}, {transform_indices = @transform_12, window_bounds = array<i64: 1000, 128>}, {transform_indices = @transform_13, window_bounds = array<i64: 1000, 128>}]} {
    %get3A = arith.constant 0 : index
    %get3A_0 = arith.constant 0 : index
    %get3A_1 = vector.load %arg3[%get3A, %get3A_0] : memref<1000x16xf32, #tpu.memory_space<vmem>>, vector<1000x16xf32>
    %reduce_sum3A = arith.constant dense<0.000000e+00> : vector<1000xf32>
    %reduce_sum3A_2 = vector.multi_reduction <add>, %get3A_1, %reduce_sum3A [1] : vector<1000x16xf32> to vector<1000xf32>
    %broadcast_in_dim3A = vector.shape_cast %reduce_sum3A_2 : vector<1000xf32> to vector<1000x1xf32>
    %get3A_3 = arith.constant 0 : index
    %get3A_4 = arith.constant 0 : index
    %get3A_5 = vector.load %arg1[%get3A_3, %get3A_4] : memref<1000x128xf32, #tpu.memory_space<vmem>>, vector<1000x128xf32>
    %get3A_6 = arith.constant 0 : index
    %get3A_7 = arith.constant 0 : index
    %get3A_8 = vector.load %arg2[%get3A_6, %get3A_7] : memref<1000x128xf32, #tpu.memory_space<vmem>>, vector<1000x128xf32>
    %add3A = arith.addf %get3A_5, %get3A_8 : vector<1000x128xf32>
    %max3A = arith.constant 1.000000e+00 : f32
    %max3A_9 = vector.broadcast %max3A : f32 to vector<1000x1xf32>
    %max3A_10 = arith.maximumf %broadcast_in_dim3A, %max3A_9 : vector<1000x1xf32>
    %div3A = vector.broadcast %max3A_10 : vector<1000x1xf32> to vector<1000x128xf32>
    %div3A_11 = arith.divf %add3A, %div3A : vector<1000x128xf32>
    %get3A_12 = arith.constant 0 : index
    %get3A_13 = arith.constant 0 : index
    %get3A_14 = vector.load %arg4[%get3A_12, %get3A_13] : memref<1000x128xf32, #tpu.memory_space<vmem>>, vector<1000x128xf32>
    %get3A_15 = arith.constant 0 : index
    %get3A_16 = arith.constant 0 : index
    %get3A_17 = vector.load %arg5[%get3A_15, %get3A_16] : memref<128x128xf32, #tpu.memory_space<vmem>>, vector<128x128xf32>
    %dot_general3A = arith.constant dense<0.000000e+00> : vector<1000x128xf32>
    %dot_general3A_18 = tpu.matmul %get3A_14, %get3A_17, %dot_general3A {dimension_numbers = #tpu.dot_dimension_numbers<[1], [0], [0], [1], [0, 0, 1, 1], [], []>, transpose_lhs_hint = false} : vector<1000x128xf32>, vector<128x128xf32>, vector<1000x128xf32> -> vector<1000x128xf32>
    %add3A_19 = arith.addf %div3A_11, %dot_general3A_18 : vector<1000x128xf32>
    %get3A_20 = arith.constant 0 : index
    %get3A_21 = arith.constant 0 : index
    %get3A_22 = vector.load %arg6[%get3A_20, %get3A_21] : memref<1x128xf32, #tpu.memory_space<vmem>>, vector<1x128xf32>
    %add3A_23 = vector.broadcast %get3A_22 : vector<1x128xf32> to vector<1000x128xf32>
    %add3A_24 = arith.addf %add3A_19, %add3A_23 : vector<1000x128xf32>
    %mul3A = arith.mulf %add3A_24, %add3A_24 : vector<1000x128xf32>
    %reduce_sum3A_25 = arith.constant dense<0.000000e+00> : vector<1000xf32>
    %reduce_sum3A_26 = vector.multi_reduction <add>, %mul3A, %reduce_sum3A_25 [1] : vector<1000x128xf32> to vector<1000xf32>
    %broadcast_in_dim3A_27 = vector.shape_cast %reduce_sum3A_26 : vector<1000xf32> to vector<1000x1xf32>
    %sqrt3A = math.sqrt %broadcast_in_dim3A_27 : vector<1000x1xf32>
    %max3A_28 = arith.constant 9.99999996E-13 : f32
    %max3A_29 = vector.broadcast %max3A_28 : f32 to vector<1000x1xf32>
    %max3A_30 = arith.maximumf %sqrt3A, %max3A_29 : vector<1000x1xf32>
    %div3A_31 = arith.constant 1.000000e+00 : f32
    %div3A_32 = vector.broadcast %div3A_31 : f32 to vector<1000x1xf32>
    %div3A_33 = arith.divf %div3A_32, %max3A_30 : vector<1000x1xf32>
    %mul3A_34 = vector.broadcast %div3A_33 : vector<1000x1xf32> to vector<1000x128xf32>
    %mul3A_35 = arith.mulf %add3A_24, %mul3A_34 : vector<1000x128xf32>
    %ge3A = arith.constant 0.000000e+00 : f32
    %ge3A_36 = vector.broadcast %ge3A : f32 to vector<1000x128xf32>
    %ge3A_37 = arith.cmpf oge, %mul3A_35, %ge3A_36 : vector<1000x128xf32>
    %mul3A_38 = arith.constant 0.00999999977 : f32
    %mul3A_39 = vector.broadcast %mul3A_38 : f32 to vector<1000x128xf32>
    %mul3A_40 = arith.mulf %mul3A_39, %mul3A_35 : vector<1000x128xf32>
    %select_n3A = arith.select %ge3A_37, %mul3A_35, %mul3A_40 : vector<1000x128xi1>, vector<1000x128xf32>
    %swap3A = arith.constant 0 : index
    %swap3A_41 = arith.constant 0 : index
    %swap3A_42 = vector.load %arg13[%swap3A, %swap3A_41] : memref<1000x128xf32, #tpu.memory_space<vmem>>, vector<1000x128xf32>
    tpu.vector_store %arg13[%swap3A, %swap3A_41], %select_n3A {strides = array<i32>} : memref<1000x128xf32, #tpu.memory_space<vmem>>, vector<1000x128xf32>,
    %get3A_43 = arith.constant 0 : index
    %get3A_44 = arith.constant 0 : index
    %get3A_45 = vector.load %arg9[%get3A_43, %get3A_44] : memref<1000x16xf32, #tpu.memory_space<vmem>>, vector<1000x16xf32>
    %reduce_sum3A_46 = arith.constant dense<0.000000e+00> : vector<1000xf32>
    %reduce_sum3A_47 = vector.multi_reduction <add>, %get3A_45, %reduce_sum3A_46 [1] : vector<1000x16xf32> to vector<1000xf32>
    %broadcast_in_dim3A_48 = vector.shape_cast %reduce_sum3A_47 : vector<1000xf32> to vector<1000x1xf32>
    %get3A_49 = arith.constant 0 : index
    %get3A_50 = arith.constant 0 : index
    %get3A_51 = vector.load %arg7[%get3A_49, %get3A_50] : memref<1000x128xf32, #tpu.memory_space<vmem>>, vector<1000x128xf32>
    %get3A_52 = arith.constant 0 : index
    %get3A_53 = arith.constant 0 : index
    %get3A_54 = vector.load %arg8[%get3A_52, %get3A_53] : memref<1000x128xf32, #tpu.memory_space<vmem>>, vector<1000x128xf32>
    %add3A_55 = arith.addf %get3A_51, %get3A_54 : vector<1000x128xf32>
    %max3A_56 = arith.constant 1.000000e+00 : f32
    %max3A_57 = vector.broadcast %max3A_56 : f32 to vector<1000x1xf32>
    %max3A_58 = arith.maximumf %broadcast_in_dim3A_48, %max3A_57 : vector<1000x1xf32>
    %div3A_59 = vector.broadcast %max3A_58 : vector<1000x1xf32> to vector<1000x128xf32>
    %div3A_60 = arith.divf %add3A_55, %div3A_59 : vector<1000x128xf32>
    %get3A_61 = arith.constant 0 : index
    %get3A_62 = arith.constant 0 : index
    %get3A_63 = vector.load %arg10[%get3A_61, %get3A_62] : memref<1000x128xf32, #tpu.memory_space<vmem>>, vector<1000x128xf32>
    %get3A_64 = arith.constant 0 : index
    %get3A_65 = arith.constant 0 : index
    %get3A_66 = vector.load %arg11[%get3A_64, %get3A_65] : memref<128x128xf32, #tpu.memory_space<vmem>>, vector<128x128xf32>
    %dot_general3A_67 = arith.constant dense<0.000000e+00> : vector<1000x128xf32>
    %dot_general3A_68 = tpu.matmul %get3A_63, %get3A_66, %dot_general3A_67 {dimension_numbers = #tpu.dot_dimension_numbers<[1], [0], [0], [1], [0, 0, 1, 1], [], []>, transpose_lhs_hint = false} : vector<1000x128xf32>, vector<128x128xf32>, vector<1000x128xf32> -> vector<1000x128xf32>
    %add3A_69 = arith.addf %div3A_60, %dot_general3A_68 : vector<1000x128xf32>
    %get3A_70 = arith.constant 0 : index
    %get3A_71 = arith.constant 0 : index
    %get3A_72 = vector.load %arg12[%get3A_70, %get3A_71] : memref<1x128xf32, #tpu.memory_space<vmem>>, vector<1x128xf32>
    %add3A_73 = vector.broadcast %get3A_72 : vector<1x128xf32> to vector<1000x128xf32>
    %add3A_74 = arith.addf %add3A_69, %add3A_73 : vector<1000x128xf32>
    %mul3A_75 = arith.mulf %add3A_74, %add3A_74 : vector<1000x128xf32>
    %reduce_sum3A_76 = arith.constant dense<0.000000e+00> : vector<1000xf32>
    %reduce_sum3A_77 = vector.multi_reduction <add>, %mul3A_75, %reduce_sum3A_76 [1] : vector<1000x128xf32> to vector<1000xf32>
    %broadcast_in_dim3A_78 = vector.shape_cast %reduce_sum3A_77 : vector<1000xf32> to vector<1000x1xf32>
    %sqrt3A_79 = math.sqrt %broadcast_in_dim3A_78 : vector<1000x1xf32>
    %max3A_80 = arith.constant 9.99999996E-13 : f32
    %max3A_81 = vector.broadcast %max3A_80 : f32 to vector<1000x1xf32>
    %max3A_82 = arith.maximumf %sqrt3A_79, %max3A_81 : vector<1000x1xf32>
    %div3A_83 = arith.constant 1.000000e+00 : f32
    %div3A_84 = vector.broadcast %div3A_83 : f32 to vector<1000x1xf32>
    %div3A_85 = arith.divf %div3A_84, %max3A_82 : vector<1000x1xf32>
    %mul3A_86 = vector.broadcast %div3A_85 : vector<1000x1xf32> to vector<1000x128xf32>
    %mul3A_87 = arith.mulf %add3A_74, %mul3A_86 : vector<1000x128xf32>
    %ge3A_88 = arith.constant 0.000000e+00 : f32
    %ge3A_89 = vector.broadcast %ge3A_88 : f32 to vector<1000x128xf32>
    %ge3A_90 = arith.cmpf oge, %mul3A_87, %ge3A_89 : vector<1000x128xf32>
    %mul3A_91 = arith.constant 0.00999999977 : f32
    %mul3A_92 = vector.broadcast %mul3A_91 : f32 to vector<1000x128xf32>
    %mul3A_93 = arith.mulf %mul3A_92, %mul3A_87 : vector<1000x128xf32>
    %select_n3A_94 = arith.select %ge3A_90, %mul3A_87, %mul3A_93 : vector<1000x128xi1>, vector<1000x128xf32>
    %swap3A_95 = arith.constant 0 : index
    %swap3A_96 = arith.constant 0 : index
    %swap3A_97 = vector.load %arg14[%swap3A_95, %swap3A_96] : memref<1000x128xf32, #tpu.memory_space<vmem>>, vector<1000x128xf32>
    tpu.vector_store %arg14[%swap3A_95, %swap3A_96], %select_n3A_94 {strides = array<i32>} : memref<1000x128xf32, #tpu.memory_space<vmem>>, vector<1000x128xf32>,
    return
  }
  func.func @transform_0(%arg0: i32) -> (i32, i32) {
    %c0_i32 = arith.constant 0 : i32
    %c0_i32_0 = arith.constant 0 : i32
    return %arg0, %c0_i32 : i32, i32
  }
  func.func @transform_1(%arg0: i32) -> (i32, i32) {
    %c0_i32 = arith.constant 0 : i32
    %c0_i32_0 = arith.constant 0 : i32
    return %arg0, %c0_i32 : i32, i32
  }
  func.func @transform_2(%arg0: i32) -> (i32, i32) {
    %c0_i32 = arith.constant 0 : i32
    %c0_i32_0 = arith.constant 0 : i32
    return %arg0, %c0_i32 : i32, i32
  }
  func.func @transform_3(%arg0: i32) -> (i32, i32) {
    %c0_i32 = arith.constant 0 : i32
    %c0_i32_0 = arith.constant 0 : i32
    return %arg0, %c0_i32 : i32, i32
  }
  func.func @transform_4(%arg0: i32) -> (i32, i32) {
    %c0_i32 = arith.constant 0 : i32
    %c0_i32_0 = arith.constant 0 : i32
    %c0_i32_1 = arith.constant 0 : i32
    return %c0_i32, %c0_i32_0 : i32, i32
  }
  func.func @transform_5(%arg0: i32) -> (i32, i32) {
    %c0_i32 = arith.constant 0 : i32
    %c0_i32_0 = arith.constant 0 : i32
    %c0_i32_1 = arith.constant 0 : i32
    return %c0_i32, %c0_i32_0 : i32, i32
  }
  func.func @transform_6(%arg0: i32) -> (i32, i32) {
    %c0_i32 = arith.constant 0 : i32
    %c0_i32_0 = arith.constant 0 : i32
    return %arg0, %c0_i32 : i32, i32
  }
  func.func @transform_7(%arg0: i32) -> (i32, i32) {
    %c0_i32 = arith.constant 0 : i32
    %c0_i32_0 = arith.constant 0 : i32
    return %arg0, %c0_i32 : i32, i32
  }
  func.func @transform_8(%arg0: i32) -> (i32, i32) {
    %c0_i32 = arith.constant 0 : i32
    %c0_i32_0 = arith.constant 0 : i32
    return %arg0, %c0_i32 : i32, i32
  }
  func.func @transform_9(%arg0: i32) -> (i32, i32) {
    %c0_i32 = arith.constant 0 : i32
    %c0_i32_0 = arith.constant 0 : i32
    return %arg0, %c0_i32 : i32, i32
  }
  func.func @transform_10(%arg0: i32) -> (i32, i32) {
    %c0_i32 = arith.constant 0 : i32
    %c0_i32_0 = arith.constant 0 : i32
    %c0_i32_1 = arith.constant 0 : i32
    return %c0_i32, %c0_i32_0 : i32, i32
  }
  func.func @transform_11(%arg0: i32) -> (i32, i32) {
    %c0_i32 = arith.constant 0 : i32
    %c0_i32_0 = arith.constant 0 : i32
    %c0_i32_1 = arith.constant 0 : i32
    return %c0_i32, %c0_i32_0 : i32, i32
  }
  func.func @transform_12(%arg0: i32) -> (i32, i32) {
    %c0_i32 = arith.constant 0 : i32
    %c0_i32_0 = arith.constant 0 : i32
    return %arg0, %c0_i32 : i32, i32
  }
  func.func @transform_13(%arg0: i32) -> (i32, i32) {
    %c0_i32 = arith.constant 0 : i32
    %c0_i32_0 = arith.constant 0 : i32
    return %arg0, %c0_i32 : i32, i32
  }
}

module attributes {stable_mosaic.version = 14 : i64} {
  func.func @_final_body(%arg0: i32, %arg1: memref<1000x128xf32, #tpu.memory_space<vmem>>, %arg2: memref<1000x128xf32, #tpu.memory_space<vmem>>, %arg3: memref<1000x16xf32, #tpu.memory_space<vmem>>, %arg4: memref<1000x128xf32, #tpu.memory_space<vmem>>, %arg5: memref<128x128xf32, #tpu.memory_space<vmem>>, %arg6: memref<1x128xf32, #tpu.memory_space<vmem>>, %arg7: memref<1000x128xf32, #tpu.memory_space<vmem>>, %arg8: memref<1000x128xf32, #tpu.memory_space<vmem>>, %arg9: memref<1000x16xf32, #tpu.memory_space<vmem>>, %arg10: memref<1000x128xf32, #tpu.memory_space<vmem>>, %arg11: memref<128x128xf32, #tpu.memory_space<vmem>>, %arg12: memref<1x128xf32, #tpu.memory_space<vmem>>, %arg13: memref<128x128xf32, #tpu.memory_space<vmem>>, %arg14: memref<128x128xf32, #tpu.memory_space<vmem>>, %arg15: memref<1x128xf32, #tpu.memory_space<vmem>>, %arg16: memref<1000x128xf32, #tpu.memory_space<vmem>>) attributes {dimension_semantics = [#tpu.dimension_semantics<arbitrary>], iteration_bounds = array<i64: 10>, scalar_prefetch = 0 : i64, scratch_operands = 0 : i64, tpu.core_type = #tpu.core_type<tc>, window_params = [{transform_indices = @transform_0, window_bounds = array<i64: 1000, 128>}, {transform_indices = @transform_1, window_bounds = array<i64: 1000, 128>}, {transform_indices = @transform_2, window_bounds = array<i64: 1000, 16>}, {transform_indices = @transform_3, window_bounds = array<i64: 1000, 128>}, {pipeline_mode = #tpu.pipeline_mode<synchronous>, transform_indices = @transform_4, window_bounds = array<i64: 128, 128>}, {pipeline_mode = #tpu.pipeline_mode<synchronous>, transform_indices = @transform_5, window_bounds = array<i64: 1, 128>}, {transform_indices = @transform_6, window_bounds = array<i64: 1000, 128>}, {transform_indices = @transform_7, window_bounds = array<i64: 1000, 128>}, {transform_indices = @transform_8, window_bounds = array<i64: 1000, 16>}, {transform_indices = @transform_9, window_bounds = array<i64: 1000, 128>}, {pipeline_mode = #tpu.pipeline_mode<synchronous>, transform_indices = @transform_10, window_bounds = array<i64: 128, 128>}, {pipeline_mode = #tpu.pipeline_mode<synchronous>, transform_indices = @transform_11, window_bounds = array<i64: 1, 128>}, {pipeline_mode = #tpu.pipeline_mode<synchronous>, transform_indices = @transform_12, window_bounds = array<i64: 128, 128>}, {pipeline_mode = #tpu.pipeline_mode<synchronous>, transform_indices = @transform_13, window_bounds = array<i64: 128, 128>}, {pipeline_mode = #tpu.pipeline_mode<synchronous>, transform_indices = @transform_14, window_bounds = array<i64: 1, 128>}, {transform_indices = @transform_15, window_bounds = array<i64: 1000, 128>}]} {
    %get3A = arith.constant 0 : index
    %get3A_0 = arith.constant 0 : index
    %get3A_1 = vector.load %arg3[%get3A, %get3A_0] : memref<1000x16xf32, #tpu.memory_space<vmem>>, vector<1000x16xf32>
    %reduce_sum3A = arith.constant dense<0.000000e+00> : vector<1000xf32>
    %reduce_sum3A_2 = vector.multi_reduction <add>, %get3A_1, %reduce_sum3A [1] : vector<1000x16xf32> to vector<1000xf32>
    %broadcast_in_dim3A = vector.shape_cast %reduce_sum3A_2 : vector<1000xf32> to vector<1000x1xf32>
    %get3A_3 = arith.constant 0 : index
    %get3A_4 = arith.constant 0 : index
    %get3A_5 = vector.load %arg1[%get3A_3, %get3A_4] : memref<1000x128xf32, #tpu.memory_space<vmem>>, vector<1000x128xf32>
    %get3A_6 = arith.constant 0 : index
    %get3A_7 = arith.constant 0 : index
    %get3A_8 = vector.load %arg2[%get3A_6, %get3A_7] : memref<1000x128xf32, #tpu.memory_space<vmem>>, vector<1000x128xf32>
    %add3A = arith.addf %get3A_5, %get3A_8 : vector<1000x128xf32>
    %max3A = arith.constant 1.000000e+00 : f32
    %max3A_9 = vector.broadcast %max3A : f32 to vector<1000x1xf32>
    %max3A_10 = arith.maximumf %broadcast_in_dim3A, %max3A_9 : vector<1000x1xf32>
    %div3A = vector.broadcast %max3A_10 : vector<1000x1xf32> to vector<1000x128xf32>
    %div3A_11 = arith.divf %add3A, %div3A : vector<1000x128xf32>
    %get3A_12 = arith.constant 0 : index
    %get3A_13 = arith.constant 0 : index
    %get3A_14 = vector.load %arg4[%get3A_12, %get3A_13] : memref<1000x128xf32, #tpu.memory_space<vmem>>, vector<1000x128xf32>
    %get3A_15 = arith.constant 0 : index
    %get3A_16 = arith.constant 0 : index
    %get3A_17 = vector.load %arg5[%get3A_15, %get3A_16] : memref<128x128xf32, #tpu.memory_space<vmem>>, vector<128x128xf32>
    %dot_general3A = arith.constant dense<0.000000e+00> : vector<1000x128xf32>
    %dot_general3A_18 = tpu.matmul %get3A_14, %get3A_17, %dot_general3A {dimension_numbers = #tpu.dot_dimension_numbers<[1], [0], [0], [1], [0, 0, 1, 1], [], []>, transpose_lhs_hint = false} : vector<1000x128xf32>, vector<128x128xf32>, vector<1000x128xf32> -> vector<1000x128xf32>
    %add3A_19 = arith.addf %div3A_11, %dot_general3A_18 : vector<1000x128xf32>
    %get3A_20 = arith.constant 0 : index
    %get3A_21 = arith.constant 0 : index
    %get3A_22 = vector.load %arg6[%get3A_20, %get3A_21] : memref<1x128xf32, #tpu.memory_space<vmem>>, vector<1x128xf32>
    %add3A_23 = vector.broadcast %get3A_22 : vector<1x128xf32> to vector<1000x128xf32>
    %add3A_24 = arith.addf %add3A_19, %add3A_23 : vector<1000x128xf32>
    %mul3A = arith.mulf %add3A_24, %add3A_24 : vector<1000x128xf32>
    %reduce_sum3A_25 = arith.constant dense<0.000000e+00> : vector<1000xf32>
    %reduce_sum3A_26 = vector.multi_reduction <add>, %mul3A, %reduce_sum3A_25 [1] : vector<1000x128xf32> to vector<1000xf32>
    %broadcast_in_dim3A_27 = vector.shape_cast %reduce_sum3A_26 : vector<1000xf32> to vector<1000x1xf32>
    %sqrt3A = math.sqrt %broadcast_in_dim3A_27 : vector<1000x1xf32>
    %max3A_28 = arith.constant 9.99999996E-13 : f32
    %max3A_29 = vector.broadcast %max3A_28 : f32 to vector<1000x1xf32>
    %max3A_30 = arith.maximumf %sqrt3A, %max3A_29 : vector<1000x1xf32>
    %div3A_31 = arith.constant 1.000000e+00 : f32
    %div3A_32 = vector.broadcast %div3A_31 : f32 to vector<1000x1xf32>
    %div3A_33 = arith.divf %div3A_32, %max3A_30 : vector<1000x1xf32>
    %mul3A_34 = vector.broadcast %div3A_33 : vector<1000x1xf32> to vector<1000x128xf32>
    %mul3A_35 = arith.mulf %add3A_24, %mul3A_34 : vector<1000x128xf32>
    %ge3A = arith.constant 0.000000e+00 : f32
    %ge3A_36 = vector.broadcast %ge3A : f32 to vector<1000x128xf32>
    %ge3A_37 = arith.cmpf oge, %mul3A_35, %ge3A_36 : vector<1000x128xf32>
    %mul3A_38 = arith.constant 0.00999999977 : f32
    %mul3A_39 = vector.broadcast %mul3A_38 : f32 to vector<1000x128xf32>
    %mul3A_40 = arith.mulf %mul3A_39, %mul3A_35 : vector<1000x128xf32>
    %select_n3A = arith.select %ge3A_37, %mul3A_35, %mul3A_40 : vector<1000x128xi1>, vector<1000x128xf32>
    %get3A_41 = arith.constant 0 : index
    %get3A_42 = arith.constant 0 : index
    %get3A_43 = vector.load %arg9[%get3A_41, %get3A_42] : memref<1000x16xf32, #tpu.memory_space<vmem>>, vector<1000x16xf32>
    %reduce_sum3A_44 = arith.constant dense<0.000000e+00> : vector<1000xf32>
    %reduce_sum3A_45 = vector.multi_reduction <add>, %get3A_43, %reduce_sum3A_44 [1] : vector<1000x16xf32> to vector<1000xf32>
    %broadcast_in_dim3A_46 = vector.shape_cast %reduce_sum3A_45 : vector<1000xf32> to vector<1000x1xf32>
    %get3A_47 = arith.constant 0 : index
    %get3A_48 = arith.constant 0 : index
    %get3A_49 = vector.load %arg7[%get3A_47, %get3A_48] : memref<1000x128xf32, #tpu.memory_space<vmem>>, vector<1000x128xf32>
    %get3A_50 = arith.constant 0 : index
    %get3A_51 = arith.constant 0 : index
    %get3A_52 = vector.load %arg8[%get3A_50, %get3A_51] : memref<1000x128xf32, #tpu.memory_space<vmem>>, vector<1000x128xf32>
    %add3A_53 = arith.addf %get3A_49, %get3A_52 : vector<1000x128xf32>
    %max3A_54 = arith.constant 1.000000e+00 : f32
    %max3A_55 = vector.broadcast %max3A_54 : f32 to vector<1000x1xf32>
    %max3A_56 = arith.maximumf %broadcast_in_dim3A_46, %max3A_55 : vector<1000x1xf32>
    %div3A_57 = vector.broadcast %max3A_56 : vector<1000x1xf32> to vector<1000x128xf32>
    %div3A_58 = arith.divf %add3A_53, %div3A_57 : vector<1000x128xf32>
    %get3A_59 = arith.constant 0 : index
    %get3A_60 = arith.constant 0 : index
    %get3A_61 = vector.load %arg10[%get3A_59, %get3A_60] : memref<1000x128xf32, #tpu.memory_space<vmem>>, vector<1000x128xf32>
    %get3A_62 = arith.constant 0 : index
    %get3A_63 = arith.constant 0 : index
    %get3A_64 = vector.load %arg11[%get3A_62, %get3A_63] : memref<128x128xf32, #tpu.memory_space<vmem>>, vector<128x128xf32>
    %dot_general3A_65 = arith.constant dense<0.000000e+00> : vector<1000x128xf32>
    %dot_general3A_66 = tpu.matmul %get3A_61, %get3A_64, %dot_general3A_65 {dimension_numbers = #tpu.dot_dimension_numbers<[1], [0], [0], [1], [0, 0, 1, 1], [], []>, transpose_lhs_hint = false} : vector<1000x128xf32>, vector<128x128xf32>, vector<1000x128xf32> -> vector<1000x128xf32>
    %add3A_67 = arith.addf %div3A_58, %dot_general3A_66 : vector<1000x128xf32>
    %get3A_68 = arith.constant 0 : index
    %get3A_69 = arith.constant 0 : index
    %get3A_70 = vector.load %arg12[%get3A_68, %get3A_69] : memref<1x128xf32, #tpu.memory_space<vmem>>, vector<1x128xf32>
    %add3A_71 = vector.broadcast %get3A_70 : vector<1x128xf32> to vector<1000x128xf32>
    %add3A_72 = arith.addf %add3A_67, %add3A_71 : vector<1000x128xf32>
    %mul3A_73 = arith.mulf %add3A_72, %add3A_72 : vector<1000x128xf32>
    %reduce_sum3A_74 = arith.constant dense<0.000000e+00> : vector<1000xf32>
    %reduce_sum3A_75 = vector.multi_reduction <add>, %mul3A_73, %reduce_sum3A_74 [1] : vector<1000x128xf32> to vector<1000xf32>
    %broadcast_in_dim3A_76 = vector.shape_cast %reduce_sum3A_75 : vector<1000xf32> to vector<1000x1xf32>
    %sqrt3A_77 = math.sqrt %broadcast_in_dim3A_76 : vector<1000x1xf32>
    %max3A_78 = arith.constant 9.99999996E-13 : f32
    %max3A_79 = vector.broadcast %max3A_78 : f32 to vector<1000x1xf32>
    %max3A_80 = arith.maximumf %sqrt3A_77, %max3A_79 : vector<1000x1xf32>
    %div3A_81 = arith.constant 1.000000e+00 : f32
    %div3A_82 = vector.broadcast %div3A_81 : f32 to vector<1000x1xf32>
    %div3A_83 = arith.divf %div3A_82, %max3A_80 : vector<1000x1xf32>
    %mul3A_84 = vector.broadcast %div3A_83 : vector<1000x1xf32> to vector<1000x128xf32>
    %mul3A_85 = arith.mulf %add3A_72, %mul3A_84 : vector<1000x128xf32>
    %ge3A_86 = arith.constant 0.000000e+00 : f32
    %ge3A_87 = vector.broadcast %ge3A_86 : f32 to vector<1000x128xf32>
    %ge3A_88 = arith.cmpf oge, %mul3A_85, %ge3A_87 : vector<1000x128xf32>
    %mul3A_89 = arith.constant 0.00999999977 : f32
    %mul3A_90 = vector.broadcast %mul3A_89 : f32 to vector<1000x128xf32>
    %mul3A_91 = arith.mulf %mul3A_90, %mul3A_85 : vector<1000x128xf32>
    %select_n3A_92 = arith.select %ge3A_88, %mul3A_85, %mul3A_91 : vector<1000x128xi1>, vector<1000x128xf32>
    %get3A_93 = arith.constant 0 : index
    %get3A_94 = arith.constant 0 : index
    %get3A_95 = vector.load %arg13[%get3A_93, %get3A_94] : memref<128x128xf32, #tpu.memory_space<vmem>>, vector<128x128xf32>
    %dot_general3A_96 = arith.constant dense<0.000000e+00> : vector<1000x128xf32>
    %dot_general3A_97 = tpu.matmul %select_n3A, %get3A_95, %dot_general3A_96 {dimension_numbers = #tpu.dot_dimension_numbers<[1], [0], [0], [1], [0, 0, 1, 1], [], []>, transpose_lhs_hint = false} : vector<1000x128xf32>, vector<128x128xf32>, vector<1000x128xf32> -> vector<1000x128xf32>
    %get3A_98 = arith.constant 0 : index
    %get3A_99 = arith.constant 0 : index
    %get3A_100 = vector.load %arg14[%get3A_98, %get3A_99] : memref<128x128xf32, #tpu.memory_space<vmem>>, vector<128x128xf32>
    %dot_general3A_101 = arith.constant dense<0.000000e+00> : vector<1000x128xf32>
    %dot_general3A_102 = tpu.matmul %select_n3A_92, %get3A_100, %dot_general3A_101 {dimension_numbers = #tpu.dot_dimension_numbers<[1], [0], [0], [1], [0, 0, 1, 1], [], []>, transpose_lhs_hint = false} : vector<1000x128xf32>, vector<128x128xf32>, vector<1000x128xf32> -> vector<1000x128xf32>
    %add3A_103 = arith.addf %dot_general3A_97, %dot_general3A_102 : vector<1000x128xf32>
    %get3A_104 = arith.constant 0 : index
    %get3A_105 = arith.constant 0 : index
    %get3A_106 = vector.load %arg15[%get3A_104, %get3A_105] : memref<1x128xf32, #tpu.memory_space<vmem>>, vector<1x128xf32>
    %add3A_107 = vector.broadcast %get3A_106 : vector<1x128xf32> to vector<1000x128xf32>
    %add3A_108 = arith.addf %add3A_103, %add3A_107 : vector<1000x128xf32>
    %ge3A_109 = arith.constant 0.000000e+00 : f32
    %ge3A_110 = vector.broadcast %ge3A_109 : f32 to vector<1000x128xf32>
    %ge3A_111 = arith.cmpf oge, %add3A_108, %ge3A_110 : vector<1000x128xf32>
    %mul3A_112 = arith.constant 0.00999999977 : f32
    %mul3A_113 = vector.broadcast %mul3A_112 : f32 to vector<1000x128xf32>
    %mul3A_114 = arith.mulf %mul3A_113, %add3A_108 : vector<1000x128xf32>
    %select_n3A_115 = arith.select %ge3A_111, %add3A_108, %mul3A_114 : vector<1000x128xi1>, vector<1000x128xf32>
    %swap3A = arith.constant 0 : index
    %swap3A_116 = arith.constant 0 : index
    %swap3A_117 = vector.load %arg16[%swap3A, %swap3A_116] : memref<1000x128xf32, #tpu.memory_space<vmem>>, vector<1000x128xf32>
    tpu.vector_store %arg16[%swap3A, %swap3A_116], %select_n3A_115 {strides = array<i32>} : memref<1000x128xf32, #tpu.memory_space<vmem>>, vector<1000x128xf32>,
    return
  }
  func.func @transform_0(%arg0: i32) -> (i32, i32) {
    %c0_i32 = arith.constant 0 : i32
    %c0_i32_0 = arith.constant 0 : i32
    return %arg0, %c0_i32 : i32, i32
  }
  func.func @transform_1(%arg0: i32) -> (i32, i32) {
    %c0_i32 = arith.constant 0 : i32
    %c0_i32_0 = arith.constant 0 : i32
    return %arg0, %c0_i32 : i32, i32
  }
  func.func @transform_2(%arg0: i32) -> (i32, i32) {
    %c0_i32 = arith.constant 0 : i32
    %c0_i32_0 = arith.constant 0 : i32
    return %arg0, %c0_i32 : i32, i32
  }
  func.func @transform_3(%arg0: i32) -> (i32, i32) {
    %c0_i32 = arith.constant 0 : i32
    %c0_i32_0 = arith.constant 0 : i32
    return %arg0, %c0_i32 : i32, i32
  }
  func.func @transform_4(%arg0: i32) -> (i32, i32) {
    %c0_i32 = arith.constant 0 : i32
    %c0_i32_0 = arith.constant 0 : i32
    %c0_i32_1 = arith.constant 0 : i32
    return %c0_i32, %c0_i32_0 : i32, i32
  }
  func.func @transform_5(%arg0: i32) -> (i32, i32) {
    %c0_i32 = arith.constant 0 : i32
    %c0_i32_0 = arith.constant 0 : i32
    %c0_i32_1 = arith.constant 0 : i32
    return %c0_i32, %c0_i32_0 : i32, i32
  }
  func.func @transform_6(%arg0: i32) -> (i32, i32) {
    %c0_i32 = arith.constant 0 : i32
    %c0_i32_0 = arith.constant 0 : i32
    return %arg0, %c0_i32 : i32, i32
  }
  func.func @transform_7(%arg0: i32) -> (i32, i32) {
    %c0_i32 = arith.constant 0 : i32
    %c0_i32_0 = arith.constant 0 : i32
    return %arg0, %c0_i32 : i32, i32
  }
  func.func @transform_8(%arg0: i32) -> (i32, i32) {
    %c0_i32 = arith.constant 0 : i32
    %c0_i32_0 = arith.constant 0 : i32
    return %arg0, %c0_i32 : i32, i32
  }
  func.func @transform_9(%arg0: i32) -> (i32, i32) {
    %c0_i32 = arith.constant 0 : i32
    %c0_i32_0 = arith.constant 0 : i32
    return %arg0, %c0_i32 : i32, i32
  }
  func.func @transform_10(%arg0: i32) -> (i32, i32) {
    %c0_i32 = arith.constant 0 : i32
    %c0_i32_0 = arith.constant 0 : i32
    %c0_i32_1 = arith.constant 0 : i32
    return %c0_i32, %c0_i32_0 : i32, i32
  }
  func.func @transform_11(%arg0: i32) -> (i32, i32) {
    %c0_i32 = arith.constant 0 : i32
    %c0_i32_0 = arith.constant 0 : i32
    %c0_i32_1 = arith.constant 0 : i32
    return %c0_i32, %c0_i32_0 : i32, i32
  }
  func.func @transform_12(%arg0: i32) -> (i32, i32) {
    %c0_i32 = arith.constant 0 : i32
    %c0_i32_0 = arith.constant 0 : i32
    %c0_i32_1 = arith.constant 0 : i32
    return %c0_i32, %c0_i32_0 : i32, i32
  }
  func.func @transform_13(%arg0: i32) -> (i32, i32) {
    %c0_i32 = arith.constant 0 : i32
    %c0_i32_0 = arith.constant 0 : i32
    %c0_i32_1 = arith.constant 0 : i32
    return %c0_i32, %c0_i32_0 : i32, i32
  }
  func.func @transform_14(%arg0: i32) -> (i32, i32) {
    %c0_i32 = arith.constant 0 : i32
    %c0_i32_0 = arith.constant 0 : i32
    %c0_i32_1 = arith.constant 0 : i32
    return %c0_i32, %c0_i32_0 : i32, i32
  }
  func.func @transform_15(%arg0: i32) -> (i32, i32) {
    %c0_i32 = arith.constant 0 : i32
    %c0_i32_0 = arith.constant 0 : i32
    return %arg0, %c0_i32 : i32, i32
  }
}

</mosaic_0001>

<sc_bundles>
// kernel: kernel.10.cloned.1.call-start
scs
__scs_entry_jumppad:
0x0: {  	(pc) =	sbr.rel $0x88, $3  }
0x1: {  	(tag) =	ssettag $0x0;
	lr =	simm.s32 $0x1  }
0x2: {  	[smem:$0x3F8A] =	sst lr;
	_ =	strace $0xD0000000  }
0x3: {  	_ = 	snop  }
0x4: {  	_ = 	snop  }
0x5: {  	_ = 	snop  }
0x6: {  	_ = 	snop  }
0x7: {  	_ = 	snop  }
__scs_overlays_trampoline_lowered:
0x8: {  	[smem:$0x3F99] =	sst s0  }
0x9: {  	[smem:$0x3F9A] =	sst s1  }
0xa: {  	[smem:$0x3F9B] =	sst s2  }
0xb: {  	[smem:$0x3F9C] =	sst s3  }
0xc: {  	[smem:$0x3F9D] =	sst s4  }
0xd: {  	[smem:$0x3F9E] =	sst s5  }
0xe: {  	[smem:$0x3F9F] =	sst s6  }
0xf: {  	[smem:$0x3FA0] =	sst s7  }
0x10: {  	[smem:$0x3FA1] =	sst s8  }
0x11: {  	[smem:$0x3FA2] =	sst s9;
	s0 =	simm.s32 @!p0 $0x0  }
0x12: {  	s1 =	sld [smem:$0x3F88];
	s0 =	simm.s32 @p0 $0x1  }
0x13: {  	[smem:$0x3FA3] =	sst s0;
	s0 =	simm.s32 @!p1 $0x0  }
0x14: {  	s2 =	sld [smem:$0x3F87];
	s0 =	simm.s32 @p1 $0x1  }
0x15: {  	[smem:$0x3FA4] =	sst s0;
	s0 =	simm.s32 @!p2 $0x0  }
0x16: {  	s3 =	sld [smem:$0x3FDB];
	s0 =	simm.s32 @p2 $0x1  }
0x17: {  	s4 =	simm.s32 $0x1BF5;
	[smem:$0x3FA6] =	sst s0  }
0x18: {  	s0 =	sld [smem:$0x3F89];
	_ =	swait.ge [sflag:s4], $0x0  }
0x19: {  	s7 =	sld [smem:$0x3F8A]  }
0x1a: {  	s8 =	sadd.s32 $0xFFFFE003, lr  }
0x1b: {  	s9 =	sadd.s32 $0xFFFFFEF7, lr;
	s5 =	simm.s32 $0xFFFFFFFF;
	p2 =	slt.u32 s8, $0xFFFFF086  }
0x1c: {  	p1 =	slt.u32 s9, $0xF7A;
	s5 =	simm.s32 @!p2 $0x0  }
0x1d: {  	s5 =	simm.s32 @p1 $0x1;
	p0 =	seq.s32 s7, s2  }
0x1e: {  	s7 =	smul.u32 @!p0 $0xF7A, s2;
	p2 =	seq.s32 @!p0 s5, $0x0  }
0x1f: {  	s9 =	smul.u32 $0xF7A, s1;
	s8 =	simm.s32 @!p0 $0x1BF5;
	p2 =	por !p2, p0  }
0x20: {  	[sflag:s8] =	ssyncset.s32 @!p0 $0xFFFFF086;
	s6 =	sadd.s32 @!p0 s3, s7;
	s7 =	simm.s32 @!p0 $0x108  }
0x21: {  	s3 =	sadd.s32 s3, s9;
	s6 =	sadd.s32 @!p0 $0x88, s6;
	s7 =	simm.s32 @p2 $0x1082  }
0x22: {  	[simem:s7], [sflag:s8] =	dma.local @!p0 [hbm:s6], $0xF7A  }
0x23: {  	s9 =	sor.u32 $0xD0000000, s2;
	s6 =	simm.s32 $0x108;
	_ =	swait.ge @!p0 [sflag:s8], $0x0  }
0x24: {  	s3 =	sadd.s32 $0x88, s3;
	s6 =	simm.s32 @!p1 $0x1082;
	[sflag:s4] =	ssyncset.s32 $0xFFFFF086  }
0x25: {  	[simem:s6], [sflag:s4] =	dma.local [hbm:s3], $0xF7A  }
0x26: {  	[smem:$0x3F8A] =	sst s1;
	(tag) =	ssettag s2;
	_ =	strace s9  }
0x27: {  	s1 =	sld [smem:$0x3F9A]  }
0x28: {  	s2 =	sld [smem:$0x3F9B]  }
0x29: {  	s4 =	sld [smem:$0x3F9D]  }
0x2a: {  	p0 =	seq.s32 s5, $0x0;
	s5 =	sld [smem:$0x3F9E]  }
0x2b: {  	s6 =	sld [smem:$0x3F9F]  }
0x2c: {  	s7 =	sld [smem:$0x3FA0]  }
0x2d: {  	s3 =	simm.s32 $0x108;
	s8 =	sld [smem:$0x3FA1]  }
0x2e: {  	s3 =	simm.s32 @!p0 $0x1082;
	s9 =	sld [smem:$0x3FA2]  }
0x2f: {  	lr =	sadd.s32 s0, s3;
	s0 =	sld [smem:$0x3F99]  }
0x30: {  	s3 =	sld [smem:$0x3F9C]  }
0x31: {  	[smem:$0x3FA5] =	sst s10  }
0x32: {  	s10 =	sld [smem:$0x3FA3];
	_ =	sdelay $0x3  }
0x33: {  	p0 =	seq.s32 s10, $0x1;
	s10 =	sld [smem:$0x3FA5];
	_ =	sdelay $0x3  }
0x34: {  	[smem:$0x3FA5] =	sst s10  }
0x35: {  	s10 =	sld [smem:$0x3FA4];
	_ =	sdelay $0x3  }
0x36: {  	p1 =	seq.s32 s10, $0x1;
	s10 =	sld [smem:$0x3FA5];
	_ =	sdelay $0x3  }
0x37: {  	[smem:$0x3FA5] =	sst s10  }
0x38: {  	s10 =	sld [smem:$0x3FA6]  }
0x39: {  	_ = 	snop;
	(pc) =	sbr.ind lr, $3  }
0x3a: {  	_ = 	snop  }
0x3b: {  	_ = 	snop  }
0x3c: {  	p2 =	seq.s32 s10, $0x1;
	s10 =	sld [smem:$0x3FA5]  }
0x3d: {  	_ =	shalt  }
0x3e: {  	_ =	shalt  }
0x3f: {  	_ =	shalt  }
0x40: {  	_ =	shalt  }
0x41: {  	_ =	shalt  }
0x42: {  	_ =	shalt  }
0x43: {  	_ =	shalt  }
0x44: {  	_ =	shalt  }
0x45: {  	_ =	shalt  }
0x46: {  	_ =	shalt  }
0x47: {  	_ =	shalt  }
0x48: {  	_ =	shalt  }
0x49: {  	_ =	shalt  }
0x4a: {  	_ =	shalt  }
0x4b: {  	_ =	shalt  }
0x4c: {  	_ =	shalt  }
0x4d: {  	_ =	shalt  }
0x4e: {  	_ =	shalt  }
0x4f: {  	_ =	shalt  }
0x50: {  	_ =	shalt  }
0x51: {  	_ =	shalt  }
0x52: {  	_ =	shalt  }
0x53: {  	_ =	shalt  }
0x54: {  	_ =	shalt  }
0x55: {  	_ =	shalt  }
0x56: {  	_ =	shalt  }
0x57: {  	_ =	shalt  }
0x58: {  	_ =	shalt  }
0x59: {  	_ =	shalt  }
0x5a: {  	_ =	shalt  }
0x5b: {  	_ =	shalt  }
0x5c: {  	_ =	shalt  }
0x5d: {  	_ =	shalt  }
0x5e: {  	_ =	shalt  }
0x5f: {  	_ =	shalt  }
0x60: {  	_ =	shalt  }
0x61: {  	_ =	shalt  }
0x62: {  	_ =	shalt  }
0x63: {  	_ =	shalt  }
0x64: {  	_ =	shalt  }
0x65: {  	_ =	shalt  }
0x66: {  	_ =	shalt  }
0x67: {  	_ =	shalt  }
0x68: {  	_ =	shalt  }
0x69: {  	_ =	shalt  }
0x6a: {  	_ =	shalt  }
0x6b: {  	_ =	shalt  }
0x6c: {  	_ =	shalt  }
0x6d: {  	_ =	shalt  }
0x6e: {  	_ =	shalt  }
0x6f: {  	_ =	shalt  }
0x70: {  	_ =	shalt  }
0x71: {  	_ =	shalt  }
0x72: {  	_ =	shalt  }
0x73: {  	_ =	shalt  }
0x74: {  	_ =	shalt  }
0x75: {  	_ =	shalt  }
0x76: {  	_ =	shalt  }
0x77: {  	_ =	shalt  }
0x78: {  	_ =	shalt  }
0x79: {  	_ =	shalt  }
0x7a: {  	_ =	shalt  }
0x7b: {  	_ =	shalt  }
0x7c: {  	_ =	shalt  }
0x7d: {  	_ =	shalt  }
0x7e: {  	_ =	shalt  }
0x7f: {  	_ =	shalt  }
0x80: {  	_ =	shalt  }
0x81: {  	_ =	shalt  }
0x82: {  	_ =	shalt  }
0x83: {  	_ =	shalt  }
0x84: {  	_ =	shalt  }
0x85: {  	_ =	shalt  }
0x86: {  	_ =	shalt  }
0x87: {  	_ =	shalt  }
.Lfunc_end0:
.L_simem_size_0:
called_computation.1_lowered:
.L_overlay_start_0:
0x88: {  	s2 =	sld [smem:$0x3FD9]  }
0x89: {  	s3 =	sld [smem:$0x3FFE];
	_ =	sdelay $0x1  }
0x8a: {  	s1 =	srdreg.scid  }
0x8b: {  	s0 =	sand.u32 $0x1, s1  }
0x8c: {  	s16 =	sshll.u32 s0, $0xA;
	s2 =	sadd.s32 s3, s2  }
0x8d: {  	s2 =	sadd.s32 s2, s16  }
0x8e: {  	[smem:$0x3FB1] =	sst s2  }
0x8f: {  	_ = 	snop  }
0x90: {  	(tm) =	ssettm $0x1  }
0x91: {  	s17 =	sld [smem:$0x3FFB];
	_ =	sdelay $0x3  }
0x92: {  	_ =	strace s17  }
0x93: {  	s2 =	sld [smem:$0x3FFC];
	_ =	sdelay $0x3  }
0x94: {  	_ =	strace s2  }
0x95: {  	s2 =	sld [smem:$0x3FFD];
	_ =	sdelay $0x3  }
0x96: {  	_ =	strace s2  }
0x97: {  	_ =	strace $0x8FFFFFFF  }
0x98: {  	s18 =	sld [smem:$0x3FDB];
	_ =	sdelay $0x1  }
0x99: {  	s19 =	simm.s32 $_scs_section_size  }
0x9a: {  	s4 =	simm.s32 $_size__tile_overlayer_lowered;
	s5 =	simm.s32 $_tile_overlayer_lowered  }
0x9b: {  	s22 =	simm.s32 $0x1BFF;
	s21 =	sshll.u32 s5, $0x1;
	s2 =	sadd.s32 s19, s18  }
0x9c: {  	s6 =	simm.s32 $0x0;
	s20 =	sshll.u32 s4, $0x1;
	s4 =	sadd.s32 s21, s2  }
0x9d: {  	[timem:s6], [sflag:s22] =	dma.local [hbm:s4], s20  }
0x9e: {  	_ =	swait.ge [sflag:s22], s20  }
0x9f: {  	s3 =	ssub.s32 $0x0, s20;
	[sflag:s22] =	ssyncset.done $0x0  }
0xa0: {  	[sflag:s22] =	ssyncadd.s32 s3;
	_ =	sdelay $0x1  }
0xa1: {  	s23 =	simm.s32 $0x1B8B  }
0xa2: {  	_ =	swait.ge [sflag:s23], $0x1  }
0xa3: {  	[sflag:s23] =	ssyncset.done $0x0  }
0xa4: {  	s25 =	simm.s32 $0x1B8E;
	s24 =	sld [smem:$0x3FFE];
	[sflag:s23] =	ssyncadd.s32 $0xFFFFFFFF  }
0xa5: {  	s26 =	simm.s32 $execute0_lowered;
	[smem:$0x3FD2] =	sst s25  }
0xa6: {  	s4 =	sshll.u32 s26, $0x1;
	_ =	strace $0x80000049;
	[dreg:$0x1] =	wrdreg $0xFFFFFFFF  }
0xa7: {  	s28 =	simm.s32 $_size_execute0_lowered;
	s2 =	sadd.s32 s2, s4;
	[dreg:$0x0] =	wrdreg $0x0  }
0xa8: {  	s4 =	sshll.u32 s28, $0x1;
	[dreg:$0x2] =	wrdreg s2  }
0xa9: {  	[dreg:$0x3] =	wrdreg s4  }
0xaa: {  	[dreg:$0x4] =	wrdreg $0xC0  }
0xab: {  	_ =	task [dreg:s6], $0x5FFFF  }
0xac: {  	[dreg:$0x1] =	wrdreg $0xFFFFFFFF  }
0xad: {  	[dreg:$0x0] =	wrdreg $0x60  }
0xae: {  	[dreg:$0x2] =	wrdreg s24  }
0xaf: {  	[dreg:$0x3] =	wrdreg $0x82000  }
0xb0: {  	[dreg:$0x4] =	wrdreg $0x9  }
0xb1: {  	_ =	task.clear_ibuf [dreg:s6], $0x5FFFF;
	_ =	strace $0x90000049  }
0xb2: {  	s29 =	simm.s32 $0x9;
	_ =	strace $0x8000004B  }
0xb3: {  	_ =	swait.ge [sflag:s29], $0x1  }
0xb4: {  	[sflag:s29] =	ssyncadd.s32 $0xFFFFFFFF  }
0xb5: {  	_ =	strace $0x9000004B  }
0xb6: {  	_ =	sfence  }
0xb7: {  	s30 =	sld [smem:$0x0];
	_ =	sdelay $0x2  }
0xb8: {  	s31 =	sshll.u32 s1, $0xD;
	s1 =	sshrl.u32 s1, $0x2  }
0xb9: {  	s3 =	sand.u32 $0x4000, s31;
	s1 =	sadd.s32 s1, s30  }
0xba: {  	s0 =	sor.u32 s3, s0;
	s1 =	sshll.u32 s1, $0x11  }
0xbb: {  	s0 =	sor.u32 s1, s0  }
0xbc: {  	s0 =	sadd.s32 $0x8F2B, s0  }
0xbd: {  	[sflag:s0] =	ssyncadd.remote.s32 $0x1  }
0xbe: {  	_ =	sfence.sel $0xFFFF  }
0xbf: {  	[dreg:$0x0] =	wrdreg $0xFFFFFFFF;
	(pc) =	sbr.abs _section_cstart, $3  }
0xc0: {  	[dreg:$0x1] =	wrdreg $0xFFFFFFFF  }
0xc1: {  	_ =	task.clear_ibuf [dreg:s6], $0x2FFFF;
	_ =	strace $0x9FFFFFFF  }
0xc2: {  	(tm) =	ssettm $0x7FFFFFFF  }
0xc3: {  	_ =	shalt  }
tec
execute0_lowered:
.L_overlay_start_1:
0x0: {  	(tag) =	ssettag $0x1  }
0x1: {  	s0 =	rddreg [dreg:$0x0]  }
0x2: {  	s1 =	rddreg [dreg:$0x1];
	s2 =	srdreg.scid  }
0x3: {  	s3 =	simm.s32 $0x0;
	s8 =	stileid.u32;
	s20 =	simm.s32 $0x200  }
0x4: {  	s21 =	simm.s32 $0x5;
	s22 =	simm.s32 $0x100;
	s28 =	simm.s32 $0x4200  }
0x5: {  	s29 =	simm.s32 $0x3;
	s30 =	simm.s32 $0x4;
	s6 =	smul.u32 $0x14000, s8  }
0x6: {  	s31 =	simm.s32 $0x0;
	s2 =	sand.u32 $0x1, s2;
	s7 =	smul.u32 $0x50000, s8  }
0x7: {  	[smem:$0x7FF] =	sst s3;
	s19 =	sadd.s32 $0xA54400, s0;
	s8 =	smul.u32 $0x5000, s8  }
0x8: {  	s4 =	sadd.s32 $0xCD000, s0;
	s18 =	sadd.s32 $0xA68400, s0;
	s5 =	smul.u32 $0x140000, s2  }
0x9: {  	_ =	strace $0x8000004A;
	s23 =	smul.u32 $0x50000, s2;
	s2 =	ssub.s32 $0x2, s2  }
0xa: {  	s24 =	sshrl.u32 s2, $0x1;
	s7 =	sshrl.u32 s7, $0x2;
	s5 =	sadd.s32 s6, s5  }
0xb: {  	s15 =	sadd.s32 s8, s23;
	s2 =	ssub.s32 s2, s24;
	s23 =	simm.s32 $0x80  }
0xc: {  	s24 =	simm.s32 $0x180;
	s5 =	sshrl.u32 s5, $0x3;
	s8 =	sshrl.u32 s15, $0x3  }
0xd: {  	s11 =	smax.u32 s2, $0x1;
	s25 =	sor.u32 $0x180, s15;
	s26 =	sor.u32 $0x100, s15  }
0xe: {  	s0 =	sadd.s32 s5, s0;
	s5 =	sadd.s32 s7, s1;
	s6 =	sadd.s32 s19, s8  }
0xf: {  	s7 =	sadd.s32 s18, s8;
	s9 =	sor.u32 $0x10, s8;
	s2 =	sshrl.u32 s26, $0x3  }
0x10: {  	s26 =	simm.s32 $0x2;
	s8 =	sadd.s32 s19, s9;
	s9 =	sadd.s32 s18, s9  }
0x11: {  	s0 =	sadd.s32 $0x11B200, s0;
	s12 =	sadd.s32 $0x4000, s5;
	s13 =	sadd.s32 $0x8000, s5  }
0x12: {  	s14 =	sadd.s32 $0xC000, s5;
	[dreg:$0x3] =	wrdreg s0;
	s0 =	sshrl.u32 s25, $0x3  }
0x13: {  	s15 =	sadd.s32 $0x10000, s5;
	s25 =	simm.s32 $0x1;
	s16 =	sadd.s32 s0, s18  }
0x14: {  	v0 =	vimm.f32 $0.0e+00;
	s17 =	sadd.s32 s0, s19;
	s18 =	sadd.s32 s2, s18;
	s19 =	sadd.s32 s2, s19  }
.LBB2_1:
0x15: {  	s0 =	simm.s32 $0x0;
	s2 =	simm.s32 $0x200  }
.LBB2_2:
0x16: {  	p0 =	sne.s32 s2, $0xFE00;
	[tilespmem:s0+$0x270] =	vst v0  }
0x17: {  	[tilespmem:s0+$0x200] =	vst v0  }
0x18: {  	[tilespmem:s0+$0x210] =	vst v0  }
.Ltmp0:
0x19: {  	[tilespmem:s0+$0x220] =	vst v0;
	(pc) =	sbr.rel @p0 .LBB2_2-.Ltmp0, $4  }
0x1a: {  	[tilespmem:s0+$0x230] =	vst v0  }
0x1b: {  	[tilespmem:s0+$0x240] =	vst v0  }
0x1c: {  	[tilespmem:s0+$0x250] =	vst v0  }
0x1d: {  	[tilespmem:s0+$0x260] =	vst v0;
	s0 =	sshra.s32 s2, $0x2;
	s2 =	sadd.s32 $0x200, s2  }
0x1e: {  	[tilespmem:s0+$0x270] =	vst v0  }
0x1f: {  	[tilespmem:s0+$0x200] =	vst v0  }
0x20: {  	[tilespmem:s0+$0x210] =	vst v0  }
0x21: {  	[tilespmem:s0+$0x220] =	vst v0  }
0x22: {  	[tilespmem:s0+$0x230] =	vst v0  }
0x23: {  	[tilespmem:s0+$0x240] =	vst v0  }
0x24: {  	[tilespmem:s0+$0x250] =	vst v0  }
0x25: {  	[tilespmem:s0+$0x260] =	vst v0  }
0x26: {  	[spmem:s5] =	stream.linear.scatter [tilespmem:s20], [sflag:$0x5], $0x4000, $0x38;
	[tilespmem:$0x1C200] =	vst v63  }
0x27: {  	_ =	swait.ge [sflag:s21], $0x4000  }
0x28: {  	[sflag:s21] =	ssyncset.done $0x0  }
0x29: {  	[sflag:s21] =	ssyncadd.s32 $0xFFFFC000  }
0x2a: {  	[spmem:s12] =	stream.linear.scatter [tilespmem:s20], [sflag:$0x5], $0x4000, $0x38;
	[tilespmem:$0x1C200] =	vst v63  }
0x2b: {  	_ =	swait.ge [sflag:s21], $0x4000  }
0x2c: {  	[sflag:s21] =	ssyncset.done $0x0  }
0x2d: {  	[sflag:s21] =	ssyncadd.s32 $0xFFFFC000  }
0x2e: {  	[spmem:s13] =	stream.linear.scatter [tilespmem:s20], [sflag:$0x5], $0x4000, $0x38;
	[tilespmem:$0x1C200] =	vst v63  }
0x2f: {  	_ =	swait.ge [sflag:s21], $0x4000  }
0x30: {  	[sflag:s21] =	ssyncset.done $0x0  }
0x31: {  	[sflag:s21] =	ssyncadd.s32 $0xFFFFC000  }
0x32: {  	[spmem:s14] =	stream.linear.scatter [tilespmem:s20], [sflag:$0x5], $0x4000, $0x38;
	[tilespmem:$0x1C200] =	vst v63  }
0x33: {  	_ =	swait.ge [sflag:s21], $0x4000  }
0x34: {  	[sflag:s21] =	ssyncset.done $0x0  }
0x35: {  	[sflag:s21] =	ssyncadd.s32 $0xFFFFC000  }
0x36: {  	[spmem:s15] =	stream.linear.scatter [tilespmem:s20], [sflag:$0x5], $0x4000, $0x38;
	[tilespmem:$0x1C200] =	vst v63  }
0x37: {  	_ =	swait.ge [sflag:s21], $0x4000  }
0x38: {  	[sflag:s21] =	ssyncset.done $0x0  }
0x39: {  	[sflag:s21] =	ssyncadd.s32 $0xFFFFC000  }
0x3a: {  	s10 =	simm.s32 $0x0;
	[bflag:$0x0] =	sbarrier.arrive $0xFFFF  }
0x3b: {  	[tilespmem:s10], [sflag:$0x1] =	stream.linear.gather [hbm4b:s6+s10], $0x80, $0x38;
	[tilespmem:$0x1C200] =	vst v63  }
0x3c: {  	_ = 	snop  }
0x3d: {  	[tilespmem:s22], [sflag:$0x1] =	stream.linear.gather [hbm4b:s7+s10], $0x80, $0x38;
	[tilespmem:$0x1C200] =	vst v63  }
0x3e: {  	_ = 	snop  }
0x3f: {  	[tilespmem:s23], [sflag:$0x2] =	stream.linear.gather [hbm4b:s8+s10], $0x80, $0x38;
	[tilespmem:$0x1C200] =	vst v63  }
0x40: {  	_ = 	snop  }
0x41: {  	[tilespmem:s24], [sflag:$0x2] =	stream.linear.gather [hbm4b:s9+s10], $0x80, $0x38;
	[tilespmem:$0x1C200] =	vst v63  }
0x42: {  	_ =	swait.ge [sflag:s25], $0x80  }
0x43: {  	[sflag:s25] =	ssyncset.done $0x0  }
0x44: {  	[sflag:s25] =	ssyncadd.s32 $0xFFFFFF80  }
0x45: {  	_ =	swait.ge [sflag:s25], $0x80  }
0x46: {  	[sflag:s25] =	ssyncset.done $0x0  }
0x47: {  	[sflag:s25] =	ssyncadd.s32 $0xFFFFFF80  }
0x48: {  	[tilespmem:s20], [sflag:$0x3] =	stream.indirect.gather [hbm4b:s4+s23], $0x80, s10, s23, $0xb8;
	[tilespmem:$0x1C200] =	vst v63  }
0x49: {  	_ =	swait.ge [sflag:s26], $0x80  }
0x4a: {  	[sflag:s26] =	ssyncset.done $0x0  }
0x4b: {  	[sflag:s26] =	ssyncadd.s32 $0xFFFFFF80  }
0x4c: {  	_ =	swait.ge [sflag:s26], $0x80  }
0x4d: {  	[sflag:s26] =	ssyncset.done $0x0  }
0x4e: {  	[sflag:s26] =	ssyncadd.s32 $0xFFFFFF80  }
0x4f: {  	[tilespmem:s28], [sflag:$0x4] =	stream.indirect.gather [hbm4b:s4+s23], $0x80, s23, s23, $0xb8;
	[tilespmem:$0x1C200] =	vst v63  }
0x50: {  	_ =	swait.ge [sflag:s29], $0x4000  }
0x51: {  	[sflag:s29] =	ssyncset.done $0x0  }
0x52: {  	[sflag:s29] =	ssyncadd.s32 $0xFFFFC000  }
0x53: {  	[spmem:s1] =	stream.indirect.scatter.add.f32 [tilespmem:s20], [sflag:$0x5], $0x80, s22, s23, $0xb8;
	[tilespmem:$0x1C200] =	vst v63  }
0x54: {  	_ =	swait.ge [sflag:s21], $0x4000  }
0x55: {  	[sflag:s21] =	ssyncset.done $0x0  }
0x56: {  	s2 =	sadd.s32 $0x0, s19;
	[sflag:s21] =	ssyncadd.s32 $0xFFFFC000  }
0x57: {  	[tilespmem:s3], [sflag:$0x1] =	stream.linear.gather [hbm4b:s2+s3], $0x80, $0x38;
	[tilespmem:$0x1C200] =	vst v63  }
0x58: {  	s10 =	sadd.s32 $0x0, s18  }
0x59: {  	[tilespmem:s22], [sflag:$0x1] =	stream.linear.gather [hbm4b:s10+s3], $0x80, $0x38;
	[tilespmem:$0x1C200] =	vst v63  }
0x5a: {  	_ =	swait.ge [sflag:s25], $0x80  }
0x5b: {  	[sflag:s25] =	ssyncset.done $0x0  }
0x5c: {  	[sflag:s25] =	ssyncadd.s32 $0xFFFFFF80  }
0x5d: {  	_ =	swait.ge [sflag:s25], $0x80  }
0x5e: {  	[sflag:s25] =	ssyncset.done $0x0  }
0x5f: {  	[sflag:s25] =	ssyncadd.s32 $0xFFFFFF80  }
0x60: {  	[tilespmem:s20], [sflag:$0x3] =	stream.indirect.gather [hbm4b:s4+s23], $0x80, s3, s23, $0xb8;
	[tilespmem:$0x1C200] =	vst v63  }
0x61: {  	_ =	swait.ge [sflag:s30], $0x4000  }
0x62: {  	[sflag:s30] =	ssyncset.done $0x0  }
0x63: {  	[sflag:s30] =	ssyncadd.s32 $0xFFFFC000  }
0x64: {  	[spmem:s1] =	stream.indirect.scatter.add.f32 [tilespmem:s28], [sflag:$0x5], $0x80, s24, s23, $0xb8;
	[tilespmem:$0x1C200] =	vst v63  }
0x65: {  	_ =	swait.ge [sflag:s21], $0x4000  }
0x66: {  	[sflag:s21] =	ssyncset.done $0x0  }
0x67: {  	s2 =	sadd.s32 $0x0, s17;
	[sflag:s21] =	ssyncadd.s32 $0xFFFFC000  }
0x68: {  	[tilespmem:s23], [sflag:$0x2] =	stream.linear.gather [hbm4b:s2+s3], $0x80, $0x38;
	[tilespmem:$0x1C200] =	vst v63  }
0x69: {  	s10 =	sadd.s32 $0x0, s16  }
0x6a: {  	[tilespmem:s24], [sflag:$0x2] =	stream.linear.gather [hbm4b:s10+s3], $0x80, $0x38;
	[tilespmem:$0x1C200] =	vst v63  }
0x6b: {  	_ =	swait.ge [sflag:s26], $0x80  }
0x6c: {  	[sflag:s26] =	ssyncset.done $0x0  }
0x6d: {  	[sflag:s26] =	ssyncadd.s32 $0xFFFFFF80  }
0x6e: {  	_ =	swait.ge [sflag:s26], $0x80  }
0x6f: {  	[sflag:s26] =	ssyncset.done $0x0  }
0x70: {  	s0 =	simm.s32 $0x20;
	[sflag:s26] =	ssyncadd.s32 $0xFFFFFF80  }
.LBB2_4:
0x71: {  	[tilespmem:s28], [sflag:$0x4] =	stream.indirect.gather [hbm4b:s4+s23], $0x80, s23, s23, $0xb8;
	[tilespmem:$0x1C200] =	vst v63  }
0x72: {  	s2 =	smov.u32 s0  }
0x73: {  	p0 =	sne.s32 s0, $0x9C0;
	s0 =	sadd.s32 $0x20, s0;
	_ =	swait.ge [sflag:s29], $0x4000  }
0x74: {  	[sflag:s29] =	ssyncset.done $0x0  }
0x75: {  	[sflag:s29] =	ssyncadd.s32 $0xFFFFC000  }
0x76: {  	[spmem:s1] =	stream.indirect.scatter.add.f32 [tilespmem:s20], [sflag:$0x5], $0x80, s22, s23, $0xb8;
	[tilespmem:$0x1C200] =	vst v63  }
0x77: {  	_ =	swait.ge [sflag:s21], $0x4000  }
0x78: {  	[sflag:s21] =	ssyncset.done $0x0  }
0x79: {  	s10 =	sadd.s32 s2, s19;
	[sflag:s21] =	ssyncadd.s32 $0xFFFFC000  }
0x7a: {  	[tilespmem:s3], [sflag:$0x1] =	stream.linear.gather [hbm4b:s10+s3], $0x80, $0x38;
	[tilespmem:$0x1C200] =	vst v63  }
0x7b: {  	s10 =	sadd.s32 s2, s18  }
0x7c: {  	[tilespmem:s22], [sflag:$0x1] =	stream.linear.gather [hbm4b:s10+s3], $0x80, $0x38;
	[tilespmem:$0x1C200] =	vst v63  }
0x7d: {  	_ =	swait.ge [sflag:s25], $0x80  }
0x7e: {  	[sflag:s25] =	ssyncset.done $0x0  }
0x7f: {  	[sflag:s25] =	ssyncadd.s32 $0xFFFFFF80  }
0x80: {  	_ =	swait.ge [sflag:s25], $0x80  }
0x81: {  	[sflag:s25] =	ssyncset.done $0x0  }
0x82: {  	[sflag:s25] =	ssyncadd.s32 $0xFFFFFF80  }
0x83: {  	[tilespmem:s20], [sflag:$0x3] =	stream.indirect.gather [hbm4b:s4+s23], $0x80, s3, s23, $0xb8;
	[tilespmem:$0x1C200] =	vst v63  }
0x84: {  	_ =	swait.ge [sflag:s30], $0x4000  }
0x85: {  	[sflag:s30] =	ssyncset.done $0x0  }
0x86: {  	[sflag:s30] =	ssyncadd.s32 $0xFFFFC000  }
0x87: {  	[spmem:s1] =	stream.indirect.scatter.add.f32 [tilespmem:s28], [sflag:$0x5], $0x80, s24, s23, $0xb8;
	[tilespmem:$0x1C200] =	vst v63  }
0x88: {  	_ =	swait.ge [sflag:s21], $0x4000  }
0x89: {  	[sflag:s21] =	ssyncset.done $0x0  }
0x8a: {  	s10 =	sadd.s32 s2, s17;
	[sflag:s21] =	ssyncadd.s32 $0xFFFFC000  }
0x8b: {  	[tilespmem:s23], [sflag:$0x2] =	stream.linear.gather [hbm4b:s10+s3], $0x80, $0x38;
	[tilespmem:$0x1C200] =	vst v63  }
0x8c: {  	s2 =	sadd.s32 s2, s16  }
0x8d: {  	[tilespmem:s24], [sflag:$0x2] =	stream.linear.gather [hbm4b:s2+s3], $0x80, $0x38;
	[tilespmem:$0x1C200] =	vst v63  }
0x8e: {  	_ =	swait.ge [sflag:s26], $0x80  }
.Ltmp1:
0x8f: {  	[sflag:s26] =	ssyncset.done $0x0;
	(pc) =	sbr.rel @p0 .LBB2_4-.Ltmp1, $4  }
0x90: {  	[sflag:s26] =	ssyncadd.s32 $0xFFFFFF80  }
0x91: {  	_ =	swait.ge [sflag:s26], $0x80  }
0x92: {  	[sflag:s26] =	ssyncset.done $0x0  }
0x93: {  	[sflag:s26] =	ssyncadd.s32 $0xFFFFFF80  }
0x94: {  	[tilespmem:s28], [sflag:$0x4] =	stream.indirect.gather [hbm4b:s4+s23], $0x80, s23, s23, $0xb8;
	[tilespmem:$0x1C200] =	vst v63  }
0x95: {  	_ =	swait.ge [sflag:s29], $0x4000  }
0x96: {  	[sflag:s29] =	ssyncset.done $0x0  }
0x97: {  	[sflag:s29] =	ssyncadd.s32 $0xFFFFC000  }
0x98: {  	[spmem:s1] =	stream.indirect.scatter.add.f32 [tilespmem:s20], [sflag:$0x5], $0x80, s22, s23, $0xb8;
	[tilespmem:$0x1C200] =	vst v63  }
0x99: {  	_ =	swait.ge [sflag:s21], $0x4000  }
0x9a: {  	[sflag:s21] =	ssyncset.done $0x0  }
0x9b: {  	[sflag:s21] =	ssyncadd.s32 $0xFFFFC000  }
0x9c: {  	[tilespmem:s3], [sflag:$0x1] =	stream.linear.gather [hbm4b:s6+s3], $0x80, $0x38;
	[tilespmem:$0x1C200] =	vst v63  }
0x9d: {  	_ = 	snop  }
0x9e: {  	[tilespmem:s22], [sflag:$0x1] =	stream.linear.gather [hbm4b:s7+s3], $0x80, $0x38;
	[tilespmem:$0x1C200] =	vst v63  }
0x9f: {  	_ =	swait.ge [sflag:s25], $0x80  }
0xa0: {  	[sflag:s25] =	ssyncset.done $0x0  }
0xa1: {  	[sflag:s25] =	ssyncadd.s32 $0xFFFFFF80  }
0xa2: {  	_ =	swait.ge [sflag:s25], $0x80  }
0xa3: {  	[sflag:s25] =	ssyncset.done $0x0  }
0xa4: {  	[sflag:s25] =	ssyncadd.s32 $0xFFFFFF80  }
0xa5: {  	[tilespmem:s20], [sflag:$0x3] =	stream.indirect.gather [hbm4b:s4+s23], $0x80, s3, s23, $0xb8;
	[tilespmem:$0x1C200] =	vst v63  }
0xa6: {  	_ =	swait.ge [sflag:s30], $0x4000  }
0xa7: {  	[sflag:s30] =	ssyncset.done $0x0  }
0xa8: {  	[sflag:s30] =	ssyncadd.s32 $0xFFFFC000  }
0xa9: {  	[spmem:s1] =	stream.indirect.scatter.add.f32 [tilespmem:s28], [sflag:$0x5], $0x80, s24, s23, $0xb8;
	[tilespmem:$0x1C200] =	vst v63  }
0xaa: {  	_ =	swait.ge [sflag:s21], $0x4000  }
0xab: {  	[sflag:s21] =	ssyncset.done $0x0  }
0xac: {  	[sflag:s21] =	ssyncadd.s32 $0xFFFFC000  }
0xad: {  	[tilespmem:s23], [sflag:$0x2] =	stream.linear.gather [hbm4b:s8+s3], $0x80, $0x38;
	[tilespmem:$0x1C200] =	vst v63  }
0xae: {  	_ = 	snop  }
0xaf: {  	[tilespmem:s24], [sflag:$0x2] =	stream.linear.gather [hbm4b:s9+s3], $0x80, $0x38;
	[tilespmem:$0x1C200] =	vst v63  }
0xb0: {  	_ =	swait.ge [sflag:s26], $0x80  }
0xb1: {  	[sflag:s26] =	ssyncset.done $0x0  }
0xb2: {  	[sflag:s26] =	ssyncadd.s32 $0xFFFFFF80  }
0xb3: {  	_ =	swait.ge [sflag:s26], $0x80  }
0xb4: {  	[sflag:s26] =	ssyncset.done $0x0  }
0xb5: {  	[sflag:s26] =	ssyncadd.s32 $0xFFFFFF80  }
0xb6: {  	[tilespmem:s28], [sflag:$0x4] =	stream.indirect.gather [hbm4b:s4+s23], $0x80, s23, s23, $0xb8;
	[tilespmem:$0x1C200] =	vst v63  }
0xb7: {  	_ =	swait.ge [sflag:s29], $0x4000  }
0xb8: {  	[sflag:s29] =	ssyncset.done $0x0  }
0xb9: {  	[sflag:s29] =	ssyncadd.s32 $0xFFFFC000  }
0xba: {  	_ =	swait.ge [sflag:s30], $0x4000  }
0xbb: {  	s0 =	stileid.u32;
	[sflag:s30] =	ssyncset.done $0x0  }
0xbc: {  	s2 =	sshrl.u32 s5, $0x3;
	s31 =	sadd.s32 $0x1, s31;
	[sflag:s30] =	ssyncadd.s32 $0xFFFFC000  }
0xbd: {  	s0 =	sshll.u32 s0, $0x6;
	p0 =	sne.s32 s31, s11;
	[bflag:$0x0] =	sbarrier.arrive $0xFFFF  }
.Ltmp2:
0xbe: {  	s0 =	sor.u32 $0x1C05, s0;
	s10 =	rddreg [dreg:$0x3];
	(pc) =	sbr.rel @p0 .LBB2_1-.Ltmp2, $4  }
0xbf: {  	[hbm:s10], [sflag:s0] =	dma.local [spmem:s2], $0x2800  }
0xc0: {  	_ =	swait.ge [sflag:s21], $0x2800  }
0xc1: {  	[sflag:s21] =	ssyncset.done $0x0  }
0xc2: {  	[sflag:s21] =	ssyncadd.s32 $0xFFFFD800  }
0xc3: {  	_ =	sfence.sel $0x180000  }
0xc4: {  	[bflag:$0x0] =	sbarrier.arrive $0xFFFF  }
0xc5: {  	_ =	strace $0x9000004A  }
0xc6: {  	s0 =	stileid.u32;
	[bflag:$0x2] =	sbarrier.arrive $0xFFFF  }
0xc7: {  	p0 =	sne.s32 s0, $0x0;
	s0 =	rddreg [dreg:$0x2]  }
0xc8: {  	s0 =	sadd.s32 @!p0 $0x100000, s0  }
0xc9: {  	[sflag:s0] =	ssyncadd.tile.s32 @!p0 $0x1;
	_ =	shalt  }
.Lfunc_end2:
_tile_overlayer_lowered:
.L_overlay_start_2:
0xca: {  	(tag) =	ssettag $0x2  }
0xcb: {  	s0 =	rddreg [dreg:$0x0];
	s2 =	stileid.u32  }
0xcc: {  	s1 =	rddreg [dreg:$0x1];
	p0 =	sne.s32 s2, $0x0  }
0xcd: {  	s3 =	rddreg [dreg:$0x2];
	[bflag:$0x3] =	sbarrier.arrive $0xFFFF;
	s2 =	simm.s32 @!p0 $0x1C05  }
0xce: {  	[timem:s3], [sflag:s2] =	dma.local @!p0 [hbm:s0], s1  }
0xcf: {  	s0 =	simm.s32 @!p0 $0x5  }
0xd0: {  	_ =	swait.ge @!p0 [sflag:s0], s1  }
0xd1: {  	s1 =	ssub.s32 @!p0 $0x0, s1;
	[sflag:s0] =	ssyncset.done @!p0 $0x0  }
0xd2: {  	[sflag:s0] =	ssyncadd.s32 @!p0 s1  }
0xd3: {  	[bflag:$0x3] =	sbarrier.arrive $0xFFFF  }
0xd4: {  	_ =	shalt  }

// kernel: kernel.7.cloned.1.call-start
scs
__scs_entry_jumppad:
0x0: {  	(pc) =	sbr.rel $0x88, $3  }
0x1: {  	(tag) =	ssettag $0x0;
	lr =	simm.s32 $0x1  }
0x2: {  	[smem:$0x3F8A] =	sst lr;
	_ =	strace $0xD0000000  }
0x3: {  	_ = 	snop  }
0x4: {  	_ = 	snop  }
0x5: {  	_ = 	snop  }
0x6: {  	_ = 	snop  }
0x7: {  	_ = 	snop  }
__scs_overlays_trampoline_lowered:
0x8: {  	[smem:$0x3F99] =	sst s0  }
0x9: {  	[smem:$0x3F9A] =	sst s1  }
0xa: {  	[smem:$0x3F9B] =	sst s2  }
0xb: {  	[smem:$0x3F9C] =	sst s3  }
0xc: {  	[smem:$0x3F9D] =	sst s4  }
0xd: {  	[smem:$0x3F9E] =	sst s5  }
0xe: {  	[smem:$0x3F9F] =	sst s6  }
0xf: {  	[smem:$0x3FA0] =	sst s7  }
0x10: {  	[smem:$0x3FA1] =	sst s8  }
0x11: {  	[smem:$0x3FA2] =	sst s9;
	s0 =	simm.s32 @!p0 $0x0  }
0x12: {  	s1 =	sld [smem:$0x3F88];
	s0 =	simm.s32 @p0 $0x1  }
0x13: {  	[smem:$0x3FA3] =	sst s0;
	s0 =	simm.s32 @!p1 $0x0  }
0x14: {  	s2 =	sld [smem:$0x3F87];
	s0 =	simm.s32 @p1 $0x1  }
0x15: {  	[smem:$0x3FA4] =	sst s0;
	s0 =	simm.s32 @!p2 $0x0  }
0x16: {  	s3 =	sld [smem:$0x3FDB];
	s0 =	simm.s32 @p2 $0x1  }
0x17: {  	s4 =	simm.s32 $0x1BF5;
	[smem:$0x3FA6] =	sst s0  }
0x18: {  	s0 =	sld [smem:$0x3F89];
	_ =	swait.ge [sflag:s4], $0x0  }
0x19: {  	s7 =	sld [smem:$0x3F8A]  }
0x1a: {  	s8 =	sadd.s32 $0xFFFFE003, lr  }
0x1b: {  	s9 =	sadd.s32 $0xFFFFFEF7, lr;
	s5 =	simm.s32 $0xFFFFFFFF;
	p2 =	slt.u32 s8, $0xFFFFF086  }
0x1c: {  	p1 =	slt.u32 s9, $0xF7A;
	s5 =	simm.s32 @!p2 $0x0  }
0x1d: {  	s5 =	simm.s32 @p1 $0x1;
	p0 =	seq.s32 s7, s2  }
0x1e: {  	s7 =	smul.u32 @!p0 $0xF7A, s2;
	p2 =	seq.s32 @!p0 s5, $0x0  }
0x1f: {  	s9 =	smul.u32 $0xF7A, s1;
	s8 =	simm.s32 @!p0 $0x1BF5;
	p2 =	por !p2, p0  }
0x20: {  	[sflag:s8] =	ssyncset.s32 @!p0 $0xFFFFF086;
	s6 =	sadd.s32 @!p0 s3, s7;
	s7 =	simm.s32 @!p0 $0x108  }
0x21: {  	s3 =	sadd.s32 s3, s9;
	s6 =	sadd.s32 @!p0 $0x88, s6;
	s7 =	simm.s32 @p2 $0x1082  }
0x22: {  	[simem:s7], [sflag:s8] =	dma.local @!p0 [hbm:s6], $0xF7A  }
0x23: {  	s9 =	sor.u32 $0xD0000000, s2;
	s6 =	simm.s32 $0x108;
	_ =	swait.ge @!p0 [sflag:s8], $0x0  }
0x24: {  	s3 =	sadd.s32 $0x88, s3;
	s6 =	simm.s32 @!p1 $0x1082;
	[sflag:s4] =	ssyncset.s32 $0xFFFFF086  }
0x25: {  	[simem:s6], [sflag:s4] =	dma.local [hbm:s3], $0xF7A  }
0x26: {  	[smem:$0x3F8A] =	sst s1;
	(tag) =	ssettag s2;
	_ =	strace s9  }
0x27: {  	s1 =	sld [smem:$0x3F9A]  }
0x28: {  	s2 =	sld [smem:$0x3F9B]  }
0x29: {  	s4 =	sld [smem:$0x3F9D]  }
0x2a: {  	p0 =	seq.s32 s5, $0x0;
	s5 =	sld [smem:$0x3F9E]  }
0x2b: {  	s6 =	sld [smem:$0x3F9F]  }
0x2c: {  	s7 =	sld [smem:$0x3FA0]  }
0x2d: {  	s3 =	simm.s32 $0x108;
	s8 =	sld [smem:$0x3FA1]  }
0x2e: {  	s3 =	simm.s32 @!p0 $0x1082;
	s9 =	sld [smem:$0x3FA2]  }
0x2f: {  	lr =	sadd.s32 s0, s3;
	s0 =	sld [smem:$0x3F99]  }
0x30: {  	s3 =	sld [smem:$0x3F9C]  }
0x31: {  	[smem:$0x3FA5] =	sst s10  }
0x32: {  	s10 =	sld [smem:$0x3FA3];
	_ =	sdelay $0x3  }
0x33: {  	p0 =	seq.s32 s10, $0x1;
	s10 =	sld [smem:$0x3FA5];
	_ =	sdelay $0x3  }
0x34: {  	[smem:$0x3FA5] =	sst s10  }
0x35: {  	s10 =	sld [smem:$0x3FA4];
	_ =	sdelay $0x3  }
0x36: {  	p1 =	seq.s32 s10, $0x1;
	s10 =	sld [smem:$0x3FA5];
	_ =	sdelay $0x3  }
0x37: {  	[smem:$0x3FA5] =	sst s10  }
0x38: {  	s10 =	sld [smem:$0x3FA6]  }
0x39: {  	_ = 	snop;
	(pc) =	sbr.ind lr, $3  }
0x3a: {  	_ = 	snop  }
0x3b: {  	_ = 	snop  }
0x3c: {  	p2 =	seq.s32 s10, $0x1;
	s10 =	sld [smem:$0x3FA5]  }
0x3d: {  	_ =	shalt  }
0x3e: {  	_ =	shalt  }
0x3f: {  	_ =	shalt  }
0x40: {  	_ =	shalt  }
0x41: {  	_ =	shalt  }
0x42: {  	_ =	shalt  }
0x43: {  	_ =	shalt  }
0x44: {  	_ =	shalt  }
0x45: {  	_ =	shalt  }
0x46: {  	_ =	shalt  }
0x47: {  	_ =	shalt  }
0x48: {  	_ =	shalt  }
0x49: {  	_ =	shalt  }
0x4a: {  	_ =	shalt  }
0x4b: {  	_ =	shalt  }
0x4c: {  	_ =	shalt  }
0x4d: {  	_ =	shalt  }
0x4e: {  	_ =	shalt  }
0x4f: {  	_ =	shalt  }
0x50: {  	_ =	shalt  }
0x51: {  	_ =	shalt  }
0x52: {  	_ =	shalt  }
0x53: {  	_ =	shalt  }
0x54: {  	_ =	shalt  }
0x55: {  	_ =	shalt  }
0x56: {  	_ =	shalt  }
0x57: {  	_ =	shalt  }
0x58: {  	_ =	shalt  }
0x59: {  	_ =	shalt  }
0x5a: {  	_ =	shalt  }
0x5b: {  	_ =	shalt  }
0x5c: {  	_ =	shalt  }
0x5d: {  	_ =	shalt  }
0x5e: {  	_ =	shalt  }
0x5f: {  	_ =	shalt  }
0x60: {  	_ =	shalt  }
0x61: {  	_ =	shalt  }
0x62: {  	_ =	shalt  }
0x63: {  	_ =	shalt  }
0x64: {  	_ =	shalt  }
0x65: {  	_ =	shalt  }
0x66: {  	_ =	shalt  }
0x67: {  	_ =	shalt  }
0x68: {  	_ =	shalt  }
0x69: {  	_ =	shalt  }
0x6a: {  	_ =	shalt  }
0x6b: {  	_ =	shalt  }
0x6c: {  	_ =	shalt  }
0x6d: {  	_ =	shalt  }
0x6e: {  	_ =	shalt  }
0x6f: {  	_ =	shalt  }
0x70: {  	_ =	shalt  }
0x71: {  	_ =	shalt  }
0x72: {  	_ =	shalt  }
0x73: {  	_ =	shalt  }
0x74: {  	_ =	shalt  }
0x75: {  	_ =	shalt  }
0x76: {  	_ =	shalt  }
0x77: {  	_ =	shalt  }
0x78: {  	_ =	shalt  }
0x79: {  	_ =	shalt  }
0x7a: {  	_ =	shalt  }
0x7b: {  	_ =	shalt  }
0x7c: {  	_ =	shalt  }
0x7d: {  	_ =	shalt  }
0x7e: {  	_ =	shalt  }
0x7f: {  	_ =	shalt  }
0x80: {  	_ =	shalt  }
0x81: {  	_ =	shalt  }
0x82: {  	_ =	shalt  }
0x83: {  	_ =	shalt  }
0x84: {  	_ =	shalt  }
0x85: {  	_ =	shalt  }
0x86: {  	_ =	shalt  }
0x87: {  	_ =	shalt  }
.Lfunc_end0:
.L_simem_size_0:
called_computation_lowered:
.L_overlay_start_0:
0x88: {  	s2 =	sld [smem:$0x3FD9]  }
0x89: {  	s3 =	sld [smem:$0x3FFE];
	_ =	sdelay $0x1  }
0x8a: {  	s1 =	srdreg.scid  }
0x8b: {  	s0 =	sand.u32 $0x1, s1  }
0x8c: {  	s17 =	sshll.u32 s0, $0xA;
	s2 =	sadd.s32 s3, s2  }
0x8d: {  	s2 =	sadd.s32 s2, s17  }
0x8e: {  	[smem:$0x3FB1] =	sst s2  }
0x8f: {  	_ = 	snop  }
0x90: {  	s2 =	sld [smem:$0x3FD0];
	(tm) =	ssettm $0x1  }
0x91: {  	s18 =	sld [smem:$0x3FFB];
	_ =	sdelay $0x3  }
0x92: {  	_ =	strace s18  }
0x93: {  	s3 =	sld [smem:$0x3FFC];
	_ =	sdelay $0x3  }
0x94: {  	_ =	strace s3  }
0x95: {  	s3 =	sld [smem:$0x3FFD];
	_ =	sdelay $0x3  }
0x96: {  	_ =	strace s3  }
0x97: {  	_ =	strace $0x8FFFFFFF  }
0x98: {  	s19 =	sld [smem:$0x3FDB];
	_ =	sdelay $0x1  }
0x99: {  	s4 =	simm.s32 $_scs_section_size  }
0x9a: {  	s5 =	simm.s32 $_size__tile_overlayer_lowered;
	s6 =	simm.s32 $_tile_overlayer_lowered  }
0x9b: {  	s22 =	simm.s32 $0x1BFF;
	s21 =	sshll.u32 s6, $0x1;
	s3 =	sadd.s32 s4, s19  }
0x9c: {  	s7 =	simm.s32 $0x0;
	s20 =	sshll.u32 s5, $0x1;
	s5 =	sadd.s32 s21, s3  }
0x9d: {  	[timem:s7], [sflag:s22] =	dma.local [hbm:s5], s20  }
0x9e: {  	_ =	swait.ge [sflag:s22], s20  }
0x9f: {  	s4 =	ssub.s32 $0x0, s20;
	[sflag:s22] =	ssyncset.done $0x0  }
0xa0: {  	[sflag:s22] =	ssyncadd.s32 s4;
	_ =	sdelay $0x1  }
0xa1: {  	s23 =	simm.s32 $0x1B8B  }
0xa2: {  	_ =	swait.ge [sflag:s23], $0x1  }
0xa3: {  	[sflag:s23] =	ssyncset.done $0x0  }
0xa4: {  	s25 =	simm.s32 $0x1B8E;
	s24 =	sld [smem:$0x3FFE];
	[sflag:s23] =	ssyncadd.s32 $0xFFFFFFFF  }
0xa5: {  	s26 =	simm.s32 $execute0_lowered;
	[smem:$0x3FD2] =	sst s25  }
0xa6: {  	s5 =	sshll.u32 s26, $0x1;
	_ =	strace $0x80000046;
	[dreg:$0x1] =	wrdreg $0xFFFFFFFF  }
0xa7: {  	s28 =	simm.s32 $_size_execute0_lowered;
	s3 =	sadd.s32 s3, s5;
	[dreg:$0x0] =	wrdreg $0x0  }
0xa8: {  	s5 =	sshll.u32 s28, $0x1;
	[dreg:$0x2] =	wrdreg s3  }
0xa9: {  	[dreg:$0x3] =	wrdreg s5  }
0xaa: {  	[dreg:$0x4] =	wrdreg $0xC0  }
0xab: {  	_ =	task [dreg:s7], $0x5FFFF  }
0xac: {  	[dreg:$0x1] =	wrdreg $0xFFFFFFFF  }
0xad: {  	[dreg:$0x0] =	wrdreg $0x60  }
0xae: {  	[dreg:$0x2] =	wrdreg s24  }
0xaf: {  	[dreg:$0x3] =	wrdreg s2  }
0xb0: {  	[dreg:$0x4] =	wrdreg $0xAA000  }
0xb1: {  	[dreg:$0x5] =	wrdreg $0x9  }
0xb2: {  	_ =	task.clear_ibuf [dreg:s7], $0x6FFFF;
	_ =	strace $0x90000046  }
0xb3: {  	s29 =	simm.s32 $0x9;
	_ =	strace $0x80000048  }
0xb4: {  	_ =	swait.ge [sflag:s29], $0x1  }
0xb5: {  	[sflag:s29] =	ssyncadd.s32 $0xFFFFFFFF  }
0xb6: {  	_ =	strace $0x90000048  }
0xb7: {  	_ =	sfence  }
0xb8: {  	s30 =	sld [smem:$0x0];
	_ =	sdelay $0x2  }
0xb9: {  	s31 =	sshll.u32 s1, $0xD;
	s1 =	sshrl.u32 s1, $0x2  }
0xba: {  	s3 =	sand.u32 $0x4000, s31;
	s1 =	sadd.s32 s1, s30  }
0xbb: {  	s0 =	sor.u32 s3, s0;
	s1 =	sshll.u32 s1, $0x11  }
0xbc: {  	s0 =	sor.u32 s1, s0  }
0xbd: {  	s0 =	sadd.s32 $0x8F2B, s0  }
0xbe: {  	[sflag:s0] =	ssyncadd.remote.s32 $0x1  }
0xbf: {  	_ =	sfence.sel $0xFFFF  }
0xc0: {  	[dreg:$0x0] =	wrdreg $0xFFFFFFFF;
	(pc) =	sbr.abs _section_cstart, $3  }
0xc1: {  	[dreg:$0x1] =	wrdreg $0xFFFFFFFF  }
0xc2: {  	_ =	task.clear_ibuf [dreg:s7], $0x2FFFF;
	_ =	strace $0x9FFFFFFF  }
0xc3: {  	(tm) =	ssettm $0x7FFFFFFF  }
tec
execute0_lowered:
.L_overlay_start_1:
0x0: {  	(tag) =	ssettag $0x1  }
0x1: {  	s0 =	rddreg [dreg:$0x0]  }
0x2: {  	s3 =	rddreg [dreg:$0x1]  }
0x3: {  	s1 =	rddreg [dreg:$0x2]  }
0x4: {  	s2 =	simm.s32 $0x0;
	s4 =	srdreg.scid;
	s15 =	stileid.u32  }
0x5: {  	s29 =	simm.s32 $0x200;
	s30 =	simm.s32 $0x5;
	s9 =	smul.u32 $0x14000, s15  }
0x6: {  	s8 =	sand.u32 $0x1, s4;
	s4 =	sadd.s32 $0xA06200, s0;
	s6 =	smul.u32 $0x5000, s15  }
0x7: {  	s31 =	simm.s32 $0x100;
	s10 =	sadd.s32 $0xA54400, s0;
	s14 =	smul.u32 $0x50000, s15  }
0x8: {  	[smem:$0x7FF] =	sst s2;
	s5 =	sadd.s32 $0xA68400, s0;
	s7 =	smul.u32 $0x140000, s8  }
0x9: {  	_ =	strace $0x80000047;
	s16 =	ssub.s32 $0x2, s8;
	s11 =	smul.u32 $0x50000, s8  }
0xa: {  	s18 =	sshll.u32 s8, $0x4;
	s13 =	sshrl.u32 s16, $0x1;
	s19 =	sshrl.u32 s14, $0x2  }
0xb: {  	s20 =	sor.u32 s15, s18;
	s7 =	sadd.s32 s9, s7;
	s17 =	ssub.s32 s16, s13  }
0xc: {  	s8 =	sadd.s32 s6, s11;
	s9 =	sadd.s32 s19, s1;
	s13 =	smul.u32 $0x500, s20  }
0xd: {  	s12 =	sshrl.u32 s7, $0x3;
	s7 =	sadd.s32 $0xA7C400, s0;
	s16 =	sadd.s32 $0x4000, s9  }
0xe: {  	s21 =	sshrl.u32 s8, $0x3;
	s19 =	sadd.s32 $0x8000, s9;
	[dreg:$0xc] =	wrdreg s16  }
0xf: {  	s18 =	sor.u32 $0x100, s8;
	s20 =	sadd.s32 $0xC000, s9;
	[dreg:$0xd] =	wrdreg s19  }
0x10: {  	s26 =	sadd.s32 s10, s21;
	s23 =	sadd.s32 s7, s14;
	[dreg:$0xe] =	wrdreg s20  }
0x11: {  	s28 =	sadd.s32 s5, s21;
	s14 =	sadd.s32 s3, s13;
	[dreg:$0x5] =	wrdreg s23  }
0x12: {  	s15 =	sor.u32 $0x10, s21;
	s21 =	sadd.s32 $0x10000, s9;
	[dreg:$0xa] =	wrdreg s14  }
0x13: {  	s0 =	sadd.s32 s12, s0;
	s22 =	sadd.s32 s10, s15;
	[dreg:$0xf] =	wrdreg s21  }
0x14: {  	s3 =	sshrl.u32 s18, $0x3;
	s24 =	sadd.s32 s5, s15;
	[dreg:$0x4] =	wrdreg s22  }
0x15: {  	s16 =	simm.s32 $0x2;
	s25 =	sadd.s32 $0x55E00, s0;
	[dreg:$0x6] =	wrdreg s24  }
0x16: {  	s18 =	simm.s32 $0x3;
	s11 =	sadd.s32 $0x800, s23;
	[dreg:$0x7] =	wrdreg s25  }
0x17: {  	s19 =	simm.s32 $0x4;
	s0 =	sadd.s32 $0x5E00, s0;
	[dreg:$0x8] =	wrdreg s11  }
0x18: {  	s15 =	smax.u32 s17, $0x1;
	s17 =	sor.u32 $0x180, s8;
	[dreg:$0x9] =	wrdreg s0  }
0x19: {  	s13 =	simm.s32 $0x8200;
	[dreg:$0xb] =	wrdreg s15;
	s0 =	sshrl.u32 s17, $0x3  }
0x1a: {  	s24 =	sadd.s32 s3, s10;
	s25 =	sadd.s32 s3, s5;
	s3 =	simm.s32 $0x180  }
0x1b: {  	s15 =	simm.s32 $0x1;
	s17 =	simm.s32 $0x4200;
	s22 =	sadd.s32 s0, s5  }
0x1c: {  	v0 =	vimm.f32 $0.0e+00;
	v1 =	vimm.f32 $1.000000000e+00;
	s23 =	sadd.s32 s0, s10;
	s0 =	simm.s32 $0x80;
	s10 =	simm.s32 $0x0  }
.LBB2_1:
0x1d: {  	s12 =	simm.s32 $0x0  }
.LBB2_2:
0x1e: {  	p0 =	sne.s32 s12, $0x9FC0  }
.Ltmp0:
0x1f: {  	_ = 	snop;
	(pc) =	sbr.rel @p0 .LBB2_2-.Ltmp0, $3  }
0x20: {  	_ =	sdelay $0x1  }
0x21: {  	s20 =	sshra.s32 s12, $0x2  }
0x22: {  	s12 =	sadd.s32 $0x40, s12;
	[tilespmem:s20+$0x8200] =	vst v0  }
0x23: {  	s12 =	simm.s32 $0x0;
	s20 =	simm.s32 $0x200  }
.LBB2_4:
0x24: {  	p0 =	sne.s32 s20, $0xFE00;
	[tilespmem:s12+$0x270] =	vst v0  }
0x25: {  	[tilespmem:s12+$0x200] =	vst v0  }
0x26: {  	[tilespmem:s12+$0x210] =	vst v0  }
.Ltmp1:
0x27: {  	[tilespmem:s12+$0x220] =	vst v0;
	(pc) =	sbr.rel @p0 .LBB2_4-.Ltmp1, $4  }
0x28: {  	[tilespmem:s12+$0x230] =	vst v0  }
0x29: {  	[tilespmem:s12+$0x240] =	vst v0  }
0x2a: {  	[tilespmem:s12+$0x250] =	vst v0  }
0x2b: {  	[tilespmem:s12+$0x260] =	vst v0;
	s12 =	sshra.s32 s20, $0x2;
	s20 =	sadd.s32 $0x200, s20  }
0x2c: {  	[tilespmem:s12+$0x270] =	vst v0  }
0x2d: {  	[tilespmem:s12+$0x200] =	vst v0  }
0x2e: {  	[tilespmem:s12+$0x210] =	vst v0  }
0x2f: {  	[tilespmem:s12+$0x220] =	vst v0  }
0x30: {  	[tilespmem:s12+$0x230] =	vst v0  }
0x31: {  	[tilespmem:s12+$0x240] =	vst v0  }
0x32: {  	[tilespmem:s12+$0x250] =	vst v0  }
0x33: {  	[tilespmem:s12+$0x260] =	vst v0  }
0x34: {  	[spmem:s9] =	stream.linear.scatter [tilespmem:s29], [sflag:$0x5], $0x4000, $0x38;
	[tilespmem:$0x1EA00] =	vst v63  }
0x35: {  	_ =	swait.ge [sflag:s30], $0x4000  }
0x36: {  	[sflag:s30] =	ssyncset.done $0x0  }
0x37: {  	s11 =	rddreg [dreg:$0xc];
	[sflag:s30] =	ssyncadd.s32 $0xFFFFC000  }
0x38: {  	[spmem:s11] =	stream.linear.scatter [tilespmem:s29], [sflag:$0x5], $0x4000, $0x38;
	[tilespmem:$0x1EA00] =	vst v63  }
0x39: {  	_ =	swait.ge [sflag:s30], $0x4000  }
0x3a: {  	[sflag:s30] =	ssyncset.done $0x0  }
0x3b: {  	s20 =	rddreg [dreg:$0xd];
	[sflag:s30] =	ssyncadd.s32 $0xFFFFC000  }
0x3c: {  	[spmem:s20] =	stream.linear.scatter [tilespmem:s29], [sflag:$0x5], $0x4000, $0x38;
	[tilespmem:$0x1EA00] =	vst v63  }
0x3d: {  	_ =	swait.ge [sflag:s30], $0x4000  }
0x3e: {  	[sflag:s30] =	ssyncset.done $0x0  }
0x3f: {  	s21 =	rddreg [dreg:$0xe];
	[sflag:s30] =	ssyncadd.s32 $0xFFFFC000  }
0x40: {  	[spmem:s21] =	stream.linear.scatter [tilespmem:s29], [sflag:$0x5], $0x4000, $0x38;
	[tilespmem:$0x1EA00] =	vst v63  }
0x41: {  	_ =	swait.ge [sflag:s30], $0x4000  }
0x42: {  	[sflag:s30] =	ssyncset.done $0x0  }
0x43: {  	s12 =	rddreg [dreg:$0xf];
	[sflag:s30] =	ssyncadd.s32 $0xFFFFC000  }
0x44: {  	[spmem:s12] =	stream.linear.scatter [tilespmem:s29], [sflag:$0x5], $0x4000, $0x38;
	[tilespmem:$0x1EA00] =	vst v63  }
0x45: {  	_ =	swait.ge [sflag:s30], $0x4000  }
0x46: {  	[sflag:s30] =	ssyncset.done $0x0  }
0x47: {  	[sflag:s30] =	ssyncadd.s32 $0xFFFFC000  }
0x48: {  	s14 =	simm.s32 $0x0;
	[bflag:$0x0] =	sbarrier.arrive $0xFFFF  }
0x49: {  	[tilespmem:s14], [sflag:$0x1] =	stream.linear.gather [hbm4b:s26+s14], $0x80, $0x38;
	[tilespmem:$0x1EA00] =	vst v63  }
0x4a: {  	_ = 	snop  }
0x4b: {  	[tilespmem:s31], [sflag:$0x1] =	stream.linear.gather [hbm4b:s28+s14], $0x80, $0x38;
	[tilespmem:$0x1EA00] =	vst v63  }
0x4c: {  	s20 =	rddreg [dreg:$0x4]  }
0x4d: {  	[tilespmem:s0], [sflag:$0x2] =	stream.linear.gather [hbm4b:s20+s14], $0x80, $0x38;
	[tilespmem:$0x1EA00] =	vst v63  }
0x4e: {  	s21 =	rddreg [dreg:$0x6]  }
0x4f: {  	[tilespmem:s3], [sflag:$0x2] =	stream.linear.gather [hbm4b:s21+s14], $0x80, $0x38;
	[tilespmem:$0x1EA00] =	vst v63  }
0x50: {  	_ =	swait.ge [sflag:s15], $0x80  }
0x51: {  	[sflag:s15] =	ssyncset.done $0x0  }
0x52: {  	[sflag:s15] =	ssyncadd.s32 $0xFFFFFF80  }
0x53: {  	_ =	swait.ge [sflag:s15], $0x80  }
0x54: {  	[sflag:s15] =	ssyncset.done $0x0  }
0x55: {  	[sflag:s15] =	ssyncadd.s32 $0xFFFFFF80  }
0x56: {  	[tilespmem:s29], [sflag:$0x3] =	stream.indirect.gather [hbm4b:s4+s0], $0x80, s14, s0, $0xb8;
	[tilespmem:$0x1EA00] =	vst v63  }
0x57: {  	_ =	swait.ge [sflag:s16], $0x80  }
0x58: {  	[sflag:s16] =	ssyncset.done $0x0  }
0x59: {  	[sflag:s16] =	ssyncadd.s32 $0xFFFFFF80  }
0x5a: {  	_ =	swait.ge [sflag:s16], $0x80  }
0x5b: {  	[sflag:s16] =	ssyncset.done $0x0  }
0x5c: {  	[sflag:s16] =	ssyncadd.s32 $0xFFFFFF80  }
0x5d: {  	[tilespmem:s17], [sflag:$0x4] =	stream.indirect.gather [hbm4b:s4+s0], $0x80, s0, s0, $0xb8;
	[tilespmem:$0x1EA00] =	vst v63  }
0x5e: {  	_ =	swait.ge [sflag:s18], $0x4000  }
0x5f: {  	[sflag:s18] =	ssyncset.done $0x0  }
0x60: {  	[sflag:s18] =	ssyncadd.s32 $0xFFFFC000  }
0x61: {  	[spmem:s1] =	stream.indirect.scatter.add.f32 [tilespmem:s29], [sflag:$0x5], $0x80, s31, s0, $0xb8;
	[tilespmem:$0x1EA00] =	vst v63  }
0x62: {  	_ =	swait.ge [sflag:s30], $0x4000  }
0x63: {  	[sflag:s30] =	ssyncset.done $0x0  }
0x64: {  	s11 =	sadd.s32 $0x0, s24;
	[sflag:s30] =	ssyncadd.s32 $0xFFFFC000  }
0x65: {  	[tilespmem:s2], [sflag:$0x1] =	stream.linear.gather [hbm4b:s11+s2], $0x80, $0x38;
	[tilespmem:$0x1EA00] =	vst v63  }
0x66: {  	s14 =	sadd.s32 $0x0, s25  }
0x67: {  	[tilespmem:s31], [sflag:$0x1] =	stream.linear.gather [hbm4b:s14+s2], $0x80, $0x38;
	[tilespmem:$0x1EA00] =	vst v63  }
0x68: {  	_ =	swait.ge [sflag:s15], $0x80  }
0x69: {  	[sflag:s15] =	ssyncset.done $0x0  }
0x6a: {  	[sflag:s15] =	ssyncadd.s32 $0xFFFFFF80  }
0x6b: {  	_ =	swait.ge [sflag:s15], $0x80  }
0x6c: {  	[sflag:s15] =	ssyncset.done $0x0  }
0x6d: {  	[sflag:s15] =	ssyncadd.s32 $0xFFFFFF80  }
0x6e: {  	[tilespmem:s29], [sflag:$0x3] =	stream.indirect.gather [hbm4b:s4+s0], $0x80, s2, s0, $0xb8;
	[tilespmem:$0x1EA00] =	vst v63  }
0x6f: {  	_ =	swait.ge [sflag:s19], $0x4000  }
0x70: {  	[sflag:s19] =	ssyncset.done $0x0  }
0x71: {  	[sflag:s19] =	ssyncadd.s32 $0xFFFFC000  }
0x72: {  	[spmem:s1] =	stream.indirect.scatter.add.f32 [tilespmem:s17], [sflag:$0x5], $0x80, s3, s0, $0xb8;
	[tilespmem:$0x1EA00] =	vst v63  }
0x73: {  	_ =	swait.ge [sflag:s30], $0x4000  }
0x74: {  	[sflag:s30] =	ssyncset.done $0x0  }
0x75: {  	s20 =	sadd.s32 $0x0, s23;
	[sflag:s30] =	ssyncadd.s32 $0xFFFFC000  }
0x76: {  	[tilespmem:s0], [sflag:$0x2] =	stream.linear.gather [hbm4b:s20+s2], $0x80, $0x38;
	[tilespmem:$0x1EA00] =	vst v63  }
0x77: {  	s21 =	sadd.s32 $0x0, s22  }
0x78: {  	[tilespmem:s3], [sflag:$0x2] =	stream.linear.gather [hbm4b:s21+s2], $0x80, $0x38;
	[tilespmem:$0x1EA00] =	vst v63  }
0x79: {  	_ =	swait.ge [sflag:s16], $0x80  }
0x7a: {  	[sflag:s16] =	ssyncset.done $0x0  }
0x7b: {  	[sflag:s16] =	ssyncadd.s32 $0xFFFFFF80  }
0x7c: {  	_ =	swait.ge [sflag:s16], $0x80  }
0x7d: {  	[sflag:s16] =	ssyncset.done $0x0  }
0x7e: {  	s12 =	simm.s32 $0x20;
	[sflag:s16] =	ssyncadd.s32 $0xFFFFFF80  }
.LBB2_6:
0x7f: {  	[tilespmem:s17], [sflag:$0x4] =	stream.indirect.gather [hbm4b:s4+s0], $0x80, s0, s0, $0xb8;
	[tilespmem:$0x1EA00] =	vst v63  }
0x80: {  	s20 =	smov.u32 s12  }
0x81: {  	p0 =	sne.s32 s12, $0x9C0;
	s12 =	sadd.s32 $0x20, s12;
	_ =	swait.ge [sflag:s18], $0x4000  }
0x82: {  	[sflag:s18] =	ssyncset.done $0x0  }
0x83: {  	[sflag:s18] =	ssyncadd.s32 $0xFFFFC000  }
0x84: {  	[spmem:s1] =	stream.indirect.scatter.add.f32 [tilespmem:s29], [sflag:$0x5], $0x80, s31, s0, $0xb8;
	[tilespmem:$0x1EA00] =	vst v63  }
0x85: {  	_ =	swait.ge [sflag:s30], $0x4000  }
0x86: {  	[sflag:s30] =	ssyncset.done $0x0  }
0x87: {  	s21 =	sadd.s32 s20, s24;
	[sflag:s30] =	ssyncadd.s32 $0xFFFFC000  }
0x88: {  	[tilespmem:s2], [sflag:$0x1] =	stream.linear.gather [hbm4b:s21+s2], $0x80, $0x38;
	[tilespmem:$0x1EA00] =	vst v63  }
0x89: {  	s21 =	sadd.s32 s20, s25  }
0x8a: {  	[tilespmem:s31], [sflag:$0x1] =	stream.linear.gather [hbm4b:s21+s2], $0x80, $0x38;
	[tilespmem:$0x1EA00] =	vst v63  }
0x8b: {  	_ =	swait.ge [sflag:s15], $0x80  }
0x8c: {  	[sflag:s15] =	ssyncset.done $0x0  }
0x8d: {  	[sflag:s15] =	ssyncadd.s32 $0xFFFFFF80  }
0x8e: {  	_ =	swait.ge [sflag:s15], $0x80  }
0x8f: {  	[sflag:s15] =	ssyncset.done $0x0  }
0x90: {  	[sflag:s15] =	ssyncadd.s32 $0xFFFFFF80  }
0x91: {  	[tilespmem:s29], [sflag:$0x3] =	stream.indirect.gather [hbm4b:s4+s0], $0x80, s2, s0, $0xb8;
	[tilespmem:$0x1EA00] =	vst v63  }
0x92: {  	_ =	swait.ge [sflag:s19], $0x4000  }
0x93: {  	[sflag:s19] =	ssyncset.done $0x0  }
0x94: {  	[sflag:s19] =	ssyncadd.s32 $0xFFFFC000  }
0x95: {  	[spmem:s1] =	stream.indirect.scatter.add.f32 [tilespmem:s17], [sflag:$0x5], $0x80, s3, s0, $0xb8;
	[tilespmem:$0x1EA00] =	vst v63  }
0x96: {  	_ =	swait.ge [sflag:s30], $0x4000  }
0x97: {  	[sflag:s30] =	ssyncset.done $0x0  }
0x98: {  	s21 =	sadd.s32 s20, s23;
	[sflag:s30] =	ssyncadd.s32 $0xFFFFC000  }
0x99: {  	[tilespmem:s0], [sflag:$0x2] =	stream.linear.gather [hbm4b:s21+s2], $0x80, $0x38;
	[tilespmem:$0x1EA00] =	vst v63  }
0x9a: {  	s20 =	sadd.s32 s20, s22  }
0x9b: {  	[tilespmem:s3], [sflag:$0x2] =	stream.linear.gather [hbm4b:s20+s2], $0x80, $0x38;
	[tilespmem:$0x1EA00] =	vst v63  }
0x9c: {  	_ =	swait.ge [sflag:s16], $0x80  }
.Ltmp2:
0x9d: {  	[sflag:s16] =	ssyncset.done $0x0;
	(pc) =	sbr.rel @p0 .LBB2_6-.Ltmp2, $4  }
0x9e: {  	[sflag:s16] =	ssyncadd.s32 $0xFFFFFF80  }
0x9f: {  	_ =	swait.ge [sflag:s16], $0x80  }
0xa0: {  	[sflag:s16] =	ssyncset.done $0x0  }
0xa1: {  	[sflag:s16] =	ssyncadd.s32 $0xFFFFFF80  }
0xa2: {  	[tilespmem:s17], [sflag:$0x4] =	stream.indirect.gather [hbm4b:s4+s0], $0x80, s0, s0, $0xb8;
	[tilespmem:$0x1EA00] =	vst v63  }
0xa3: {  	_ =	swait.ge [sflag:s18], $0x4000  }
0xa4: {  	[sflag:s18] =	ssyncset.done $0x0  }
0xa5: {  	[sflag:s18] =	ssyncadd.s32 $0xFFFFC000  }
0xa6: {  	[spmem:s1] =	stream.indirect.scatter.add.f32 [tilespmem:s29], [sflag:$0x5], $0x80, s31, s0, $0xb8;
	[tilespmem:$0x1EA00] =	vst v63  }
0xa7: {  	_ =	swait.ge [sflag:s30], $0x4000  }
0xa8: {  	[sflag:s30] =	ssyncset.done $0x0  }
0xa9: {  	s12 =	simm.s32 $0x0;
	[sflag:s30] =	ssyncadd.s32 $0xFFFFC000  }
0xaa: {  	[tilespmem:s12], [sflag:$0x1] =	stream.linear.gather [hbm4b:s26+s12], $0x80, $0x38;
	[tilespmem:$0x1EA00] =	vst v63  }
0xab: {  	_ = 	snop  }
0xac: {  	[tilespmem:s31], [sflag:$0x1] =	stream.linear.gather [hbm4b:s28+s12], $0x80, $0x38;
	[tilespmem:$0x1EA00] =	vst v63  }
0xad: {  	_ =	swait.ge [sflag:s15], $0x80  }
0xae: {  	[sflag:s15] =	ssyncset.done $0x0  }
0xaf: {  	[sflag:s15] =	ssyncadd.s32 $0xFFFFFF80  }
0xb0: {  	_ =	swait.ge [sflag:s15], $0x80  }
0xb1: {  	[sflag:s15] =	ssyncset.done $0x0  }
0xb2: {  	[sflag:s15] =	ssyncadd.s32 $0xFFFFFF80  }
0xb3: {  	[tilespmem:s29], [sflag:$0x3] =	stream.indirect.gather [hbm4b:s4+s0], $0x80, s12, s0, $0xb8;
	[tilespmem:$0x1EA00] =	vst v63  }
0xb4: {  	_ =	swait.ge [sflag:s19], $0x4000  }
0xb5: {  	[sflag:s19] =	ssyncset.done $0x0  }
0xb6: {  	[sflag:s19] =	ssyncadd.s32 $0xFFFFC000  }
0xb7: {  	[spmem:s1] =	stream.indirect.scatter.add.f32 [tilespmem:s17], [sflag:$0x5], $0x80, s3, s0, $0xb8;
	[tilespmem:$0x1EA00] =	vst v63  }
0xb8: {  	_ =	swait.ge [sflag:s30], $0x4000  }
0xb9: {  	[sflag:s30] =	ssyncset.done $0x0  }
0xba: {  	s14 =	rddreg [dreg:$0x4];
	[sflag:s30] =	ssyncadd.s32 $0xFFFFC000  }
0xbb: {  	[tilespmem:s0], [sflag:$0x2] =	stream.linear.gather [hbm4b:s14+s12], $0x80, $0x38;
	[tilespmem:$0x1EA00] =	vst v63  }
0xbc: {  	s20 =	rddreg [dreg:$0x6]  }
0xbd: {  	[tilespmem:s3], [sflag:$0x2] =	stream.linear.gather [hbm4b:s20+s12], $0x80, $0x38;
	[tilespmem:$0x1EA00] =	vst v63  }
0xbe: {  	_ =	swait.ge [sflag:s16], $0x80  }
0xbf: {  	[sflag:s16] =	ssyncset.done $0x0  }
0xc0: {  	[sflag:s16] =	ssyncadd.s32 $0xFFFFFF80  }
0xc1: {  	_ =	swait.ge [sflag:s16], $0x80  }
0xc2: {  	[sflag:s16] =	ssyncset.done $0x0  }
0xc3: {  	[sflag:s16] =	ssyncadd.s32 $0xFFFFFF80  }
0xc4: {  	[tilespmem:s17], [sflag:$0x4] =	stream.indirect.gather [hbm4b:s4+s0], $0x80, s0, s0, $0xb8;
	[tilespmem:$0x1EA00] =	vst v63  }
0xc5: {  	_ =	swait.ge [sflag:s18], $0x4000  }
0xc6: {  	[sflag:s18] =	ssyncset.done $0x0  }
0xc7: {  	[sflag:s18] =	ssyncadd.s32 $0xFFFFC000  }
0xc8: {  	_ =	swait.ge [sflag:s19], $0x4000  }
0xc9: {  	[sflag:s19] =	ssyncset.done $0x0  }
0xca: {  	s21 =	stileid.u32;
	[sflag:s19] =	ssyncadd.s32 $0xFFFFC000  }
0xcb: {  	s11 =	smov.u32 s26;
	s12 =	sshll.u32 s21, $0x6;
	[bflag:$0x0] =	sbarrier.arrive $0xFFFF  }
0xcc: {  	s20 =	sshrl.u32 s9, $0x3;
	s12 =	sor.u32 $0x1C05, s12;
	s26 =	rddreg [dreg:$0x7]  }
0xcd: {  	[hbm:s26], [sflag:s12] =	dma.local [spmem:s20], $0x2800  }
0xce: {  	_ =	swait.ge [sflag:s30], $0x2800  }
0xcf: {  	[sflag:s30] =	ssyncset.done $0x0  }
0xd0: {  	[sflag:s30] =	ssyncadd.s32 $0xFFFFD800  }
0xd1: {  	s21 =	simm.s32 $0x0;
	s26 =	simm.s32 $0x200;
	[bflag:$0x0] =	sbarrier.arrive $0xFFFF  }
.LBB2_8:
0xd2: {  	p0 =	sne.s32 s26, $0xFE00;
	[tilespmem:s21+$0x270] =	vst v0  }
0xd3: {  	[tilespmem:s21+$0x200] =	vst v0  }
0xd4: {  	[tilespmem:s21+$0x210] =	vst v0  }
.Ltmp3:
0xd5: {  	[tilespmem:s21+$0x220] =	vst v0;
	(pc) =	sbr.rel @p0 .LBB2_8-.Ltmp3, $4  }
0xd6: {  	[tilespmem:s21+$0x230] =	vst v0  }
0xd7: {  	[tilespmem:s21+$0x240] =	vst v0  }
0xd8: {  	[tilespmem:s21+$0x250] =	vst v0  }
0xd9: {  	[tilespmem:s21+$0x260] =	vst v0;
	s21 =	sshra.s32 s26, $0x2;
	s26 =	sadd.s32 $0x200, s26  }
0xda: {  	[tilespmem:s21+$0x270] =	vst v0  }
0xdb: {  	[tilespmem:s21+$0x200] =	vst v0  }
0xdc: {  	[tilespmem:s21+$0x210] =	vst v0  }
0xdd: {  	[tilespmem:s21+$0x220] =	vst v0  }
0xde: {  	[tilespmem:s21+$0x230] =	vst v0  }
0xdf: {  	[tilespmem:s21+$0x240] =	vst v0  }
0xe0: {  	[tilespmem:s21+$0x250] =	vst v0  }
0xe1: {  	[tilespmem:s21+$0x260] =	vst v0  }
0xe2: {  	[spmem:s9] =	stream.linear.scatter [tilespmem:s29], [sflag:$0x5], $0x4000, $0x38;
	[tilespmem:$0x1EA00] =	vst v63  }
0xe3: {  	_ =	swait.ge [sflag:s30], $0x4000  }
0xe4: {  	[sflag:s30] =	ssyncset.done $0x0  }
0xe5: {  	s14 =	rddreg [dreg:$0xc];
	[sflag:s30] =	ssyncadd.s32 $0xFFFFC000  }
0xe6: {  	[spmem:s14] =	stream.linear.scatter [tilespmem:s29], [sflag:$0x5], $0x4000, $0x38;
	[tilespmem:$0x1EA00] =	vst v63  }
0xe7: {  	_ =	swait.ge [sflag:s30], $0x4000  }
0xe8: {  	[sflag:s30] =	ssyncset.done $0x0  }
0xe9: {  	s26 =	rddreg [dreg:$0xd];
	[sflag:s30] =	ssyncadd.s32 $0xFFFFC000  }
0xea: {  	[spmem:s26] =	stream.linear.scatter [tilespmem:s29], [sflag:$0x5], $0x4000, $0x38;
	[tilespmem:$0x1EA00] =	vst v63  }
0xeb: {  	_ =	swait.ge [sflag:s30], $0x4000  }
0xec: {  	[sflag:s30] =	ssyncset.done $0x0  }
0xed: {  	s21 =	rddreg [dreg:$0xe];
	[sflag:s30] =	ssyncadd.s32 $0xFFFFC000  }
0xee: {  	[spmem:s21] =	stream.linear.scatter [tilespmem:s29], [sflag:$0x5], $0x4000, $0x38;
	[tilespmem:$0x1EA00] =	vst v63  }
0xef: {  	_ =	swait.ge [sflag:s30], $0x4000  }
0xf0: {  	[sflag:s30] =	ssyncset.done $0x0  }
0xf1: {  	s26 =	rddreg [dreg:$0xf];
	[sflag:s30] =	ssyncadd.s32 $0xFFFFC000  }
0xf2: {  	[spmem:s26] =	stream.linear.scatter [tilespmem:s29], [sflag:$0x5], $0x4000, $0x38;
	[tilespmem:$0x1EA00] =	vst v63  }
0xf3: {  	_ =	swait.ge [sflag:s30], $0x4000  }
0xf4: {  	[sflag:s30] =	ssyncset.done $0x0  }
0xf5: {  	[sflag:s30] =	ssyncadd.s32 $0xFFFFC000  }
0xf6: {  	[bflag:$0x0] =	sbarrier.arrive $0xFFFF  }
0xf7: {  	[tilespmem:s31], [sflag:$0x1] =	stream.linear.gather [hbm4b:s28+s2], $0x80, $0x38;
	[tilespmem:$0x1EA00] =	vst v63  }
0xf8: {  	s21 =	simm.s32 $0x180;
	s26 =	rddreg [dreg:$0x6]  }
0xf9: {  	[tilespmem:s21], [sflag:$0x2] =	stream.linear.gather [hbm4b:s26+s2], $0x80, $0x38;
	[tilespmem:$0x1EA00] =	vst v63  }
0xfa: {  	_ =	swait.ge [sflag:s15], $0x80  }
0xfb: {  	[sflag:s15] =	ssyncset.done $0x0  }
0xfc: {  	s14 =	smov.u32 s28;
	s28 =	rddreg [dreg:$0x5];
	[sflag:s15] =	ssyncadd.s32 $0xFFFFFF80  }
0xfd: {  	[tilespmem:s29], [sflag:$0x3] =	stream.linear.gather [hbm4b:s28+s2], $0x4000, $0x38;
	[tilespmem:$0x1EA00] =	vst v63  }
0xfe: {  	_ =	swait.ge [sflag:s16], $0x80  }
0xff: {  	[sflag:s16] =	ssyncset.done $0x0  }
0x100: {  	s28 =	rddreg [dreg:$0x8];
	[sflag:s16] =	ssyncadd.s32 $0xFFFFFF80  }
0x101: {  	[tilespmem:s17], [sflag:$0x4] =	stream.linear.gather [hbm4b:s28+s2], $0x4000, $0x38;
	[tilespmem:$0x1EA00] =	vst v63  }
.LBB2_10:
0x102: {  	_ =	swait.ge [sflag:s18], $0x4000  }
0x103: {  	[sflag:s18] =	ssyncset.done $0x0  }
0x104: {  	[sflag:s18] =	ssyncadd.s32 $0xFFFFC000  }
0x105: {  	[spmem:s1] =	stream.indirect.scatter.add.f32 [tilespmem:s29], [sflag:$0x5], $0x80, s31, s0, $0xb8;
	[tilespmem:$0x1EA00] =	vst v63  }
0x106: {  	_ =	swait.ge [sflag:s30], $0x4000  }
0x107: {  	[sflag:s30] =	ssyncset.done $0x0  }
0x108: {  	[sflag:s30] =	ssyncadd.s32 $0xFFFFC000  }
0x109: {  	v2 =	vld [tilespmem:$0x100];
	_ =	sdelay $0x7  }
0x10a: {  	[tilespmem:v2+s13+$0x0] =	vst.idx.add.f32.msk $0xffff, v1  }
0x10b: {  	v2 =	vld [tilespmem:$0x110];
	_ =	sdelay $0x7  }
0x10c: {  	[tilespmem:v2+s13+$0x0] =	vst.idx.add.f32.msk $0xffff, v1  }
0x10d: {  	v2 =	vld [tilespmem:$0x120];
	_ =	sdelay $0x7  }
0x10e: {  	[tilespmem:v2+s13+$0x0] =	vst.idx.add.f32.msk $0xffff, v1  }
0x10f: {  	v2 =	vld [tilespmem:$0x130];
	_ =	sdelay $0x7  }
0x110: {  	[tilespmem:v2+s13+$0x0] =	vst.idx.add.f32.msk $0xffff, v1  }
0x111: {  	v2 =	vld [tilespmem:$0x140];
	_ =	sdelay $0x7  }
0x112: {  	[tilespmem:v2+s13+$0x0] =	vst.idx.add.f32.msk $0xffff, v1  }
0x113: {  	v2 =	vld [tilespmem:$0x150];
	_ =	sdelay $0x7  }
0x114: {  	[tilespmem:v2+s13+$0x0] =	vst.idx.add.f32.msk $0xffff, v1  }
0x115: {  	v2 =	vld [tilespmem:$0x160];
	_ =	sdelay $0x7  }
0x116: {  	[tilespmem:v2+s13+$0x0] =	vst.idx.add.f32.msk $0xffff, v1  }
0x117: {  	v2 =	vld [tilespmem:$0x170];
	_ =	sdelay $0x3  }
0x118: {  	p0 =	seq.s32 s21, $0x5080;
	s26 =	sadd.s32 $0xFFFFFF80, s21  }
0x119: {  	s26 =	simm.s32 @p0 $0x0  }
0x11a: {  	s28 =	sadd.s32 s8, s26  }
0x11b: {  	s28 =	sshrl.u32 s28, $0x3  }
0x11c: {  	s28 =	sadd.s32 s5, s28;
	[tilespmem:v2+s13+$0x0] =	vst.idx.add.f32.msk $0xffff, v1  }
0x11d: {  	[tilespmem:s31], [sflag:$0x1] =	stream.linear.gather [hbm4b:s28+s2], $0x80, $0x38;
	[tilespmem:$0x1EA00] =	vst v63  }
0x11e: {  	s26 =	sadd.s32 s6, s26;
	_ =	swait.ge [sflag:s15], $0x80  }
0x11f: {  	s26 =	sshll.u32 s26, $0x4;
	[sflag:s15] =	ssyncset.done $0x0  }
0x120: {  	s26 =	sadd.s32 s7, s26;
	[sflag:s15] =	ssyncadd.s32 $0xFFFFFF80  }
0x121: {  	[tilespmem:s29], [sflag:$0x3] =	stream.linear.gather [hbm4b:s26+s2], $0x4000, $0x38;
	[tilespmem:$0x1EA00] =	vst v63  }
0x122: {  	_ =	swait.ge [sflag:s19], $0x4000  }
0x123: {  	[sflag:s19] =	ssyncset.done $0x0  }
0x124: {  	[sflag:s19] =	ssyncadd.s32 $0xFFFFC000  }
0x125: {  	[spmem:s1] =	stream.indirect.scatter.add.f32 [tilespmem:s17], [sflag:$0x5], $0x80, s3, s0, $0xb8;
	[tilespmem:$0x1EA00] =	vst v63  }
0x126: {  	_ =	swait.ge [sflag:s30], $0x4000  }
0x127: {  	[sflag:s30] =	ssyncset.done $0x0  }
0x128: {  	[sflag:s30] =	ssyncadd.s32 $0xFFFFC000  }
0x129: {  	v2 =	vld [tilespmem:$0x180];
	_ =	sdelay $0x7  }
0x12a: {  	[tilespmem:v2+s13+$0x0] =	vst.idx.add.f32.msk $0xffff, v1  }
0x12b: {  	v2 =	vld [tilespmem:$0x190];
	_ =	sdelay $0x7  }
0x12c: {  	[tilespmem:v2+s13+$0x0] =	vst.idx.add.f32.msk $0xffff, v1  }
0x12d: {  	v2 =	vld [tilespmem:$0x1A0];
	_ =	sdelay $0x7  }
0x12e: {  	[tilespmem:v2+s13+$0x0] =	vst.idx.add.f32.msk $0xffff, v1  }
0x12f: {  	v2 =	vld [tilespmem:$0x1B0];
	_ =	sdelay $0x7  }
0x130: {  	[tilespmem:v2+s13+$0x0] =	vst.idx.add.f32.msk $0xffff, v1  }
0x131: {  	v2 =	vld [tilespmem:$0x1C0];
	_ =	sdelay $0x7  }
0x132: {  	[tilespmem:v2+s13+$0x0] =	vst.idx.add.f32.msk $0xffff, v1  }
0x133: {  	v2 =	vld [tilespmem:$0x1D0];
	_ =	sdelay $0x7  }
0x134: {  	[tilespmem:v2+s13+$0x0] =	vst.idx.add.f32.msk $0xffff, v1  }
0x135: {  	v2 =	vld [tilespmem:$0x1E0];
	_ =	sdelay $0x7  }
0x136: {  	[tilespmem:v2+s13+$0x0] =	vst.idx.add.f32.msk $0xffff, v1  }
0x137: {  	v2 =	vld [tilespmem:$0x1F0];
	_ =	sdelay $0x3  }
0x138: {  	s26 =	smov.u32 s21  }
0x139: {  	s26 =	simm.s32 @p0 $0x80  }
0x13a: {  	s28 =	sadd.s32 s8, s26  }
0x13b: {  	s28 =	sshrl.u32 s28, $0x3  }
0x13c: {  	p0 =	sne.s32 s21, $0x5080;
	s28 =	sadd.s32 s5, s28;
	[tilespmem:v2+s13+$0x0] =	vst.idx.add.f32.msk $0xffff, v1  }
0x13d: {  	[tilespmem:s3], [sflag:$0x2] =	stream.linear.gather [hbm4b:s28+s2], $0x80, $0x38;
	[tilespmem:$0x1EA00] =	vst v63  }
.Ltmp4:
0x13e: {  	_ = 	snop;
	(pc) =	sbr.rel @p0 .LBB2_10-.Ltmp4, $4  }
0x13f: {  	s26 =	sadd.s32 s6, s26;
	_ =	swait.ge [sflag:s16], $0x80  }
0x140: {  	s26 =	sshll.u32 s26, $0x4;
	[sflag:s16] =	ssyncset.done $0x0  }
0x141: {  	s21 =	sadd.s32 $0x100, s21;
	s26 =	sadd.s32 s7, s26;
	[sflag:s16] =	ssyncadd.s32 $0xFFFFFF80  }
0x142: {  	[tilespmem:s17], [sflag:$0x4] =	stream.linear.gather [hbm4b:s26+s2], $0x4000, $0x38;
	[tilespmem:$0x1EA00] =	vst v63  }
0x143: {  	_ =	swait.ge [sflag:s18], $0x4000  }
0x144: {  	[sflag:s18] =	ssyncset.done $0x0  }
0x145: {  	[sflag:s18] =	ssyncadd.s32 $0xFFFFC000  }
0x146: {  	_ =	swait.ge [sflag:s19], $0x4000  }
0x147: {  	[sflag:s19] =	ssyncset.done $0x0  }
0x148: {  	[sflag:s19] =	ssyncadd.s32 $0xFFFFC000  }
0x149: {  	[bflag:$0x0] =	sbarrier.arrive $0xFFFF  }
0x14a: {  	s21 =	rddreg [dreg:$0x9]  }
0x14b: {  	[hbm:s21], [sflag:s12] =	dma.local [spmem:s20], $0x2800  }
0x14c: {  	_ =	swait.ge [sflag:s30], $0x2800  }
0x14d: {  	[sflag:s30] =	ssyncset.done $0x0  }
0x14e: {  	s21 =	rddreg [dreg:$0xa];
	[sflag:s30] =	ssyncadd.s32 $0xFFFFD800  }
0x14f: {  	[hbm4b:s21+s2] =	stream.linear.scatter [tilespmem:s13], [sflag:$0x5], $0x2800, $0x38;
	[tilespmem:$0x1EA00] =	vst v63  }
0x150: {  	_ =	swait.ge [sflag:s30], $0x2800  }
0x151: {  	s10 =	sadd.s32 $0x1, s10;
	s26 =	rddreg [dreg:$0xb]  }
0x152: {  	p0 =	sne.s32 s10, s26  }
.Ltmp5:
0x153: {  	_ = 	snop;
	(pc) =	sbr.rel @p0 .LBB2_1-.Ltmp5, $3  }
0x154: {  	_ =	sdelay $0x1  }
0x155: {  	[sflag:s30] =	ssyncset.done $0x0  }
0x156: {  	s28 =	smov.u32 s14;
	[sflag:s30] =	ssyncadd.s32 $0xFFFFD800;
	s26 =	smov.u32 s11  }
0x157: {  	_ =	sfence.sel $0x180000  }
0x158: {  	[bflag:$0x0] =	sbarrier.arrive $0xFFFF  }
0x159: {  	_ =	strace $0x90000047  }
0x15a: {  	s0 =	stileid.u32;
	[bflag:$0x2] =	sbarrier.arrive $0xFFFF  }
0x15b: {  	p0 =	sne.s32 s0, $0x0;
	s0 =	rddreg [dreg:$0x3]  }
0x15c: {  	s0 =	sadd.s32 @!p0 $0x100000, s0  }
0x15d: {  	[sflag:s0] =	ssyncadd.tile.s32 @!p0 $0x1;
	_ =	shalt  }
.Lfunc_end2:
_tile_overlayer_lowered:
.L_overlay_start_2:
0x15e: {  	(tag) =	ssettag $0x2  }
0x15f: {  	s0 =	rddreg [dreg:$0x0];
	s2 =	stileid.u32  }
0x160: {  	s1 =	rddreg [dreg:$0x1];
	p0 =	sne.s32 s2, $0x0  }
0x161: {  	s3 =	rddreg [dreg:$0x2];
	[bflag:$0x3] =	sbarrier.arrive $0xFFFF;
	s2 =	simm.s32 @!p0 $0x1C05  }
0x162: {  	[timem:s3], [sflag:s2] =	dma.local @!p0 [hbm:s0], s1  }
0x163: {  	s0 =	simm.s32 @!p0 $0x5  }
0x164: {  	_ =	swait.ge @!p0 [sflag:s0], s1  }
0x165: {  	s1 =	ssub.s32 @!p0 $0x0, s1;
	[sflag:s0] =	ssyncset.done @!p0 $0x0  }
0x166: {  	[sflag:s0] =	ssyncadd.s32 @!p0 s1  }
0x167: {  	[bflag:$0x3] =	sbarrier.arrive $0xFFFF  }
0x168: {  	_ =	shalt  }

</sc_bundles>
